<compile_context>
chip_gen: v7x
topology: tpu7x:2x2x1
jax: 0.10.2.dev20260603
libtpu: 0.0.44.dev20260713+nightly
codegen_flags: <defaults>
</compile_context>

<pallas_src>
import jax
import jax.numpy as jnp
from jax import lax
from jax.experimental import pallas as pl
from jax.experimental.pallas import tpu as pltpu
from jax.experimental.pallas import tpu_sc as plsc

B_TOTAL = 4096 * 50
EMBED = 128
NW = 32
CHUNK = 256
PER_W = B_TOTAL // NW
N_CHUNKS = PER_W // CHUNK
NBUF = 3


def _embed_kernel(ids_hbm, table_hbm, out_hbm, idx_v, rows_v, *sems):
    gsems, osems = sems[:NBUF], sems[NBUF:]
    wid = lax.axis_index("s") * 2 + lax.axis_index("c")
    base = wid * PER_W
    pltpu.sync_copy(ids_hbm.at[pl.ds(base, PER_W)], idx_v)

    def gather(j, b):
        return pltpu.make_async_copy(
            table_hbm.at[idx_v.at[pl.ds(j * CHUNK, CHUNK)]],
            rows_v.at[b],
            gsems[b],
        )

    def writeback(j, b):
        return pltpu.make_async_copy(
            rows_v.at[b],
            out_hbm.at[pl.ds(base + j * CHUNK, CHUNK)],
            osems[b],
        )

    for j in range(NBUF):
        gather(j, j).start()
    for j in range(N_CHUNKS):
        b = j % NBUF
        gather(j, b).wait()
        writeback(j, b).start()
        if j + NBUF < N_CHUNKS:
            writeback(j, b).wait()
            gather(j + NBUF, b).start()
    for j in range(N_CHUNKS - NBUF, N_CHUNKS):
        writeback(j, j % NBUF).wait()


@jax.jit
def _embed(ids_flat, table):
    mesh = plsc.VectorSubcoreMesh(core_axis_name="c", subcore_axis_name="s")
    return pl.kernel(
        _embed_kernel,
        out_type=jax.ShapeDtypeStruct((B_TOTAL, EMBED), jnp.float32),
        mesh=mesh,
        scratch_types=[
            pltpu.VMEM((PER_W,), jnp.int32),
            pltpu.VMEM((NBUF, CHUNK, EMBED), jnp.float32),
        ]
        + [pltpu.SemaphoreType.DMA] * (2 * NBUF),
    )(ids_flat, table)


def kernel(ids, W):
    batch, seq = ids.shape
    ids_t = ids.T.reshape(B_TOTAL).astype(jnp.int32)
    out = _embed(ids_t, W)
    return out.reshape(seq, batch, EMBED).transpose(1, 0, 2)

# --- scband reference (transcript-rebuilt; emitter-appended) ---
"""Pipeline reference for scband-id-embedder-88441966559596 (READ-ONLY COPY).

The authoritative reference and input builder live on the scoring server;
editing this copy changes nothing except your own understanding.
"""

import jax, jax.numpy as jnp
import numpy as np

DATA_DIM = 100000
EMBED_DIM = 128

def setup_inputs(seed: int = 0) -> dict:
    key = jax.random.key(seed)
    k_ids, k_w = jax.random.split(key)
    ids = jax.random.randint(k_ids, (4096, 50), 0, DATA_DIM, dtype=jnp.int64)
    # nn.Embedding weight: (data_dim + 1, embed_dim), init ~ N(0, 1)
    W = jax.random.normal(k_w, (DATA_DIM + 1, EMBED_DIM), dtype=jnp.float32)
    return {"ids": ids, "W": W}

def reference(ids, W):
    if ids.ndim == 0:
        ids = ids[None]
    return jnp.take(W, ids, axis=0)

if __name__ == "__main__":
    import jax
    _d = setup_inputs()
    print(jax.jit(kernel)(*tuple(_d.values())))

</pallas_src>

<mosaic_0001>
#map = affine_map<(d0, d1) -> (0)>
#map1 = affine_map<(d0, d1) -> (0, 0)>
module attributes {stable_mosaic.version = 14 : i64} {
  func.func @_embed_kernel(%arg0: i32, %arg1: i32, %arg2: memref<204800xi32, #tpu.memory_space<hbm>>, %arg3: memref<100001x128xf32, #tpu.memory_space<hbm>>, %arg4: memref<204800x128xf32, #tpu.memory_space<hbm>>, %arg5: memref<6400xi32, #tpu.memory_space<vmem>>, %arg6: memref<3x256x128xf32, #tpu.memory_space<vmem>>, %arg7: memref<!tpu.dma_semaphore, #tpu.memory_space<semaphore_mem>>, %arg8: memref<!tpu.dma_semaphore, #tpu.memory_space<semaphore_mem>>, %arg9: memref<!tpu.dma_semaphore, #tpu.memory_space<semaphore_mem>>, %arg10: memref<!tpu.dma_semaphore, #tpu.memory_space<semaphore_mem>>, %arg11: memref<!tpu.dma_semaphore, #tpu.memory_space<semaphore_mem>>, %arg12: memref<!tpu.dma_semaphore, #tpu.memory_space<semaphore_mem>>) attributes {dimension_semantics = [#tpu.dimension_semantics<core_parallel>, #tpu.dimension_semantics<subcore_parallel>], iteration_bounds = array<i64: 2, 16>, scalar_prefetch = 0 : i64, scratch_operands = 8 : i64, tpu.core_type = #tpu.core_type<sc_vector_subcore>, window_params = [{transform_indices = #map}, {transform_indices = #map1}, {transform_indices = #map1}]} {
    %mul3A = arith.constant 2 : i32
    %mul3A_0 = arith.muli %arg1, %mul3A : i32
    %add3A = arith.addi %mul3A_0, %arg0 : i32
    %mul3A_1 = arith.constant 6400 : i32
    %mul3A_2 = arith.muli %add3A, %mul3A_1 : i32
    "tpu.region"() ({
      %run_scoped3A = tpu.sem_alloc : memref<!tpu.dma_semaphore, #tpu.memory_space<semaphore_mem>>
      %dma_start3A_1251 = tpu.memref_slice %arg2[%mul3A_2] : memref<204800xi32, #tpu.memory_space<hbm>> -> memref<6400xi32, #tpu.memory_space<hbm>>
      %dma_start3A_1252 = tpu.memref_slice %arg2[%mul3A_2] : memref<204800xi32, #tpu.memory_space<hbm>> -> memref<6400xi32, #tpu.memory_space<hbm>>
      tpu.enqueue_dma source(%dma_start3A_1252 : memref<6400xi32, #tpu.memory_space<hbm>>) target(%arg5 : memref<6400xi32, #tpu.memory_space<vmem>>) target_semaphore(%run_scoped3A : memref<!tpu.dma_semaphore, #tpu.memory_space<semaphore_mem>>)
      %dma_wait3A_1253 = tpu.memref_slice %arg2[%mul3A_2] : memref<204800xi32, #tpu.memory_space<hbm>> -> memref<6400xi32, #tpu.memory_space<hbm>>
      %dma_wait3A_1254 = tpu.memref_slice %arg2[%mul3A_2] : memref<204800xi32, #tpu.memory_space<hbm>> -> memref<6400xi32, #tpu.memory_space<hbm>>
      tpu.wait_dma2 semaphore(%run_scoped3A : memref<!tpu.dma_semaphore, #tpu.memory_space<semaphore_mem>>) src(%dma_wait3A_1254 : memref<6400xi32, #tpu.memory_space<hbm>>) dst(%arg5 : memref<6400xi32, #tpu.memory_space<vmem>>)
      tpu.yield
    }) : () -> ()
    %dma_start3A = arith.constant 0 : i32
    %dma_start3A_3 = arith.constant 0 : i32
    %dma_start3A_4 = arith.constant 0 : i32
    %dma_start3A_5 = tpu.memref_slice %arg6[%dma_start3A, %dma_start3A_3, %dma_start3A_4] : memref<3x256x128xf32, #tpu.memory_space<vmem>> -> memref<1x256x128xf32, #tpu.memory_space<vmem>>
    %dma_start3A_6 = tpu.memref_squeeze %dma_start3A_5 : memref<1x256x128xf32, #tpu.memory_space<vmem>> -> memref<256x128xf32, #tpu.memory_space<vmem>>
    %dma_start3A_7 = arith.constant 0 : i32
    %dma_start3A_8 = tpu.memref_slice %arg5[%dma_start3A_7] : memref<6400xi32, #tpu.memory_space<vmem>> -> memref<256xi32, #tpu.memory_space<vmem>>
    %dma_start3A_9 = arith.constant 0 : i32
    %dma_start3A_10 = arith.constant 0 : i32
    %dma_start3A_11 = tpu.memref_slice %arg3[%dma_start3A_9, %dma_start3A_10] : memref<100001x128xf32, #tpu.memory_space<hbm>> -> memref<100001x128xf32, #tpu.memory_space<hbm>>
    tpu.enqueue_indirect_dma source(%dma_start3A_11 : memref<100001x128xf32, #tpu.memory_space<hbm>>) target(%dma_start3A_6 : memref<256x128xf32, #tpu.memory_space<vmem>>) offsets(%dma_start3A_8 : memref<256xi32, #tpu.memory_space<vmem>>) semaphore(%arg7 : memref<!tpu.dma_semaphore, #tpu.memory_space<semaphore_mem>>)
    %dma_start3A_12 = arith.constant 1 : i32
    %dma_start3A_13 = arith.constant 0 : i32
    %dma_start3A_14 = arith.constant 0 : i32
    %dma_start3A_15 = tpu.memref_slice %arg6[%dma_start3A_12, %dma_start3A_13, %dma_start3A_14] : memref<3x256x128xf32, #tpu.memory_space<vmem>> -> memref<1x256x128xf32, #tpu.memory_space<vmem>>
    %dma_start3A_16 = tpu.memref_squeeze %dma_start3A_15 : memref<1x256x128xf32, #tpu.memory_space<vmem>> -> memref<256x128xf32, #tpu.memory_space<vmem>>
    %dma_start3A_17 = arith.constant 256 : i32
    %dma_start3A_18 = tpu.memref_slice %arg5[%dma_start3A_17] : memref<6400xi32, #tpu.memory_space<vmem>> -> memref<256xi32, #tpu.memory_space<vmem>>
    %dma_start3A_19 = arith.constant 0 : i32
    %dma_start3A_20 = arith.constant 0 : i32
    %dma_start3A_21 = tpu.memref_slice %arg3[%dma_start3A_19, %dma_start3A_20] : memref<100001x128xf32, #tpu.memory_space<hbm>> -> memref<100001x128xf32, #tpu.memory_space<hbm>>
    tpu.enqueue_indirect_dma source(%dma_start3A_21 : memref<100001x128xf32, #tpu.memory_space<hbm>>) target(%dma_start3A_16 : memref<256x128xf32, #tpu.memory_space<vmem>>) offsets(%dma_start3A_18 : memref<256xi32, #tpu.memory_space<vmem>>) semaphore(%arg8 : memref<!tpu.dma_semaphore, #tpu.memory_space<semaphore_mem>>)
    %dma_start3A_22 = arith.constant 2 : i32
    %dma_start3A_23 = arith.constant 0 : i32
    %dma_start3A_24 = arith.constant 0 : i32
    %dma_start3A_25 = tpu.memref_slice %arg6[%dma_start3A_22, %dma_start3A_23, %dma_start3A_24] : memref<3x256x128xf32, #tpu.memory_space<vmem>> -> memref<1x256x128xf32, #tpu.memory_space<vmem>>
    %dma_start3A_26 = tpu.memref_squeeze %dma_start3A_25 : memref<1x256x128xf32, #tpu.memory_space<vmem>> -> memref<256x128xf32, #tpu.memory_space<vmem>>
    %dma_start3A_27 = arith.constant 512 : i32
    %dma_start3A_28 = tpu.memref_slice %arg5[%dma_start3A_27] : memref<6400xi32, #tpu.memory_space<vmem>> -> memref<256xi32, #tpu.memory_space<vmem>>
    %dma_start3A_29 = arith.constant 0 : i32
    %dma_start3A_30 = arith.constant 0 : i32
    %dma_start3A_31 = tpu.memref_slice %arg3[%dma_start3A_29, %dma_start3A_30] : memref<100001x128xf32, #tpu.memory_space<hbm>> -> memref<100001x128xf32, #tpu.memory_space<hbm>>
    tpu.enqueue_indirect_dma source(%dma_start3A_31 : memref<100001x128xf32, #tpu.memory_space<hbm>>) target(%dma_start3A_26 : memref<256x128xf32, #tpu.memory_space<vmem>>) offsets(%dma_start3A_28 : memref<256xi32, #tpu.memory_space<vmem>>) semaphore(%arg9 : memref<!tpu.dma_semaphore, #tpu.memory_space<semaphore_mem>>)
    %dma_wait3A = arith.constant 0 : i32
    %dma_wait3A_32 = arith.constant 0 : i32
    %dma_wait3A_33 = arith.constant 0 : i32
    %dma_wait3A_34 = tpu.memref_slice %arg6[%dma_wait3A, %dma_wait3A_32, %dma_wait3A_33] : memref<3x256x128xf32, #tpu.memory_space<vmem>> -> memref<1x256x128xf32, #tpu.memory_space<vmem>>
    %dma_wait3A_35 = tpu.memref_squeeze %dma_wait3A_34 : memref<1x256x128xf32, #tpu.memory_space<vmem>> -> memref<256x128xf32, #tpu.memory_space<vmem>>
    %dma_wait3A_36 = arith.constant 0 : i32
    %dma_wait3A_37 = tpu.memref_slice %arg5[%dma_wait3A_36] : memref<6400xi32, #tpu.memory_space<vmem>> -> memref<256xi32, #tpu.memory_space<vmem>>
    %dma_wait3A_38 = arith.constant 0 : i32
    %dma_wait3A_39 = arith.constant 0 : i32
    %dma_wait3A_40 = tpu.memref_slice %arg3[%dma_wait3A_38, %dma_wait3A_39] : memref<100001x128xf32, #tpu.memory_space<hbm>> -> memref<100001x128xf32, #tpu.memory_space<hbm>>
    tpu.wait_indirect_dma semaphore(%arg7 : memref<!tpu.dma_semaphore, #tpu.memory_space<semaphore_mem>>) src(%dma_wait3A_40 : memref<100001x128xf32, #tpu.memory_space<hbm>>) dst(%dma_wait3A_35 : memref<256x128xf32, #tpu.memory_space<vmem>>)
    %add3A_41 = arith.constant 0 : i32
    %add3A_42 = arith.addi %mul3A_2, %add3A_41 : i32
    %dma_start3A_43 = arith.constant 0 : i32
    %dma_start3A_44 = arith.constant 0 : i32
    %dma_start3A_45 = arith.constant 0 : i32
    %dma_start3A_46 = tpu.memref_slice %arg6[%dma_start3A_43, %dma_start3A_44, %dma_start3A_45] : memref<3x256x128xf32, #tpu.memory_space<vmem>> -> memref<1x256x128xf32, #tpu.memory_space<vmem>>
    %dma_start3A_47 = tpu.memref_squeeze %dma_start3A_46 : memref<1x256x128xf32, #tpu.memory_space<vmem>> -> memref<256x128xf32, #tpu.memory_space<vmem>>
    %dma_start3A_48 = arith.constant 0 : i32
    %dma_start3A_49 = tpu.memref_slice %arg4[%add3A_42, %dma_start3A_48] : memref<204800x128xf32, #tpu.memory_space<hbm>> -> memref<256x128xf32, #tpu.memory_space<hbm>>
    %dma_start3A_50 = arith.constant 0 : i32
    %dma_start3A_51 = tpu.memref_slice %arg4[%add3A_42, %dma_start3A_50] : memref<204800x128xf32, #tpu.memory_space<hbm>> -> memref<256x128xf32, #tpu.memory_space<hbm>>
    %dma_start3A_52 = arith.constant 0 : i32
    %dma_start3A_53 = arith.constant 0 : i32
    %dma_start3A_54 = tpu.memref_slice %arg6[%dma_start3A_43, %dma_start3A_52, %dma_start3A_53] : memref<3x256x128xf32, #tpu.memory_space<vmem>> -> memref<1x256x128xf32, #tpu.memory_space<vmem>>
    %dma_start3A_55 = tpu.memref_squeeze %dma_start3A_54 : memref<1x256x128xf32, #tpu.memory_space<vmem>> -> memref<256x128xf32, #tpu.memory_space<vmem>>
    tpu.enqueue_dma source(%dma_start3A_55 : memref<256x128xf32, #tpu.memory_space<vmem>>) target(%dma_start3A_51 : memref<256x128xf32, #tpu.memory_space<hbm>>) target_semaphore(%arg10 : memref<!tpu.dma_semaphore, #tpu.memory_space<semaphore_mem>>)
    %add3A_56 = arith.constant 0 : i32
    %add3A_57 = arith.addi %mul3A_2, %add3A_56 : i32
    %dma_wait3A_58 = arith.constant 0 : i32
    %dma_wait3A_59 = arith.constant 0 : i32
    %dma_wait3A_60 = arith.constant 0 : i32
    %dma_wait3A_61 = tpu.memref_slice %arg6[%dma_wait3A_58, %dma_wait3A_59, %dma_wait3A_60] : memref<3x256x128xf32, #tpu.memory_space<vmem>> -> memref<1x256x128xf32, #tpu.memory_space<vmem>>
    %dma_wait3A_62 = tpu.memref_squeeze %dma_wait3A_61 : memref<1x256x128xf32, #tpu.memory_space<vmem>> -> memref<256x128xf32, #tpu.memory_space<vmem>>
    %dma_wait3A_63 = arith.constant 0 : i32
    %dma_wait3A_64 = tpu.memref_slice %arg4[%add3A_57, %dma_wait3A_63] : memref<204800x128xf32, #tpu.memory_space<hbm>> -> memref<256x128xf32, #tpu.memory_space<hbm>>
    %dma_wait3A_65 = arith.constant 0 : i32
    %dma_wait3A_66 = tpu.memref_slice %arg4[%add3A_57, %dma_wait3A_65] : memref<204800x128xf32, #tpu.memory_space<hbm>> -> memref<256x128xf32, #tpu.memory_space<hbm>>
    %dma_wait3A_67 = arith.constant 0 : i32
    %dma_wait3A_68 = arith.constant 0 : i32
    %dma_wait3A_69 = tpu.memref_slice %arg6[%dma_wait3A_58, %dma_wait3A_67, %dma_wait3A_68] : memref<3x256x128xf32, #tpu.memory_space<vmem>> -> memref<1x256x128xf32, #tpu.memory_space<vmem>>
    %dma_wait3A_70 = tpu.memref_squeeze %dma_wait3A_69 : memref<1x256x128xf32, #tpu.memory_space<vmem>> -> memref<256x128xf32, #tpu.memory_space<vmem>>
    tpu.wait_dma2 semaphore(%arg10 : memref<!tpu.dma_semaphore, #tpu.memory_space<semaphore_mem>>) src(%dma_wait3A_70 : memref<256x128xf32, #tpu.memory_space<vmem>>) dst(%dma_wait3A_66 : memref<256x128xf32, #tpu.memory_space<hbm>>)
    %dma_start3A_71 = arith.constant 0 : i32
    %dma_start3A_72 = arith.constant 0 : i32
    %dma_start3A_73 = arith.constant 0 : i32
    %dma_start3A_74 = tpu.memref_slice %arg6[%dma_start3A_71, %dma_start3A_72, %dma_start3A_73] : memref<3x256x128xf32, #tpu.memory_space<vmem>> -> memref<1x256x128xf32, #tpu.memory_space<vmem>>
    %dma_start3A_75 = tpu.memref_squeeze %dma_start3A_74 : memref<1x256x128xf32, #tpu.memory_space<vmem>> -> memref<256x128xf32, #tpu.memory_space<vmem>>
    %dma_start3A_76 = arith.constant 768 : i32
    %dma_start3A_77 = tpu.memref_slice %arg5[%dma_start3A_76] : memref<6400xi32, #tpu.memory_space<vmem>> -> memref<256xi32, #tpu.memory_space<vmem>>
    %dma_start3A_78 = arith.constant 0 : i32
    %dma_start3A_79 = arith.constant 0 : i32
    %dma_start3A_80 = tpu.memref_slice %arg3[%dma_start3A_78, %dma_start3A_79] : memref<100001x128xf32, #tpu.memory_space<hbm>> -> memref<100001x128xf32, #tpu.memory_space<hbm>>
    tpu.enqueue_indirect_dma source(%dma_start3A_80 : memref<100001x128xf32, #tpu.memory_space<hbm>>) target(%dma_start3A_75 : memref<256x128xf32, #tpu.memory_space<vmem>>) offsets(%dma_start3A_77 : memref<256xi32, #tpu.memory_space<vmem>>) semaphore(%arg7 : memref<!tpu.dma_semaphore, #tpu.memory_space<semaphore_mem>>)
    %dma_wait3A_81 = arith.constant 1 : i32
    %dma_wait3A_82 = arith.constant 0 : i32
    %dma_wait3A_83 = arith.constant 0 : i32
    %dma_wait3A_84 = tpu.memref_slice %arg6[%dma_wait3A_81, %dma_wait3A_82, %dma_wait3A_83] : memref<3x256x128xf32, #tpu.memory_space<vmem>> -> memref<1x256x128xf32, #tpu.memory_space<vmem>>
    %dma_wait3A_85 = tpu.memref_squeeze %dma_wait3A_84 : memref<1x256x128xf32, #tpu.memory_space<vmem>> -> memref<256x128xf32, #tpu.memory_space<vmem>>
    %dma_wait3A_86 = arith.constant 256 : i32
    %dma_wait3A_87 = tpu.memref_slice %arg5[%dma_wait3A_86] : memref<6400xi32, #tpu.memory_space<vmem>> -> memref<256xi32, #tpu.memory_space<vmem>>
    %dma_wait3A_88 = arith.constant 0 : i32
    %dma_wait3A_89 = arith.constant 0 : i32
    %dma_wait3A_90 = tpu.memref_slice %arg3[%dma_wait3A_88, %dma_wait3A_89] : memref<100001x128xf32, #tpu.memory_space<hbm>> -> memref<100001x128xf32, #tpu.memory_space<hbm>>
    tpu.wait_indirect_dma semaphore(%arg8 : memref<!tpu.dma_semaphore, #tpu.memory_space<semaphore_mem>>) src(%dma_wait3A_90 : memref<100001x128xf32, #tpu.memory_space<hbm>>) dst(%dma_wait3A_85 : memref<256x128xf32, #tpu.memory_space<vmem>>)
    %add3A_91 = arith.constant 256 : i32
    %add3A_92 = arith.addi %mul3A_2, %add3A_91 : i32
    %dma_start3A_93 = arith.constant 1 : i32
    %dma_start3A_94 = arith.constant 0 : i32
    %dma_start3A_95 = arith.constant 0 : i32
    %dma_start3A_96 = tpu.memref_slice %arg6[%dma_start3A_93, %dma_start3A_94, %dma_start3A_95] : memref<3x256x128xf32, #tpu.memory_space<vmem>> -> memref<1x256x128xf32, #tpu.memory_space<vmem>>
    %dma_start3A_97 = tpu.memref_squeeze %dma_start3A_96 : memref<1x256x128xf32, #tpu.memory_space<vmem>> -> memref<256x128xf32, #tpu.memory_space<vmem>>
    %dma_start3A_98 = arith.constant 0 : i32
    %dma_start3A_99 = tpu.memref_slice %arg4[%add3A_92, %dma_start3A_98] : memref<204800x128xf32, #tpu.memory_space<hbm>> -> memref<256x128xf32, #tpu.memory_space<hbm>>
    %dma_start3A_100 = arith.constant 0 : i32
    %dma_start3A_101 = tpu.memref_slice %arg4[%add3A_92, %dma_start3A_100] : memref<204800x128xf32, #tpu.memory_space<hbm>> -> memref<256x128xf32, #tpu.memory_space<hbm>>
    %dma_start3A_102 = arith.constant 0 : i32
    %dma_start3A_103 = arith.constant 0 : i32
    %dma_start3A_104 = tpu.memref_slice %arg6[%dma_start3A_93, %dma_start3A_102, %dma_start3A_103] : memref<3x256x128xf32, #tpu.memory_space<vmem>> -> memref<1x256x128xf32, #tpu.memory_space<vmem>>
    %dma_start3A_105 = tpu.memref_squeeze %dma_start3A_104 : memref<1x256x128xf32, #tpu.memory_space<vmem>> -> memref<256x128xf32, #tpu.memory_space<vmem>>
    tpu.enqueue_dma source(%dma_start3A_105 : memref<256x128xf32, #tpu.memory_space<vmem>>) target(%dma_start3A_101 : memref<256x128xf32, #tpu.memory_space<hbm>>) target_semaphore(%arg11 : memref<!tpu.dma_semaphore, #tpu.memory_space<semaphore_mem>>)
    %add3A_106 = arith.constant 256 : i32
    %add3A_107 = arith.addi %mul3A_2, %add3A_106 : i32
    %dma_wait3A_108 = arith.constant 1 : i32
    %dma_wait3A_109 = arith.constant 0 : i32
    %dma_wait3A_110 = arith.constant 0 : i32
    %dma_wait3A_111 = tpu.memref_slice %arg6[%dma_wait3A_108, %dma_wait3A_109, %dma_wait3A_110] : memref<3x256x128xf32, #tpu.memory_space<vmem>> -> memref<1x256x128xf32, #tpu.memory_space<vmem>>
    %dma_wait3A_112 = tpu.memref_squeeze %dma_wait3A_111 : memref<1x256x128xf32, #tpu.memory_space<vmem>> -> memref<256x128xf32, #tpu.memory_space<vmem>>
    %dma_wait3A_113 = arith.constant 0 : i32
    %dma_wait3A_114 = tpu.memref_slice %arg4[%add3A_107, %dma_wait3A_113] : memref<204800x128xf32, #tpu.memory_space<hbm>> -> memref<256x128xf32, #tpu.memory_space<hbm>>
    %dma_wait3A_115 = arith.constant 0 : i32
    %dma_wait3A_116 = tpu.memref_slice %arg4[%add3A_107, %dma_wait3A_115] : memref<204800x128xf32, #tpu.memory_space<hbm>> -> memref<256x128xf32, #tpu.memory_space<hbm>>
    %dma_wait3A_117 = arith.constant 0 : i32
    %dma_wait3A_118 = arith.constant 0 : i32
    %dma_wait3A_119 = tpu.memref_slice %arg6[%dma_wait3A_108, %dma_wait3A_117, %dma_wait3A_118] : memref<3x256x128xf32, #tpu.memory_space<vmem>> -> memref<1x256x128xf32, #tpu.memory_space<vmem>>
    %dma_wait3A_120 = tpu.memref_squeeze %dma_wait3A_119 : memref<1x256x128xf32, #tpu.memory_space<vmem>> -> memref<256x128xf32, #tpu.memory_space<vmem>>
    tpu.wait_dma2 semaphore(%arg11 : memref<!tpu.dma_semaphore, #tpu.memory_space<semaphore_mem>>) src(%dma_wait3A_120 : memref<256x128xf32, #tpu.memory_space<vmem>>) dst(%dma_wait3A_116 : memref<256x128xf32, #tpu.memory_space<hbm>>)
    %dma_start3A_121 = arith.constant 1 : i32
    %dma_start3A_122 = arith.constant 0 : i32
    %dma_start3A_123 = arith.constant 0 : i32
    %dma_start3A_124 = tpu.memref_slice %arg6[%dma_start3A_121, %dma_start3A_122, %dma_start3A_123] : memref<3x256x128xf32, #tpu.memory_space<vmem>> -> memref<1x256x128xf32, #tpu.memory_space<vmem>>
    %dma_start3A_125 = tpu.memref_squeeze %dma_start3A_124 : memref<1x256x128xf32, #tpu.memory_space<vmem>> -> memref<256x128xf32, #tpu.memory_space<vmem>>
    %dma_start3A_126 = arith.constant 1024 : i32
    %dma_start3A_127 = tpu.memref_slice %arg5[%dma_start3A_126] : memref<6400xi32, #tpu.memory_space<vmem>> -> memref<256xi32, #tpu.memory_space<vmem>>
    %dma_start3A_128 = arith.constant 0 : i32
    %dma_start3A_129 = arith.constant 0 : i32
    %dma_start3A_130 = tpu.memref_slice %arg3[%dma_start3A_128, %dma_start3A_129] : memref<100001x128xf32, #tpu.memory_space<hbm>> -> memref<100001x128xf32, #tpu.memory_space<hbm>>
    tpu.enqueue_indirect_dma source(%dma_start3A_130 : memref<100001x128xf32, #tpu.memory_space<hbm>>) target(%dma_start3A_125 : memref<256x128xf32, #tpu.memory_space<vmem>>) offsets(%dma_start3A_127 : memref<256xi32, #tpu.memory_space<vmem>>) semaphore(%arg8 : memref<!tpu.dma_semaphore, #tpu.memory_space<semaphore_mem>>)
    %dma_wait3A_131 = arith.constant 2 : i32
    %dma_wait3A_132 = arith.constant 0 : i32
    %dma_wait3A_133 = arith.constant 0 : i32
    %dma_wait3A_134 = tpu.memref_slice %arg6[%dma_wait3A_131, %dma_wait3A_132, %dma_wait3A_133] : memref<3x256x128xf32, #tpu.memory_space<vmem>> -> memref<1x256x128xf32, #tpu.memory_space<vmem>>
    %dma_wait3A_135 = tpu.memref_squeeze %dma_wait3A_134 : memref<1x256x128xf32, #tpu.memory_space<vmem>> -> memref<256x128xf32, #tpu.memory_space<vmem>>
    %dma_wait3A_136 = arith.constant 512 : i32
    %dma_wait3A_137 = tpu.memref_slice %arg5[%dma_wait3A_136] : memref<6400xi32, #tpu.memory_space<vmem>> -> memref<256xi32, #tpu.memory_space<vmem>>
    %dma_wait3A_138 = arith.constant 0 : i32
    %dma_wait3A_139 = arith.constant 0 : i32
    %dma_wait3A_140 = tpu.memref_slice %arg3[%dma_wait3A_138, %dma_wait3A_139] : memref<100001x128xf32, #tpu.memory_space<hbm>> -> memref<100001x128xf32, #tpu.memory_space<hbm>>
    tpu.wait_indirect_dma semaphore(%arg9 : memref<!tpu.dma_semaphore, #tpu.memory_space<semaphore_mem>>) src(%dma_wait3A_140 : memref<100001x128xf32, #tpu.memory_space<hbm>>) dst(%dma_wait3A_135 : memref<256x128xf32, #tpu.memory_space<vmem>>)
    %add3A_141 = arith.constant 512 : i32
    %add3A_142 = arith.addi %mul3A_2, %add3A_141 : i32
    %dma_start3A_143 = arith.constant 2 : i32
    %dma_start3A_144 = arith.constant 0 : i32
    %dma_start3A_145 = arith.constant 0 : i32
    %dma_start3A_146 = tpu.memref_slice %arg6[%dma_start3A_143, %dma_start3A_144, %dma_start3A_145] : memref<3x256x128xf32, #tpu.memory_space<vmem>> -> memref<1x256x128xf32, #tpu.memory_space<vmem>>
    %dma_start3A_147 = tpu.memref_squeeze %dma_start3A_146 : memref<1x256x128xf32, #tpu.memory_space<vmem>> -> memref<256x128xf32, #tpu.memory_space<vmem>>
    %dma_start3A_148 = arith.constant 0 : i32
    %dma_start3A_149 = tpu.memref_slice %arg4[%add3A_142, %dma_start3A_148] : memref<204800x128xf32, #tpu.memory_space<hbm>> -> memref<256x128xf32, #tpu.memory_space<hbm>>
    %dma_start3A_150 = arith.constant 0 : i32
    %dma_start3A_151 = tpu.memref_slice %arg4[%add3A_142, %dma_start3A_150] : memref<204800x128xf32, #tpu.memory_space<hbm>> -> memref<256x128xf32, #tpu.memory_space<hbm>>
    %dma_start3A_152 = arith.constant 0 : i32
    %dma_start3A_153 = arith.constant 0 : i32
    %dma_start3A_154 = tpu.memref_slice %arg6[%dma_start3A_143, %dma_start3A_152, %dma_start3A_153] : memref<3x256x128xf32, #tpu.memory_space<vmem>> -> memref<1x256x128xf32, #tpu.memory_space<vmem>>
    %dma_start3A_155 = tpu.memref_squeeze %dma_start3A_154 : memref<1x256x128xf32, #tpu.memory_space<vmem>> -> memref<256x128xf32, #tpu.memory_space<vmem>>
    tpu.enqueue_dma source(%dma_start3A_155 : memref<256x128xf32, #tpu.memory_space<vmem>>) target(%dma_start3A_151 : memref<256x128xf32, #tpu.memory_space<hbm>>) target_semaphore(%arg12 : memref<!tpu.dma_semaphore, #tpu.memory_space<semaphore_mem>>)
    %add3A_156 = arith.constant 512 : i32
    %add3A_157 = arith.addi %mul3A_2, %add3A_156 : i32
    %dma_wait3A_158 = arith.constant 2 : i32
    %dma_wait3A_159 = arith.constant 0 : i32
    %dma_wait3A_160 = arith.constant 0 : i32
    %dma_wait3A_161 = tpu.memref_slice %arg6[%dma_wait3A_158, %dma_wait3A_159, %dma_wait3A_160] : memref<3x256x128xf32, #tpu.memory_space<vmem>> -> memref<1x256x128xf32, #tpu.memory_space<vmem>>
    %dma_wait3A_162 = tpu.memref_squeeze %dma_wait3A_161 : memref<1x256x128xf32, #tpu.memory_space<vmem>> -> memref<256x128xf32, #tpu.memory_space<vmem>>
    %dma_wait3A_163 = arith.constant 0 : i32
    %dma_wait3A_164 = tpu.memref_slice %arg4[%add3A_157, %dma_wait3A_163] : memref<204800x128xf32, #tpu.memory_space<hbm>> -> memref<256x128xf32, #tpu.memory_space<hbm>>
    %dma_wait3A_165 = arith.constant 0 : i32
    %dma_wait3A_166 = tpu.memref_slice %arg4[%add3A_157, %dma_wait3A_165] : memref<204800x128xf32, #tpu.memory_space<hbm>> -> memref<256x128xf32, #tpu.memory_space<hbm>>
    %dma_wait3A_167 = arith.constant 0 : i32
    %dma_wait3A_168 = arith.constant 0 : i32
    %dma_wait3A_169 = tpu.memref_slice %arg6[%dma_wait3A_158, %dma_wait3A_167, %dma_wait3A_168] : memref<3x256x128xf32, #tpu.memory_space<vmem>> -> memref<1x256x128xf32, #tpu.memory_space<vmem>>
    %dma_wait3A_170 = tpu.memref_squeeze %dma_wait3A_169 : memref<1x256x128xf32, #tpu.memory_space<vmem>> -> memref<256x128xf32, #tpu.memory_space<vmem>>
    tpu.wait_dma2 semaphore(%arg12 : memref<!tpu.dma_semaphore, #tpu.memory_space<semaphore_mem>>) src(%dma_wait3A_170 : memref<256x128xf32, #tpu.memory_space<vmem>>) dst(%dma_wait3A_166 : memref<256x128xf32, #tpu.memory_space<hbm>>)
    %dma_start3A_171 = arith.constant 2 : i32
    %dma_start3A_172 = arith.constant 0 : i32
    %dma_start3A_173 = arith.constant 0 : i32
    %dma_start3A_174 = tpu.memref_slice %arg6[%dma_start3A_171, %dma_start3A_172, %dma_start3A_173] : memref<3x256x128xf32, #tpu.memory_space<vmem>> -> memref<1x256x128xf32, #tpu.memory_space<vmem>>
    %dma_start3A_175 = tpu.memref_squeeze %dma_start3A_174 : memref<1x256x128xf32, #tpu.memory_space<vmem>> -> memref<256x128xf32, #tpu.memory_space<vmem>>
    %dma_start3A_176 = arith.constant 1280 : i32
    %dma_start3A_177 = tpu.memref_slice %arg5[%dma_start3A_176] : memref<6400xi32, #tpu.memory_space<vmem>> -> memref<256xi32, #tpu.memory_space<vmem>>
    %dma_start3A_178 = arith.constant 0 : i32
    %dma_start3A_179 = arith.constant 0 : i32
    %dma_start3A_180 = tpu.memref_slice %arg3[%dma_start3A_178, %dma_start3A_179] : memref<100001x128xf32, #tpu.memory_space<hbm>> -> memref<100001x128xf32, #tpu.memory_space<hbm>>
    tpu.enqueue_indirect_dma source(%dma_start3A_180 : memref<100001x128xf32, #tpu.memory_space<hbm>>) target(%dma_start3A_175 : memref<256x128xf32, #tpu.memory_space<vmem>>) offsets(%dma_start3A_177 : memref<256xi32, #tpu.memory_space<vmem>>) semaphore(%arg9 : memref<!tpu.dma_semaphore, #tpu.memory_space<semaphore_mem>>)
    %dma_wait3A_181 = arith.constant 0 : i32
    %dma_wait3A_182 = arith.constant 0 : i32
    %dma_wait3A_183 = arith.constant 0 : i32
    %dma_wait3A_184 = tpu.memref_slice %arg6[%dma_wait3A_181, %dma_wait3A_182, %dma_wait3A_183] : memref<3x256x128xf32, #tpu.memory_space<vmem>> -> memref<1x256x128xf32, #tpu.memory_space<vmem>>
    %dma_wait3A_185 = tpu.memref_squeeze %dma_wait3A_184 : memref<1x256x128xf32, #tpu.memory_space<vmem>> -> memref<256x128xf32, #tpu.memory_space<vmem>>
    %dma_wait3A_186 = arith.constant 768 : i32
    %dma_wait3A_187 = tpu.memref_slice %arg5[%dma_wait3A_186] : memref<6400xi32, #tpu.memory_space<vmem>> -> memref<256xi32, #tpu.memory_space<vmem>>
    %dma_wait3A_188 = arith.constant 0 : i32
    %dma_wait3A_189 = arith.constant 0 : i32
    %dma_wait3A_190 = tpu.memref_slice %arg3[%dma_wait3A_188, %dma_wait3A_189] : memref<100001x128xf32, #tpu.memory_space<hbm>> -> memref<100001x128xf32, #tpu.memory_space<hbm>>
    tpu.wait_indirect_dma semaphore(%arg7 : memref<!tpu.dma_semaphore, #tpu.memory_space<semaphore_mem>>) src(%dma_wait3A_190 : memref<100001x128xf32, #tpu.memory_space<hbm>>) dst(%dma_wait3A_185 : memref<256x128xf32, #tpu.memory_space<vmem>>)
    %add3A_191 = arith.constant 768 : i32
    %add3A_192 = arith.addi %mul3A_2, %add3A_191 : i32
    %dma_start3A_193 = arith.constant 0 : i32
    %dma_start3A_194 = arith.constant 0 : i32
    %dma_start3A_195 = arith.constant 0 : i32
    %dma_start3A_196 = tpu.memref_slice %arg6[%dma_start3A_193, %dma_start3A_194, %dma_start3A_195] : memref<3x256x128xf32, #tpu.memory_space<vmem>> -> memref<1x256x128xf32, #tpu.memory_space<vmem>>
    %dma_start3A_197 = tpu.memref_squeeze %dma_start3A_196 : memref<1x256x128xf32, #tpu.memory_space<vmem>> -> memref<256x128xf32, #tpu.memory_space<vmem>>
    %dma_start3A_198 = arith.constant 0 : i32
    %dma_start3A_199 = tpu.memref_slice %arg4[%add3A_192, %dma_start3A_198] : memref<204800x128xf32, #tpu.memory_space<hbm>> -> memref<256x128xf32, #tpu.memory_space<hbm>>
    %dma_start3A_200 = arith.constant 0 : i32
    %dma_start3A_201 = tpu.memref_slice %arg4[%add3A_192, %dma_start3A_200] : memref<204800x128xf32, #tpu.memory_space<hbm>> -> memref<256x128xf32, #tpu.memory_space<hbm>>
    %dma_start3A_202 = arith.constant 0 : i32
    %dma_start3A_203 = arith.constant 0 : i32
    %dma_start3A_204 = tpu.memref_slice %arg6[%dma_start3A_193, %dma_start3A_202, %dma_start3A_203] : memref<3x256x128xf32, #tpu.memory_space<vmem>> -> memref<1x256x128xf32, #tpu.memory_space<vmem>>
    %dma_start3A_205 = tpu.memref_squeeze %dma_start3A_204 : memref<1x256x128xf32, #tpu.memory_space<vmem>> -> memref<256x128xf32, #tpu.memory_space<vmem>>
    tpu.enqueue_dma source(%dma_start3A_205 : memref<256x128xf32, #tpu.memory_space<vmem>>) target(%dma_start3A_201 : memref<256x128xf32, #tpu.memory_space<hbm>>) target_semaphore(%arg10 : memref<!tpu.dma_semaphore, #tpu.memory_space<semaphore_mem>>)
    %add3A_206 = arith.constant 768 : i32
    %add3A_207 = arith.addi %mul3A_2, %add3A_206 : i32
    %dma_wait3A_208 = arith.constant 0 : i32
    %dma_wait3A_209 = arith.constant 0 : i32
    %dma_wait3A_210 = arith.constant 0 : i32
    %dma_wait3A_211 = tpu.memref_slice %arg6[%dma_wait3A_208, %dma_wait3A_209, %dma_wait3A_210] : memref<3x256x128xf32, #tpu.memory_space<vmem>> -> memref<1x256x128xf32, #tpu.memory_space<vmem>>
    %dma_wait3A_212 = tpu.memref_squeeze %dma_wait3A_211 : memref<1x256x128xf32, #tpu.memory_space<vmem>> -> memref<256x128xf32, #tpu.memory_space<vmem>>
    %dma_wait3A_213 = arith.constant 0 : i32
    %dma_wait3A_214 = tpu.memref_slice %arg4[%add3A_207, %dma_wait3A_213] : memref<204800x128xf32, #tpu.memory_space<hbm>> -> memref<256x128xf32, #tpu.memory_space<hbm>>
    %dma_wait3A_215 = arith.constant 0 : i32
    %dma_wait3A_216 = tpu.memref_slice %arg4[%add3A_207, %dma_wait3A_215] : memref<204800x128xf32, #tpu.memory_space<hbm>> -> memref<256x128xf32, #tpu.memory_space<hbm>>
    %dma_wait3A_217 = arith.constant 0 : i32
    %dma_wait3A_218 = arith.constant 0 : i32
    %dma_wait3A_219 = tpu.memref_slice %arg6[%dma_wait3A_208, %dma_wait3A_217, %dma_wait3A_218] : memref<3x256x128xf32, #tpu.memory_space<vmem>> -> memref<1x256x128xf32, #tpu.memory_space<vmem>>
    %dma_wait3A_220 = tpu.memref_squeeze %dma_wait3A_219 : memref<1x256x128xf32, #tpu.memory_space<vmem>> -> memref<256x128xf32, #tpu.memory_space<vmem>>
    tpu.wait_dma2 semaphore(%arg10 : memref<!tpu.dma_semaphore, #tpu.memory_space<semaphore_mem>>) src(%dma_wait3A_220 : memref<256x128xf32, #tpu.memory_space<vmem>>) dst(%dma_wait3A_216 : memref<256x128xf32, #tpu.memory_space<hbm>>)
    %dma_start3A_221 = arith.constant 0 : i32
    %dma_start3A_222 = arith.constant 0 : i32
    %dma_start3A_223 = arith.constant 0 : i32
    %dma_start3A_224 = tpu.memref_slice %arg6[%dma_start3A_221, %dma_start3A_222, %dma_start3A_223] : memref<3x256x128xf32, #tpu.memory_space<vmem>> -> memref<1x256x128xf32, #tpu.memory_space<vmem>>
    %dma_start3A_225 = tpu.memref_squeeze %dma_start3A_224 : memref<1x256x128xf32, #tpu.memory_space<vmem>> -> memref<256x128xf32, #tpu.memory_space<vmem>>
    %dma_start3A_226 = arith.constant 1536 : i32
    %dma_start3A_227 = tpu.memref_slice %arg5[%dma_start3A_226] : memref<6400xi32, #tpu.memory_space<vmem>> -> memref<256xi32, #tpu.memory_space<vmem>>
    %dma_start3A_228 = arith.constant 0 : i32
    %dma_start3A_229 = arith.constant 0 : i32
    %dma_start3A_230 = tpu.memref_slice %arg3[%dma_start3A_228, %dma_start3A_229] : memref<100001x128xf32, #tpu.memory_space<hbm>> -> memref<100001x128xf32, #tpu.memory_space<hbm>>
    tpu.enqueue_indirect_dma source(%dma_start3A_230 : memref<100001x128xf32, #tpu.memory_space<hbm>>) target(%dma_start3A_225 : memref<256x128xf32, #tpu.memory_space<vmem>>) offsets(%dma_start3A_227 : memref<256xi32, #tpu.memory_space<vmem>>) semaphore(%arg7 : memref<!tpu.dma_semaphore, #tpu.memory_space<semaphore_mem>>)
    %dma_wait3A_231 = arith.constant 1 : i32
    %dma_wait3A_232 = arith.constant 0 : i32
    %dma_wait3A_233 = arith.constant 0 : i32
    %dma_wait3A_234 = tpu.memref_slice %arg6[%dma_wait3A_231, %dma_wait3A_232, %dma_wait3A_233] : memref<3x256x128xf32, #tpu.memory_space<vmem>> -> memref<1x256x128xf32, #tpu.memory_space<vmem>>
    %dma_wait3A_235 = tpu.memref_squeeze %dma_wait3A_234 : memref<1x256x128xf32, #tpu.memory_space<vmem>> -> memref<256x128xf32, #tpu.memory_space<vmem>>
    %dma_wait3A_236 = arith.constant 1024 : i32
    %dma_wait3A_237 = tpu.memref_slice %arg5[%dma_wait3A_236] : memref<6400xi32, #tpu.memory_space<vmem>> -> memref<256xi32, #tpu.memory_space<vmem>>
    %dma_wait3A_238 = arith.constant 0 : i32
    %dma_wait3A_239 = arith.constant 0 : i32
    %dma_wait3A_240 = tpu.memref_slice %arg3[%dma_wait3A_238, %dma_wait3A_239] : memref<100001x128xf32, #tpu.memory_space<hbm>> -> memref<100001x128xf32, #tpu.memory_space<hbm>>
    tpu.wait_indirect_dma semaphore(%arg8 : memref<!tpu.dma_semaphore, #tpu.memory_space<semaphore_mem>>) src(%dma_wait3A_240 : memref<100001x128xf32, #tpu.memory_space<hbm>>) dst(%dma_wait3A_235 : memref<256x128xf32, #tpu.memory_space<vmem>>)
    %add3A_241 = arith.constant 1024 : i32
    %add3A_242 = arith.addi %mul3A_2, %add3A_241 : i32
    %dma_start3A_243 = arith.constant 1 : i32
    %dma_start3A_244 = arith.constant 0 : i32
    %dma_start3A_245 = arith.constant 0 : i32
    %dma_start3A_246 = tpu.memref_slice %arg6[%dma_start3A_243, %dma_start3A_244, %dma_start3A_245] : memref<3x256x128xf32, #tpu.memory_space<vmem>> -> memref<1x256x128xf32, #tpu.memory_space<vmem>>
    %dma_start3A_247 = tpu.memref_squeeze %dma_start3A_246 : memref<1x256x128xf32, #tpu.memory_space<vmem>> -> memref<256x128xf32, #tpu.memory_space<vmem>>
    %dma_start3A_248 = arith.constant 0 : i32
    %dma_start3A_249 = tpu.memref_slice %arg4[%add3A_242, %dma_start3A_248] : memref<204800x128xf32, #tpu.memory_space<hbm>> -> memref<256x128xf32, #tpu.memory_space<hbm>>
    %dma_start3A_250 = arith.constant 0 : i32
    %dma_start3A_251 = tpu.memref_slice %arg4[%add3A_242, %dma_start3A_250] : memref<204800x128xf32, #tpu.memory_space<hbm>> -> memref<256x128xf32, #tpu.memory_space<hbm>>
    %dma_start3A_252 = arith.constant 0 : i32
    %dma_start3A_253 = arith.constant 0 : i32
    %dma_start3A_254 = tpu.memref_slice %arg6[%dma_start3A_243, %dma_start3A_252, %dma_start3A_253] : memref<3x256x128xf32, #tpu.memory_space<vmem>> -> memref<1x256x128xf32, #tpu.memory_space<vmem>>
    %dma_start3A_255 = tpu.memref_squeeze %dma_start3A_254 : memref<1x256x128xf32, #tpu.memory_space<vmem>> -> memref<256x128xf32, #tpu.memory_space<vmem>>
    tpu.enqueue_dma source(%dma_start3A_255 : memref<256x128xf32, #tpu.memory_space<vmem>>) target(%dma_start3A_251 : memref<256x128xf32, #tpu.memory_space<hbm>>) target_semaphore(%arg11 : memref<!tpu.dma_semaphore, #tpu.memory_space<semaphore_mem>>)
    %add3A_256 = arith.constant 1024 : i32
    %add3A_257 = arith.addi %mul3A_2, %add3A_256 : i32
    %dma_wait3A_258 = arith.constant 1 : i32
    %dma_wait3A_259 = arith.constant 0 : i32
    %dma_wait3A_260 = arith.constant 0 : i32
    %dma_wait3A_261 = tpu.memref_slice %arg6[%dma_wait3A_258, %dma_wait3A_259, %dma_wait3A_260] : memref<3x256x128xf32, #tpu.memory_space<vmem>> -> memref<1x256x128xf32, #tpu.memory_space<vmem>>
    %dma_wait3A_262 = tpu.memref_squeeze %dma_wait3A_261 : memref<1x256x128xf32, #tpu.memory_space<vmem>> -> memref<256x128xf32, #tpu.memory_space<vmem>>
    %dma_wait3A_263 = arith.constant 0 : i32
    %dma_wait3A_264 = tpu.memref_slice %arg4[%add3A_257, %dma_wait3A_263] : memref<204800x128xf32, #tpu.memory_space<hbm>> -> memref<256x128xf32, #tpu.memory_space<hbm>>
    %dma_wait3A_265 = arith.constant 0 : i32
    %dma_wait3A_266 = tpu.memref_slice %arg4[%add3A_257, %dma_wait3A_265] : memref<204800x128xf32, #tpu.memory_space<hbm>> -> memref<256x128xf32, #tpu.memory_space<hbm>>
    %dma_wait3A_267 = arith.constant 0 : i32
    %dma_wait3A_268 = arith.constant 0 : i32
    %dma_wait3A_269 = tpu.memref_slice %arg6[%dma_wait3A_258, %dma_wait3A_267, %dma_wait3A_268] : memref<3x256x128xf32, #tpu.memory_space<vmem>> -> memref<1x256x128xf32, #tpu.memory_space<vmem>>
    %dma_wait3A_270 = tpu.memref_squeeze %dma_wait3A_269 : memref<1x256x128xf32, #tpu.memory_space<vmem>> -> memref<256x128xf32, #tpu.memory_space<vmem>>
    tpu.wait_dma2 semaphore(%arg11 : memref<!tpu.dma_semaphore, #tpu.memory_space<semaphore_mem>>) src(%dma_wait3A_270 : memref<256x128xf32, #tpu.memory_space<vmem>>) dst(%dma_wait3A_266 : memref<256x128xf32, #tpu.memory_space<hbm>>)
    %dma_start3A_271 = arith.constant 1 : i32
    %dma_start3A_272 = arith.constant 0 : i32
    %dma_start3A_273 = arith.constant 0 : i32
    %dma_start3A_274 = tpu.memref_slice %arg6[%dma_start3A_271, %dma_start3A_272, %dma_start3A_273] : memref<3x256x128xf32, #tpu.memory_space<vmem>> -> memref<1x256x128xf32, #tpu.memory_space<vmem>>
    %dma_start3A_275 = tpu.memref_squeeze %dma_start3A_274 : memref<1x256x128xf32, #tpu.memory_space<vmem>> -> memref<256x128xf32, #tpu.memory_space<vmem>>
    %dma_start3A_276 = arith.constant 1792 : i32
    %dma_start3A_277 = tpu.memref_slice %arg5[%dma_start3A_276] : memref<6400xi32, #tpu.memory_space<vmem>> -> memref<256xi32, #tpu.memory_space<vmem>>
    %dma_start3A_278 = arith.constant 0 : i32
    %dma_start3A_279 = arith.constant 0 : i32
    %dma_start3A_280 = tpu.memref_slice %arg3[%dma_start3A_278, %dma_start3A_279] : memref<100001x128xf32, #tpu.memory_space<hbm>> -> memref<100001x128xf32, #tpu.memory_space<hbm>>
    tpu.enqueue_indirect_dma source(%dma_start3A_280 : memref<100001x128xf32, #tpu.memory_space<hbm>>) target(%dma_start3A_275 : memref<256x128xf32, #tpu.memory_space<vmem>>) offsets(%dma_start3A_277 : memref<256xi32, #tpu.memory_space<vmem>>) semaphore(%arg8 : memref<!tpu.dma_semaphore, #tpu.memory_space<semaphore_mem>>)
    %dma_wait3A_281 = arith.constant 2 : i32
    %dma_wait3A_282 = arith.constant 0 : i32
    %dma_wait3A_283 = arith.constant 0 : i32
    %dma_wait3A_284 = tpu.memref_slice %arg6[%dma_wait3A_281, %dma_wait3A_282, %dma_wait3A_283] : memref<3x256x128xf32, #tpu.memory_space<vmem>> -> memref<1x256x128xf32, #tpu.memory_space<vmem>>
    %dma_wait3A_285 = tpu.memref_squeeze %dma_wait3A_284 : memref<1x256x128xf32, #tpu.memory_space<vmem>> -> memref<256x128xf32, #tpu.memory_space<vmem>>
    %dma_wait3A_286 = arith.constant 1280 : i32
    %dma_wait3A_287 = tpu.memref_slice %arg5[%dma_wait3A_286] : memref<6400xi32, #tpu.memory_space<vmem>> -> memref<256xi32, #tpu.memory_space<vmem>>
    %dma_wait3A_288 = arith.constant 0 : i32
    %dma_wait3A_289 = arith.constant 0 : i32
    %dma_wait3A_290 = tpu.memref_slice %arg3[%dma_wait3A_288, %dma_wait3A_289] : memref<100001x128xf32, #tpu.memory_space<hbm>> -> memref<100001x128xf32, #tpu.memory_space<hbm>>
    tpu.wait_indirect_dma semaphore(%arg9 : memref<!tpu.dma_semaphore, #tpu.memory_space<semaphore_mem>>) src(%dma_wait3A_290 : memref<100001x128xf32, #tpu.memory_space<hbm>>) dst(%dma_wait3A_285 : memref<256x128xf32, #tpu.memory_space<vmem>>)
    %add3A_291 = arith.constant 1280 : i32
    %add3A_292 = arith.addi %mul3A_2, %add3A_291 : i32
    %dma_start3A_293 = arith.constant 2 : i32
    %dma_start3A_294 = arith.constant 0 : i32
    %dma_start3A_295 = arith.constant 0 : i32
    %dma_start3A_296 = tpu.memref_slice %arg6[%dma_start3A_293, %dma_start3A_294, %dma_start3A_295] : memref<3x256x128xf32, #tpu.memory_space<vmem>> -> memref<1x256x128xf32, #tpu.memory_space<vmem>>
    %dma_start3A_297 = tpu.memref_squeeze %dma_start3A_296 : memref<1x256x128xf32, #tpu.memory_space<vmem>> -> memref<256x128xf32, #tpu.memory_space<vmem>>
    %dma_start3A_298 = arith.constant 0 : i32
    %dma_start3A_299 = tpu.memref_slice %arg4[%add3A_292, %dma_start3A_298] : memref<204800x128xf32, #tpu.memory_space<hbm>> -> memref<256x128xf32, #tpu.memory_space<hbm>>
    %dma_start3A_300 = arith.constant 0 : i32
    %dma_start3A_301 = tpu.memref_slice %arg4[%add3A_292, %dma_start3A_300] : memref<204800x128xf32, #tpu.memory_space<hbm>> -> memref<256x128xf32, #tpu.memory_space<hbm>>
    %dma_start3A_302 = arith.constant 0 : i32
    %dma_start3A_303 = arith.constant 0 : i32
    %dma_start3A_304 = tpu.memref_slice %arg6[%dma_start3A_293, %dma_start3A_302, %dma_start3A_303] : memref<3x256x128xf32, #tpu.memory_space<vmem>> -> memref<1x256x128xf32, #tpu.memory_space<vmem>>
    %dma_start3A_305 = tpu.memref_squeeze %dma_start3A_304 : memref<1x256x128xf32, #tpu.memory_space<vmem>> -> memref<256x128xf32, #tpu.memory_space<vmem>>
    tpu.enqueue_dma source(%dma_start3A_305 : memref<256x128xf32, #tpu.memory_space<vmem>>) target(%dma_start3A_301 : memref<256x128xf32, #tpu.memory_space<hbm>>) target_semaphore(%arg12 : memref<!tpu.dma_semaphore, #tpu.memory_space<semaphore_mem>>)
    %add3A_306 = arith.constant 1280 : i32
    %add3A_307 = arith.addi %mul3A_2, %add3A_306 : i32
    %dma_wait3A_308 = arith.constant 2 : i32
    %dma_wait3A_309 = arith.constant 0 : i32
    %dma_wait3A_310 = arith.constant 0 : i32
    %dma_wait3A_311 = tpu.memref_slice %arg6[%dma_wait3A_308, %dma_wait3A_309, %dma_wait3A_310] : memref<3x256x128xf32, #tpu.memory_space<vmem>> -> memref<1x256x128xf32, #tpu.memory_space<vmem>>
    %dma_wait3A_312 = tpu.memref_squeeze %dma_wait3A_311 : memref<1x256x128xf32, #tpu.memory_space<vmem>> -> memref<256x128xf32, #tpu.memory_space<vmem>>
    %dma_wait3A_313 = arith.constant 0 : i32
    %dma_wait3A_314 = tpu.memref_slice %arg4[%add3A_307, %dma_wait3A_313] : memref<204800x128xf32, #tpu.memory_space<hbm>> -> memref<256x128xf32, #tpu.memory_space<hbm>>
    %dma_wait3A_315 = arith.constant 0 : i32
    %dma_wait3A_316 = tpu.memref_slice %arg4[%add3A_307, %dma_wait3A_315] : memref<204800x128xf32, #tpu.memory_space<hbm>> -> memref<256x128xf32, #tpu.memory_space<hbm>>
    %dma_wait3A_317 = arith.constant 0 : i32
    %dma_wait3A_318 = arith.constant 0 : i32
    %dma_wait3A_319 = tpu.memref_slice %arg6[%dma_wait3A_308, %dma_wait3A_317, %dma_wait3A_318] : memref<3x256x128xf32, #tpu.memory_space<vmem>> -> memref<1x256x128xf32, #tpu.memory_space<vmem>>
    %dma_wait3A_320 = tpu.memref_squeeze %dma_wait3A_319 : memref<1x256x128xf32, #tpu.memory_space<vmem>> -> memref<256x128xf32, #tpu.memory_space<vmem>>
    tpu.wait_dma2 semaphore(%arg12 : memref<!tpu.dma_semaphore, #tpu.memory_space<semaphore_mem>>) src(%dma_wait3A_320 : memref<256x128xf32, #tpu.memory_space<vmem>>) dst(%dma_wait3A_316 : memref<256x128xf32, #tpu.memory_space<hbm>>)
    %dma_start3A_321 = arith.constant 2 : i32
    %dma_start3A_322 = arith.constant 0 : i32
    %dma_start3A_323 = arith.constant 0 : i32
    %dma_start3A_324 = tpu.memref_slice %arg6[%dma_start3A_321, %dma_start3A_322, %dma_start3A_323] : memref<3x256x128xf32, #tpu.memory_space<vmem>> -> memref<1x256x128xf32, #tpu.memory_space<vmem>>
    %dma_start3A_325 = tpu.memref_squeeze %dma_start3A_324 : memref<1x256x128xf32, #tpu.memory_space<vmem>> -> memref<256x128xf32, #tpu.memory_space<vmem>>
    %dma_start3A_326 = arith.constant 2048 : i32
    %dma_start3A_327 = tpu.memref_slice %arg5[%dma_start3A_326] : memref<6400xi32, #tpu.memory_space<vmem>> -> memref<256xi32, #tpu.memory_space<vmem>>
    %dma_start3A_328 = arith.constant 0 : i32
    %dma_start3A_329 = arith.constant 0 : i32
    %dma_start3A_330 = tpu.memref_slice %arg3[%dma_start3A_328, %dma_start3A_329] : memref<100001x128xf32, #tpu.memory_space<hbm>> -> memref<100001x128xf32, #tpu.memory_space<hbm>>
    tpu.enqueue_indirect_dma source(%dma_start3A_330 : memref<100001x128xf32, #tpu.memory_space<hbm>>) target(%dma_start3A_325 : memref<256x128xf32, #tpu.memory_space<vmem>>) offsets(%dma_start3A_327 : memref<256xi32, #tpu.memory_space<vmem>>) semaphore(%arg9 : memref<!tpu.dma_semaphore, #tpu.memory_space<semaphore_mem>>)
    %dma_wait3A_331 = arith.constant 0 : i32
    %dma_wait3A_332 = arith.constant 0 : i32
    %dma_wait3A_333 = arith.constant 0 : i32
    %dma_wait3A_334 = tpu.memref_slice %arg6[%dma_wait3A_331, %dma_wait3A_332, %dma_wait3A_333] : memref<3x256x128xf32, #tpu.memory_space<vmem>> -> memref<1x256x128xf32, #tpu.memory_space<vmem>>
    %dma_wait3A_335 = tpu.memref_squeeze %dma_wait3A_334 : memref<1x256x128xf32, #tpu.memory_space<vmem>> -> memref<256x128xf32, #tpu.memory_space<vmem>>
    %dma_wait3A_336 = arith.constant 1536 : i32
    %dma_wait3A_337 = tpu.memref_slice %arg5[%dma_wait3A_336] : memref<6400xi32, #tpu.memory_space<vmem>> -> memref<256xi32, #tpu.memory_space<vmem>>
    %dma_wait3A_338 = arith.constant 0 : i32
    %dma_wait3A_339 = arith.constant 0 : i32
    %dma_wait3A_340 = tpu.memref_slice %arg3[%dma_wait3A_338, %dma_wait3A_339] : memref<100001x128xf32, #tpu.memory_space<hbm>> -> memref<100001x128xf32, #tpu.memory_space<hbm>>
    tpu.wait_indirect_dma semaphore(%arg7 : memref<!tpu.dma_semaphore, #tpu.memory_space<semaphore_mem>>) src(%dma_wait3A_340 : memref<100001x128xf32, #tpu.memory_space<hbm>>) dst(%dma_wait3A_335 : memref<256x128xf32, #tpu.memory_space<vmem>>)
    %add3A_341 = arith.constant 1536 : i32
    %add3A_342 = arith.addi %mul3A_2, %add3A_341 : i32
    %dma_start3A_343 = arith.constant 0 : i32
    %dma_start3A_344 = arith.constant 0 : i32
    %dma_start3A_345 = arith.constant 0 : i32
    %dma_start3A_346 = tpu.memref_slice %arg6[%dma_start3A_343, %dma_start3A_344, %dma_start3A_345] : memref<3x256x128xf32, #tpu.memory_space<vmem>> -> memref<1x256x128xf32, #tpu.memory_space<vmem>>
    %dma_start3A_347 = tpu.memref_squeeze %dma_start3A_346 : memref<1x256x128xf32, #tpu.memory_space<vmem>> -> memref<256x128xf32, #tpu.memory_space<vmem>>
    %dma_start3A_348 = arith.constant 0 : i32
    %dma_start3A_349 = tpu.memref_slice %arg4[%add3A_342, %dma_start3A_348] : memref<204800x128xf32, #tpu.memory_space<hbm>> -> memref<256x128xf32, #tpu.memory_space<hbm>>
    %dma_start3A_350 = arith.constant 0 : i32
    %dma_start3A_351 = tpu.memref_slice %arg4[%add3A_342, %dma_start3A_350] : memref<204800x128xf32, #tpu.memory_space<hbm>> -> memref<256x128xf32, #tpu.memory_space<hbm>>
    %dma_start3A_352 = arith.constant 0 : i32
    %dma_start3A_353 = arith.constant 0 : i32
    %dma_start3A_354 = tpu.memref_slice %arg6[%dma_start3A_343, %dma_start3A_352, %dma_start3A_353] : memref<3x256x128xf32, #tpu.memory_space<vmem>> -> memref<1x256x128xf32, #tpu.memory_space<vmem>>
    %dma_start3A_355 = tpu.memref_squeeze %dma_start3A_354 : memref<1x256x128xf32, #tpu.memory_space<vmem>> -> memref<256x128xf32, #tpu.memory_space<vmem>>
    tpu.enqueue_dma source(%dma_start3A_355 : memref<256x128xf32, #tpu.memory_space<vmem>>) target(%dma_start3A_351 : memref<256x128xf32, #tpu.memory_space<hbm>>) target_semaphore(%arg10 : memref<!tpu.dma_semaphore, #tpu.memory_space<semaphore_mem>>)
    %add3A_356 = arith.constant 1536 : i32
    %add3A_357 = arith.addi %mul3A_2, %add3A_356 : i32
    %dma_wait3A_358 = arith.constant 0 : i32
    %dma_wait3A_359 = arith.constant 0 : i32
    %dma_wait3A_360 = arith.constant 0 : i32
    %dma_wait3A_361 = tpu.memref_slice %arg6[%dma_wait3A_358, %dma_wait3A_359, %dma_wait3A_360] : memref<3x256x128xf32, #tpu.memory_space<vmem>> -> memref<1x256x128xf32, #tpu.memory_space<vmem>>
    %dma_wait3A_362 = tpu.memref_squeeze %dma_wait3A_361 : memref<1x256x128xf32, #tpu.memory_space<vmem>> -> memref<256x128xf32, #tpu.memory_space<vmem>>
    %dma_wait3A_363 = arith.constant 0 : i32
    %dma_wait3A_364 = tpu.memref_slice %arg4[%add3A_357, %dma_wait3A_363] : memref<204800x128xf32, #tpu.memory_space<hbm>> -> memref<256x128xf32, #tpu.memory_space<hbm>>
    %dma_wait3A_365 = arith.constant 0 : i32
    %dma_wait3A_366 = tpu.memref_slice %arg4[%add3A_357, %dma_wait3A_365] : memref<204800x128xf32, #tpu.memory_space<hbm>> -> memref<256x128xf32, #tpu.memory_space<hbm>>
    %dma_wait3A_367 = arith.constant 0 : i32
    %dma_wait3A_368 = arith.constant 0 : i32
    %dma_wait3A_369 = tpu.memref_slice %arg6[%dma_wait3A_358, %dma_wait3A_367, %dma_wait3A_368] : memref<3x256x128xf32, #tpu.memory_space<vmem>> -> memref<1x256x128xf32, #tpu.memory_space<vmem>>
    %dma_wait3A_370 = tpu.memref_squeeze %dma_wait3A_369 : memref<1x256x128xf32, #tpu.memory_space<vmem>> -> memref<256x128xf32, #tpu.memory_space<vmem>>
    tpu.wait_dma2 semaphore(%arg10 : memref<!tpu.dma_semaphore, #tpu.memory_space<semaphore_mem>>) src(%dma_wait3A_370 : memref<256x128xf32, #tpu.memory_space<vmem>>) dst(%dma_wait3A_366 : memref<256x128xf32, #tpu.memory_space<hbm>>)
    %dma_start3A_371 = arith.constant 0 : i32
    %dma_start3A_372 = arith.constant 0 : i32
    %dma_start3A_373 = arith.constant 0 : i32
    %dma_start3A_374 = tpu.memref_slice %arg6[%dma_start3A_371, %dma_start3A_372, %dma_start3A_373] : memref<3x256x128xf32, #tpu.memory_space<vmem>> -> memref<1x256x128xf32, #tpu.memory_space<vmem>>
    %dma_start3A_375 = tpu.memref_squeeze %dma_start3A_374 : memref<1x256x128xf32, #tpu.memory_space<vmem>> -> memref<256x128xf32, #tpu.memory_space<vmem>>
    %dma_start3A_376 = arith.constant 2304 : i32
    %dma_start3A_377 = tpu.memref_slice %arg5[%dma_start3A_376] : memref<6400xi32, #tpu.memory_space<vmem>> -> memref<256xi32, #tpu.memory_space<vmem>>
    %dma_start3A_378 = arith.constant 0 : i32
    %dma_start3A_379 = arith.constant 0 : i32
    %dma_start3A_380 = tpu.memref_slice %arg3[%dma_start3A_378, %dma_start3A_379] : memref<100001x128xf32, #tpu.memory_space<hbm>> -> memref<100001x128xf32, #tpu.memory_space<hbm>>
    tpu.enqueue_indirect_dma source(%dma_start3A_380 : memref<100001x128xf32, #tpu.memory_space<hbm>>) target(%dma_start3A_375 : memref<256x128xf32, #tpu.memory_space<vmem>>) offsets(%dma_start3A_377 : memref<256xi32, #tpu.memory_space<vmem>>) semaphore(%arg7 : memref<!tpu.dma_semaphore, #tpu.memory_space<semaphore_mem>>)
    %dma_wait3A_381 = arith.constant 1 : i32
    %dma_wait3A_382 = arith.constant 0 : i32
    %dma_wait3A_383 = arith.constant 0 : i32
    %dma_wait3A_384 = tpu.memref_slice %arg6[%dma_wait3A_381, %dma_wait3A_382, %dma_wait3A_383] : memref<3x256x128xf32, #tpu.memory_space<vmem>> -> memref<1x256x128xf32, #tpu.memory_space<vmem>>
    %dma_wait3A_385 = tpu.memref_squeeze %dma_wait3A_384 : memref<1x256x128xf32, #tpu.memory_space<vmem>> -> memref<256x128xf32, #tpu.memory_space<vmem>>
    %dma_wait3A_386 = arith.constant 1792 : i32
    %dma_wait3A_387 = tpu.memref_slice %arg5[%dma_wait3A_386] : memref<6400xi32, #tpu.memory_space<vmem>> -> memref<256xi32, #tpu.memory_space<vmem>>
    %dma_wait3A_388 = arith.constant 0 : i32
    %dma_wait3A_389 = arith.constant 0 : i32
    %dma_wait3A_390 = tpu.memref_slice %arg3[%dma_wait3A_388, %dma_wait3A_389] : memref<100001x128xf32, #tpu.memory_space<hbm>> -> memref<100001x128xf32, #tpu.memory_space<hbm>>
    tpu.wait_indirect_dma semaphore(%arg8 : memref<!tpu.dma_semaphore, #tpu.memory_space<semaphore_mem>>) src(%dma_wait3A_390 : memref<100001x128xf32, #tpu.memory_space<hbm>>) dst(%dma_wait3A_385 : memref<256x128xf32, #tpu.memory_space<vmem>>)
    %add3A_391 = arith.constant 1792 : i32
    %add3A_392 = arith.addi %mul3A_2, %add3A_391 : i32
    %dma_start3A_393 = arith.constant 1 : i32
    %dma_start3A_394 = arith.constant 0 : i32
    %dma_start3A_395 = arith.constant 0 : i32
    %dma_start3A_396 = tpu.memref_slice %arg6[%dma_start3A_393, %dma_start3A_394, %dma_start3A_395] : memref<3x256x128xf32, #tpu.memory_space<vmem>> -> memref<1x256x128xf32, #tpu.memory_space<vmem>>
    %dma_start3A_397 = tpu.memref_squeeze %dma_start3A_396 : memref<1x256x128xf32, #tpu.memory_space<vmem>> -> memref<256x128xf32, #tpu.memory_space<vmem>>
    %dma_start3A_398 = arith.constant 0 : i32
    %dma_start3A_399 = tpu.memref_slice %arg4[%add3A_392, %dma_start3A_398] : memref<204800x128xf32, #tpu.memory_space<hbm>> -> memref<256x128xf32, #tpu.memory_space<hbm>>
    %dma_start3A_400 = arith.constant 0 : i32
    %dma_start3A_401 = tpu.memref_slice %arg4[%add3A_392, %dma_start3A_400] : memref<204800x128xf32, #tpu.memory_space<hbm>> -> memref<256x128xf32, #tpu.memory_space<hbm>>
    %dma_start3A_402 = arith.constant 0 : i32
    %dma_start3A_403 = arith.constant 0 : i32
    %dma_start3A_404 = tpu.memref_slice %arg6[%dma_start3A_393, %dma_start3A_402, %dma_start3A_403] : memref<3x256x128xf32, #tpu.memory_space<vmem>> -> memref<1x256x128xf32, #tpu.memory_space<vmem>>
    %dma_start3A_405 = tpu.memref_squeeze %dma_start3A_404 : memref<1x256x128xf32, #tpu.memory_space<vmem>> -> memref<256x128xf32, #tpu.memory_space<vmem>>
    tpu.enqueue_dma source(%dma_start3A_405 : memref<256x128xf32, #tpu.memory_space<vmem>>) target(%dma_start3A_401 : memref<256x128xf32, #tpu.memory_space<hbm>>) target_semaphore(%arg11 : memref<!tpu.dma_semaphore, #tpu.memory_space<semaphore_mem>>)
    %add3A_406 = arith.constant 1792 : i32
    %add3A_407 = arith.addi %mul3A_2, %add3A_406 : i32
    %dma_wait3A_408 = arith.constant 1 : i32
    %dma_wait3A_409 = arith.constant 0 : i32
    %dma_wait3A_410 = arith.constant 0 : i32
    %dma_wait3A_411 = tpu.memref_slice %arg6[%dma_wait3A_408, %dma_wait3A_409, %dma_wait3A_410] : memref<3x256x128xf32, #tpu.memory_space<vmem>> -> memref<1x256x128xf32, #tpu.memory_space<vmem>>
    %dma_wait3A_412 = tpu.memref_squeeze %dma_wait3A_411 : memref<1x256x128xf32, #tpu.memory_space<vmem>> -> memref<256x128xf32, #tpu.memory_space<vmem>>
    %dma_wait3A_413 = arith.constant 0 : i32
    %dma_wait3A_414 = tpu.memref_slice %arg4[%add3A_407, %dma_wait3A_413] : memref<204800x128xf32, #tpu.memory_space<hbm>> -> memref<256x128xf32, #tpu.memory_space<hbm>>
    %dma_wait3A_415 = arith.constant 0 : i32
    %dma_wait3A_416 = tpu.memref_slice %arg4[%add3A_407, %dma_wait3A_415] : memref<204800x128xf32, #tpu.memory_space<hbm>> -> memref<256x128xf32, #tpu.memory_space<hbm>>
    %dma_wait3A_417 = arith.constant 0 : i32
    %dma_wait3A_418 = arith.constant 0 : i32
    %dma_wait3A_419 = tpu.memref_slice %arg6[%dma_wait3A_408, %dma_wait3A_417, %dma_wait3A_418] : memref<3x256x128xf32, #tpu.memory_space<vmem>> -> memref<1x256x128xf32, #tpu.memory_space<vmem>>
    %dma_wait3A_420 = tpu.memref_squeeze %dma_wait3A_419 : memref<1x256x128xf32, #tpu.memory_space<vmem>> -> memref<256x128xf32, #tpu.memory_space<vmem>>
    tpu.wait_dma2 semaphore(%arg11 : memref<!tpu.dma_semaphore, #tpu.memory_space<semaphore_mem>>) src(%dma_wait3A_420 : memref<256x128xf32, #tpu.memory_space<vmem>>) dst(%dma_wait3A_416 : memref<256x128xf32, #tpu.memory_space<hbm>>)
    %dma_start3A_421 = arith.constant 1 : i32
    %dma_start3A_422 = arith.constant 0 : i32
    %dma_start3A_423 = arith.constant 0 : i32
    %dma_start3A_424 = tpu.memref_slice %arg6[%dma_start3A_421, %dma_start3A_422, %dma_start3A_423] : memref<3x256x128xf32, #tpu.memory_space<vmem>> -> memref<1x256x128xf32, #tpu.memory_space<vmem>>
    %dma_start3A_425 = tpu.memref_squeeze %dma_start3A_424 : memref<1x256x128xf32, #tpu.memory_space<vmem>> -> memref<256x128xf32, #tpu.memory_space<vmem>>
    %dma_start3A_426 = arith.constant 2560 : i32
    %dma_start3A_427 = tpu.memref_slice %arg5[%dma_start3A_426] : memref<6400xi32, #tpu.memory_space<vmem>> -> memref<256xi32, #tpu.memory_space<vmem>>
    %dma_start3A_428 = arith.constant 0 : i32
    %dma_start3A_429 = arith.constant 0 : i32
    %dma_start3A_430 = tpu.memref_slice %arg3[%dma_start3A_428, %dma_start3A_429] : memref<100001x128xf32, #tpu.memory_space<hbm>> -> memref<100001x128xf32, #tpu.memory_space<hbm>>
    tpu.enqueue_indirect_dma source(%dma_start3A_430 : memref<100001x128xf32, #tpu.memory_space<hbm>>) target(%dma_start3A_425 : memref<256x128xf32, #tpu.memory_space<vmem>>) offsets(%dma_start3A_427 : memref<256xi32, #tpu.memory_space<vmem>>) semaphore(%arg8 : memref<!tpu.dma_semaphore, #tpu.memory_space<semaphore_mem>>)
    %dma_wait3A_431 = arith.constant 2 : i32
    %dma_wait3A_432 = arith.constant 0 : i32
    %dma_wait3A_433 = arith.constant 0 : i32
    %dma_wait3A_434 = tpu.memref_slice %arg6[%dma_wait3A_431, %dma_wait3A_432, %dma_wait3A_433] : memref<3x256x128xf32, #tpu.memory_space<vmem>> -> memref<1x256x128xf32, #tpu.memory_space<vmem>>
    %dma_wait3A_435 = tpu.memref_squeeze %dma_wait3A_434 : memref<1x256x128xf32, #tpu.memory_space<vmem>> -> memref<256x128xf32, #tpu.memory_space<vmem>>
    %dma_wait3A_436 = arith.constant 2048 : i32
    %dma_wait3A_437 = tpu.memref_slice %arg5[%dma_wait3A_436] : memref<6400xi32, #tpu.memory_space<vmem>> -> memref<256xi32, #tpu.memory_space<vmem>>
    %dma_wait3A_438 = arith.constant 0 : i32
    %dma_wait3A_439 = arith.constant 0 : i32
    %dma_wait3A_440 = tpu.memref_slice %arg3[%dma_wait3A_438, %dma_wait3A_439] : memref<100001x128xf32, #tpu.memory_space<hbm>> -> memref<100001x128xf32, #tpu.memory_space<hbm>>
    tpu.wait_indirect_dma semaphore(%arg9 : memref<!tpu.dma_semaphore, #tpu.memory_space<semaphore_mem>>) src(%dma_wait3A_440 : memref<100001x128xf32, #tpu.memory_space<hbm>>) dst(%dma_wait3A_435 : memref<256x128xf32, #tpu.memory_space<vmem>>)
    %add3A_441 = arith.constant 2048 : i32
    %add3A_442 = arith.addi %mul3A_2, %add3A_441 : i32
    %dma_start3A_443 = arith.constant 2 : i32
    %dma_start3A_444 = arith.constant 0 : i32
    %dma_start3A_445 = arith.constant 0 : i32
    %dma_start3A_446 = tpu.memref_slice %arg6[%dma_start3A_443, %dma_start3A_444, %dma_start3A_445] : memref<3x256x128xf32, #tpu.memory_space<vmem>> -> memref<1x256x128xf32, #tpu.memory_space<vmem>>
    %dma_start3A_447 = tpu.memref_squeeze %dma_start3A_446 : memref<1x256x128xf32, #tpu.memory_space<vmem>> -> memref<256x128xf32, #tpu.memory_space<vmem>>
    %dma_start3A_448 = arith.constant 0 : i32
    %dma_start3A_449 = tpu.memref_slice %arg4[%add3A_442, %dma_start3A_448] : memref<204800x128xf32, #tpu.memory_space<hbm>> -> memref<256x128xf32, #tpu.memory_space<hbm>>
    %dma_start3A_450 = arith.constant 0 : i32
    %dma_start3A_451 = tpu.memref_slice %arg4[%add3A_442, %dma_start3A_450] : memref<204800x128xf32, #tpu.memory_space<hbm>> -> memref<256x128xf32, #tpu.memory_space<hbm>>
    %dma_start3A_452 = arith.constant 0 : i32
    %dma_start3A_453 = arith.constant 0 : i32
    %dma_start3A_454 = tpu.memref_slice %arg6[%dma_start3A_443, %dma_start3A_452, %dma_start3A_453] : memref<3x256x128xf32, #tpu.memory_space<vmem>> -> memref<1x256x128xf32, #tpu.memory_space<vmem>>
    %dma_start3A_455 = tpu.memref_squeeze %dma_start3A_454 : memref<1x256x128xf32, #tpu.memory_space<vmem>> -> memref<256x128xf32, #tpu.memory_space<vmem>>
    tpu.enqueue_dma source(%dma_start3A_455 : memref<256x128xf32, #tpu.memory_space<vmem>>) target(%dma_start3A_451 : memref<256x128xf32, #tpu.memory_space<hbm>>) target_semaphore(%arg12 : memref<!tpu.dma_semaphore, #tpu.memory_space<semaphore_mem>>)
    %add3A_456 = arith.constant 2048 : i32
    %add3A_457 = arith.addi %mul3A_2, %add3A_456 : i32
    %dma_wait3A_458 = arith.constant 2 : i32
    %dma_wait3A_459 = arith.constant 0 : i32
    %dma_wait3A_460 = arith.constant 0 : i32
    %dma_wait3A_461 = tpu.memref_slice %arg6[%dma_wait3A_458, %dma_wait3A_459, %dma_wait3A_460] : memref<3x256x128xf32, #tpu.memory_space<vmem>> -> memref<1x256x128xf32, #tpu.memory_space<vmem>>
    %dma_wait3A_462 = tpu.memref_squeeze %dma_wait3A_461 : memref<1x256x128xf32, #tpu.memory_space<vmem>> -> memref<256x128xf32, #tpu.memory_space<vmem>>
    %dma_wait3A_463 = arith.constant 0 : i32
    %dma_wait3A_464 = tpu.memref_slice %arg4[%add3A_457, %dma_wait3A_463] : memref<204800x128xf32, #tpu.memory_space<hbm>> -> memref<256x128xf32, #tpu.memory_space<hbm>>
    %dma_wait3A_465 = arith.constant 0 : i32
    %dma_wait3A_466 = tpu.memref_slice %arg4[%add3A_457, %dma_wait3A_465] : memref<204800x128xf32, #tpu.memory_space<hbm>> -> memref<256x128xf32, #tpu.memory_space<hbm>>
    %dma_wait3A_467 = arith.constant 0 : i32
    %dma_wait3A_468 = arith.constant 0 : i32
    %dma_wait3A_469 = tpu.memref_slice %arg6[%dma_wait3A_458, %dma_wait3A_467, %dma_wait3A_468] : memref<3x256x128xf32, #tpu.memory_space<vmem>> -> memref<1x256x128xf32, #tpu.memory_space<vmem>>
    %dma_wait3A_470 = tpu.memref_squeeze %dma_wait3A_469 : memref<1x256x128xf32, #tpu.memory_space<vmem>> -> memref<256x128xf32, #tpu.memory_space<vmem>>
    tpu.wait_dma2 semaphore(%arg12 : memref<!tpu.dma_semaphore, #tpu.memory_space<semaphore_mem>>) src(%dma_wait3A_470 : memref<256x128xf32, #tpu.memory_space<vmem>>) dst(%dma_wait3A_466 : memref<256x128xf32, #tpu.memory_space<hbm>>)
    %dma_start3A_471 = arith.constant 2 : i32
    %dma_start3A_472 = arith.constant 0 : i32
    %dma_start3A_473 = arith.constant 0 : i32
    %dma_start3A_474 = tpu.memref_slice %arg6[%dma_start3A_471, %dma_start3A_472, %dma_start3A_473] : memref<3x256x128xf32, #tpu.memory_space<vmem>> -> memref<1x256x128xf32, #tpu.memory_space<vmem>>
    %dma_start3A_475 = tpu.memref_squeeze %dma_start3A_474 : memref<1x256x128xf32, #tpu.memory_space<vmem>> -> memref<256x128xf32, #tpu.memory_space<vmem>>
    %dma_start3A_476 = arith.constant 2816 : i32
    %dma_start3A_477 = tpu.memref_slice %arg5[%dma_start3A_476] : memref<6400xi32, #tpu.memory_space<vmem>> -> memref<256xi32, #tpu.memory_space<vmem>>
    %dma_start3A_478 = arith.constant 0 : i32
    %dma_start3A_479 = arith.constant 0 : i32
    %dma_start3A_480 = tpu.memref_slice %arg3[%dma_start3A_478, %dma_start3A_479] : memref<100001x128xf32, #tpu.memory_space<hbm>> -> memref<100001x128xf32, #tpu.memory_space<hbm>>
    tpu.enqueue_indirect_dma source(%dma_start3A_480 : memref<100001x128xf32, #tpu.memory_space<hbm>>) target(%dma_start3A_475 : memref<256x128xf32, #tpu.memory_space<vmem>>) offsets(%dma_start3A_477 : memref<256xi32, #tpu.memory_space<vmem>>) semaphore(%arg9 : memref<!tpu.dma_semaphore, #tpu.memory_space<semaphore_mem>>)
    %dma_wait3A_481 = arith.constant 0 : i32
    %dma_wait3A_482 = arith.constant 0 : i32
    %dma_wait3A_483 = arith.constant 0 : i32
    %dma_wait3A_484 = tpu.memref_slice %arg6[%dma_wait3A_481, %dma_wait3A_482, %dma_wait3A_483] : memref<3x256x128xf32, #tpu.memory_space<vmem>> -> memref<1x256x128xf32, #tpu.memory_space<vmem>>
    %dma_wait3A_485 = tpu.memref_squeeze %dma_wait3A_484 : memref<1x256x128xf32, #tpu.memory_space<vmem>> -> memref<256x128xf32, #tpu.memory_space<vmem>>
    %dma_wait3A_486 = arith.constant 2304 : i32
    %dma_wait3A_487 = tpu.memref_slice %arg5[%dma_wait3A_486] : memref<6400xi32, #tpu.memory_space<vmem>> -> memref<256xi32, #tpu.memory_space<vmem>>
    %dma_wait3A_488 = arith.constant 0 : i32
    %dma_wait3A_489 = arith.constant 0 : i32
    %dma_wait3A_490 = tpu.memref_slice %arg3[%dma_wait3A_488, %dma_wait3A_489] : memref<100001x128xf32, #tpu.memory_space<hbm>> -> memref<100001x128xf32, #tpu.memory_space<hbm>>
    tpu.wait_indirect_dma semaphore(%arg7 : memref<!tpu.dma_semaphore, #tpu.memory_space<semaphore_mem>>) src(%dma_wait3A_490 : memref<100001x128xf32, #tpu.memory_space<hbm>>) dst(%dma_wait3A_485 : memref<256x128xf32, #tpu.memory_space<vmem>>)
    %add3A_491 = arith.constant 2304 : i32
    %add3A_492 = arith.addi %mul3A_2, %add3A_491 : i32
    %dma_start3A_493 = arith.constant 0 : i32
    %dma_start3A_494 = arith.constant 0 : i32
    %dma_start3A_495 = arith.constant 0 : i32
    %dma_start3A_496 = tpu.memref_slice %arg6[%dma_start3A_493, %dma_start3A_494, %dma_start3A_495] : memref<3x256x128xf32, #tpu.memory_space<vmem>> -> memref<1x256x128xf32, #tpu.memory_space<vmem>>
    %dma_start3A_497 = tpu.memref_squeeze %dma_start3A_496 : memref<1x256x128xf32, #tpu.memory_space<vmem>> -> memref<256x128xf32, #tpu.memory_space<vmem>>
    %dma_start3A_498 = arith.constant 0 : i32
    %dma_start3A_499 = tpu.memref_slice %arg4[%add3A_492, %dma_start3A_498] : memref<204800x128xf32, #tpu.memory_space<hbm>> -> memref<256x128xf32, #tpu.memory_space<hbm>>
    %dma_start3A_500 = arith.constant 0 : i32
    %dma_start3A_501 = tpu.memref_slice %arg4[%add3A_492, %dma_start3A_500] : memref<204800x128xf32, #tpu.memory_space<hbm>> -> memref<256x128xf32, #tpu.memory_space<hbm>>
    %dma_start3A_502 = arith.constant 0 : i32
    %dma_start3A_503 = arith.constant 0 : i32
    %dma_start3A_504 = tpu.memref_slice %arg6[%dma_start3A_493, %dma_start3A_502, %dma_start3A_503] : memref<3x256x128xf32, #tpu.memory_space<vmem>> -> memref<1x256x128xf32, #tpu.memory_space<vmem>>
    %dma_start3A_505 = tpu.memref_squeeze %dma_start3A_504 : memref<1x256x128xf32, #tpu.memory_space<vmem>> -> memref<256x128xf32, #tpu.memory_space<vmem>>
    tpu.enqueue_dma source(%dma_start3A_505 : memref<256x128xf32, #tpu.memory_space<vmem>>) target(%dma_start3A_501 : memref<256x128xf32, #tpu.memory_space<hbm>>) target_semaphore(%arg10 : memref<!tpu.dma_semaphore, #tpu.memory_space<semaphore_mem>>)
    %add3A_506 = arith.constant 2304 : i32
    %add3A_507 = arith.addi %mul3A_2, %add3A_506 : i32
    %dma_wait3A_508 = arith.constant 0 : i32
    %dma_wait3A_509 = arith.constant 0 : i32
    %dma_wait3A_510 = arith.constant 0 : i32
    %dma_wait3A_511 = tpu.memref_slice %arg6[%dma_wait3A_508, %dma_wait3A_509, %dma_wait3A_510] : memref<3x256x128xf32, #tpu.memory_space<vmem>> -> memref<1x256x128xf32, #tpu.memory_space<vmem>>
    %dma_wait3A_512 = tpu.memref_squeeze %dma_wait3A_511 : memref<1x256x128xf32, #tpu.memory_space<vmem>> -> memref<256x128xf32, #tpu.memory_space<vmem>>
    %dma_wait3A_513 = arith.constant 0 : i32
    %dma_wait3A_514 = tpu.memref_slice %arg4[%add3A_507, %dma_wait3A_513] : memref<204800x128xf32, #tpu.memory_space<hbm>> -> memref<256x128xf32, #tpu.memory_space<hbm>>
    %dma_wait3A_515 = arith.constant 0 : i32
    %dma_wait3A_516 = tpu.memref_slice %arg4[%add3A_507, %dma_wait3A_515] : memref<204800x128xf32, #tpu.memory_space<hbm>> -> memref<256x128xf32, #tpu.memory_space<hbm>>
    %dma_wait3A_517 = arith.constant 0 : i32
    %dma_wait3A_518 = arith.constant 0 : i32
    %dma_wait3A_519 = tpu.memref_slice %arg6[%dma_wait3A_508, %dma_wait3A_517, %dma_wait3A_518] : memref<3x256x128xf32, #tpu.memory_space<vmem>> -> memref<1x256x128xf32, #tpu.memory_space<vmem>>
    %dma_wait3A_520 = tpu.memref_squeeze %dma_wait3A_519 : memref<1x256x128xf32, #tpu.memory_space<vmem>> -> memref<256x128xf32, #tpu.memory_space<vmem>>
    tpu.wait_dma2 semaphore(%arg10 : memref<!tpu.dma_semaphore, #tpu.memory_space<semaphore_mem>>) src(%dma_wait3A_520 : memref<256x128xf32, #tpu.memory_space<vmem>>) dst(%dma_wait3A_516 : memref<256x128xf32, #tpu.memory_space<hbm>>)
    %dma_start3A_521 = arith.constant 0 : i32
    %dma_start3A_522 = arith.constant 0 : i32
    %dma_start3A_523 = arith.constant 0 : i32
    %dma_start3A_524 = tpu.memref_slice %arg6[%dma_start3A_521, %dma_start3A_522, %dma_start3A_523] : memref<3x256x128xf32, #tpu.memory_space<vmem>> -> memref<1x256x128xf32, #tpu.memory_space<vmem>>
    %dma_start3A_525 = tpu.memref_squeeze %dma_start3A_524 : memref<1x256x128xf32, #tpu.memory_space<vmem>> -> memref<256x128xf32, #tpu.memory_space<vmem>>
    %dma_start3A_526 = arith.constant 3072 : i32
    %dma_start3A_527 = tpu.memref_slice %arg5[%dma_start3A_526] : memref<6400xi32, #tpu.memory_space<vmem>> -> memref<256xi32, #tpu.memory_space<vmem>>
    %dma_start3A_528 = arith.constant 0 : i32
    %dma_start3A_529 = arith.constant 0 : i32
    %dma_start3A_530 = tpu.memref_slice %arg3[%dma_start3A_528, %dma_start3A_529] : memref<100001x128xf32, #tpu.memory_space<hbm>> -> memref<100001x128xf32, #tpu.memory_space<hbm>>
    tpu.enqueue_indirect_dma source(%dma_start3A_530 : memref<100001x128xf32, #tpu.memory_space<hbm>>) target(%dma_start3A_525 : memref<256x128xf32, #tpu.memory_space<vmem>>) offsets(%dma_start3A_527 : memref<256xi32, #tpu.memory_space<vmem>>) semaphore(%arg7 : memref<!tpu.dma_semaphore, #tpu.memory_space<semaphore_mem>>)
    %dma_wait3A_531 = arith.constant 1 : i32
    %dma_wait3A_532 = arith.constant 0 : i32
    %dma_wait3A_533 = arith.constant 0 : i32
    %dma_wait3A_534 = tpu.memref_slice %arg6[%dma_wait3A_531, %dma_wait3A_532, %dma_wait3A_533] : memref<3x256x128xf32, #tpu.memory_space<vmem>> -> memref<1x256x128xf32, #tpu.memory_space<vmem>>
    %dma_wait3A_535 = tpu.memref_squeeze %dma_wait3A_534 : memref<1x256x128xf32, #tpu.memory_space<vmem>> -> memref<256x128xf32, #tpu.memory_space<vmem>>
    %dma_wait3A_536 = arith.constant 2560 : i32
    %dma_wait3A_537 = tpu.memref_slice %arg5[%dma_wait3A_536] : memref<6400xi32, #tpu.memory_space<vmem>> -> memref<256xi32, #tpu.memory_space<vmem>>
    %dma_wait3A_538 = arith.constant 0 : i32
    %dma_wait3A_539 = arith.constant 0 : i32
    %dma_wait3A_540 = tpu.memref_slice %arg3[%dma_wait3A_538, %dma_wait3A_539] : memref<100001x128xf32, #tpu.memory_space<hbm>> -> memref<100001x128xf32, #tpu.memory_space<hbm>>
    tpu.wait_indirect_dma semaphore(%arg8 : memref<!tpu.dma_semaphore, #tpu.memory_space<semaphore_mem>>) src(%dma_wait3A_540 : memref<100001x128xf32, #tpu.memory_space<hbm>>) dst(%dma_wait3A_535 : memref<256x128xf32, #tpu.memory_space<vmem>>)
    %add3A_541 = arith.constant 2560 : i32
    %add3A_542 = arith.addi %mul3A_2, %add3A_541 : i32
    %dma_start3A_543 = arith.constant 1 : i32
    %dma_start3A_544 = arith.constant 0 : i32
    %dma_start3A_545 = arith.constant 0 : i32
    %dma_start3A_546 = tpu.memref_slice %arg6[%dma_start3A_543, %dma_start3A_544, %dma_start3A_545] : memref<3x256x128xf32, #tpu.memory_space<vmem>> -> memref<1x256x128xf32, #tpu.memory_space<vmem>>
    %dma_start3A_547 = tpu.memref_squeeze %dma_start3A_546 : memref<1x256x128xf32, #tpu.memory_space<vmem>> -> memref<256x128xf32, #tpu.memory_space<vmem>>
    %dma_start3A_548 = arith.constant 0 : i32
    %dma_start3A_549 = tpu.memref_slice %arg4[%add3A_542, %dma_start3A_548] : memref<204800x128xf32, #tpu.memory_space<hbm>> -> memref<256x128xf32, #tpu.memory_space<hbm>>
    %dma_start3A_550 = arith.constant 0 : i32
    %dma_start3A_551 = tpu.memref_slice %arg4[%add3A_542, %dma_start3A_550] : memref<204800x128xf32, #tpu.memory_space<hbm>> -> memref<256x128xf32, #tpu.memory_space<hbm>>
    %dma_start3A_552 = arith.constant 0 : i32
    %dma_start3A_553 = arith.constant 0 : i32
    %dma_start3A_554 = tpu.memref_slice %arg6[%dma_start3A_543, %dma_start3A_552, %dma_start3A_553] : memref<3x256x128xf32, #tpu.memory_space<vmem>> -> memref<1x256x128xf32, #tpu.memory_space<vmem>>
    %dma_start3A_555 = tpu.memref_squeeze %dma_start3A_554 : memref<1x256x128xf32, #tpu.memory_space<vmem>> -> memref<256x128xf32, #tpu.memory_space<vmem>>
    tpu.enqueue_dma source(%dma_start3A_555 : memref<256x128xf32, #tpu.memory_space<vmem>>) target(%dma_start3A_551 : memref<256x128xf32, #tpu.memory_space<hbm>>) target_semaphore(%arg11 : memref<!tpu.dma_semaphore, #tpu.memory_space<semaphore_mem>>)
    %add3A_556 = arith.constant 2560 : i32
    %add3A_557 = arith.addi %mul3A_2, %add3A_556 : i32
    %dma_wait3A_558 = arith.constant 1 : i32
    %dma_wait3A_559 = arith.constant 0 : i32
    %dma_wait3A_560 = arith.constant 0 : i32
    %dma_wait3A_561 = tpu.memref_slice %arg6[%dma_wait3A_558, %dma_wait3A_559, %dma_wait3A_560] : memref<3x256x128xf32, #tpu.memory_space<vmem>> -> memref<1x256x128xf32, #tpu.memory_space<vmem>>
    %dma_wait3A_562 = tpu.memref_squeeze %dma_wait3A_561 : memref<1x256x128xf32, #tpu.memory_space<vmem>> -> memref<256x128xf32, #tpu.memory_space<vmem>>
    %dma_wait3A_563 = arith.constant 0 : i32
    %dma_wait3A_564 = tpu.memref_slice %arg4[%add3A_557, %dma_wait3A_563] : memref<204800x128xf32, #tpu.memory_space<hbm>> -> memref<256x128xf32, #tpu.memory_space<hbm>>
    %dma_wait3A_565 = arith.constant 0 : i32
    %dma_wait3A_566 = tpu.memref_slice %arg4[%add3A_557, %dma_wait3A_565] : memref<204800x128xf32, #tpu.memory_space<hbm>> -> memref<256x128xf32, #tpu.memory_space<hbm>>
    %dma_wait3A_567 = arith.constant 0 : i32
    %dma_wait3A_568 = arith.constant 0 : i32
    %dma_wait3A_569 = tpu.memref_slice %arg6[%dma_wait3A_558, %dma_wait3A_567, %dma_wait3A_568] : memref<3x256x128xf32, #tpu.memory_space<vmem>> -> memref<1x256x128xf32, #tpu.memory_space<vmem>>
    %dma_wait3A_570 = tpu.memref_squeeze %dma_wait3A_569 : memref<1x256x128xf32, #tpu.memory_space<vmem>> -> memref<256x128xf32, #tpu.memory_space<vmem>>
    tpu.wait_dma2 semaphore(%arg11 : memref<!tpu.dma_semaphore, #tpu.memory_space<semaphore_mem>>) src(%dma_wait3A_570 : memref<256x128xf32, #tpu.memory_space<vmem>>) dst(%dma_wait3A_566 : memref<256x128xf32, #tpu.memory_space<hbm>>)
    %dma_start3A_571 = arith.constant 1 : i32
    %dma_start3A_572 = arith.constant 0 : i32
    %dma_start3A_573 = arith.constant 0 : i32
    %dma_start3A_574 = tpu.memref_slice %arg6[%dma_start3A_571, %dma_start3A_572, %dma_start3A_573] : memref<3x256x128xf32, #tpu.memory_space<vmem>> -> memref<1x256x128xf32, #tpu.memory_space<vmem>>
    %dma_start3A_575 = tpu.memref_squeeze %dma_start3A_574 : memref<1x256x128xf32, #tpu.memory_space<vmem>> -> memref<256x128xf32, #tpu.memory_space<vmem>>
    %dma_start3A_576 = arith.constant 3328 : i32
    %dma_start3A_577 = tpu.memref_slice %arg5[%dma_start3A_576] : memref<6400xi32, #tpu.memory_space<vmem>> -> memref<256xi32, #tpu.memory_space<vmem>>
    %dma_start3A_578 = arith.constant 0 : i32
    %dma_start3A_579 = arith.constant 0 : i32
    %dma_start3A_580 = tpu.memref_slice %arg3[%dma_start3A_578, %dma_start3A_579] : memref<100001x128xf32, #tpu.memory_space<hbm>> -> memref<100001x128xf32, #tpu.memory_space<hbm>>
    tpu.enqueue_indirect_dma source(%dma_start3A_580 : memref<100001x128xf32, #tpu.memory_space<hbm>>) target(%dma_start3A_575 : memref<256x128xf32, #tpu.memory_space<vmem>>) offsets(%dma_start3A_577 : memref<256xi32, #tpu.memory_space<vmem>>) semaphore(%arg8 : memref<!tpu.dma_semaphore, #tpu.memory_space<semaphore_mem>>)
    %dma_wait3A_581 = arith.constant 2 : i32
    %dma_wait3A_582 = arith.constant 0 : i32
    %dma_wait3A_583 = arith.constant 0 : i32
    %dma_wait3A_584 = tpu.memref_slice %arg6[%dma_wait3A_581, %dma_wait3A_582, %dma_wait3A_583] : memref<3x256x128xf32, #tpu.memory_space<vmem>> -> memref<1x256x128xf32, #tpu.memory_space<vmem>>
    %dma_wait3A_585 = tpu.memref_squeeze %dma_wait3A_584 : memref<1x256x128xf32, #tpu.memory_space<vmem>> -> memref<256x128xf32, #tpu.memory_space<vmem>>
    %dma_wait3A_586 = arith.constant 2816 : i32
    %dma_wait3A_587 = tpu.memref_slice %arg5[%dma_wait3A_586] : memref<6400xi32, #tpu.memory_space<vmem>> -> memref<256xi32, #tpu.memory_space<vmem>>
    %dma_wait3A_588 = arith.constant 0 : i32
    %dma_wait3A_589 = arith.constant 0 : i32
    %dma_wait3A_590 = tpu.memref_slice %arg3[%dma_wait3A_588, %dma_wait3A_589] : memref<100001x128xf32, #tpu.memory_space<hbm>> -> memref<100001x128xf32, #tpu.memory_space<hbm>>
    tpu.wait_indirect_dma semaphore(%arg9 : memref<!tpu.dma_semaphore, #tpu.memory_space<semaphore_mem>>) src(%dma_wait3A_590 : memref<100001x128xf32, #tpu.memory_space<hbm>>) dst(%dma_wait3A_585 : memref<256x128xf32, #tpu.memory_space<vmem>>)
    %add3A_591 = arith.constant 2816 : i32
    %add3A_592 = arith.addi %mul3A_2, %add3A_591 : i32
    %dma_start3A_593 = arith.constant 2 : i32
    %dma_start3A_594 = arith.constant 0 : i32
    %dma_start3A_595 = arith.constant 0 : i32
    %dma_start3A_596 = tpu.memref_slice %arg6[%dma_start3A_593, %dma_start3A_594, %dma_start3A_595] : memref<3x256x128xf32, #tpu.memory_space<vmem>> -> memref<1x256x128xf32, #tpu.memory_space<vmem>>
    %dma_start3A_597 = tpu.memref_squeeze %dma_start3A_596 : memref<1x256x128xf32, #tpu.memory_space<vmem>> -> memref<256x128xf32, #tpu.memory_space<vmem>>
    %dma_start3A_598 = arith.constant 0 : i32
    %dma_start3A_599 = tpu.memref_slice %arg4[%add3A_592, %dma_start3A_598] : memref<204800x128xf32, #tpu.memory_space<hbm>> -> memref<256x128xf32, #tpu.memory_space<hbm>>
    %dma_start3A_600 = arith.constant 0 : i32
    %dma_start3A_601 = tpu.memref_slice %arg4[%add3A_592, %dma_start3A_600] : memref<204800x128xf32, #tpu.memory_space<hbm>> -> memref<256x128xf32, #tpu.memory_space<hbm>>
    %dma_start3A_602 = arith.constant 0 : i32
    %dma_start3A_603 = arith.constant 0 : i32
    %dma_start3A_604 = tpu.memref_slice %arg6[%dma_start3A_593, %dma_start3A_602, %dma_start3A_603] : memref<3x256x128xf32, #tpu.memory_space<vmem>> -> memref<1x256x128xf32, #tpu.memory_space<vmem>>
    %dma_start3A_605 = tpu.memref_squeeze %dma_start3A_604 : memref<1x256x128xf32, #tpu.memory_space<vmem>> -> memref<256x128xf32, #tpu.memory_space<vmem>>
    tpu.enqueue_dma source(%dma_start3A_605 : memref<256x128xf32, #tpu.memory_space<vmem>>) target(%dma_start3A_601 : memref<256x128xf32, #tpu.memory_space<hbm>>) target_semaphore(%arg12 : memref<!tpu.dma_semaphore, #tpu.memory_space<semaphore_mem>>)
    %add3A_606 = arith.constant 2816 : i32
    %add3A_607 = arith.addi %mul3A_2, %add3A_606 : i32
    %dma_wait3A_608 = arith.constant 2 : i32
    %dma_wait3A_609 = arith.constant 0 : i32
    %dma_wait3A_610 = arith.constant 0 : i32
    %dma_wait3A_611 = tpu.memref_slice %arg6[%dma_wait3A_608, %dma_wait3A_609, %dma_wait3A_610] : memref<3x256x128xf32, #tpu.memory_space<vmem>> -> memref<1x256x128xf32, #tpu.memory_space<vmem>>
    %dma_wait3A_612 = tpu.memref_squeeze %dma_wait3A_611 : memref<1x256x128xf32, #tpu.memory_space<vmem>> -> memref<256x128xf32, #tpu.memory_space<vmem>>
    %dma_wait3A_613 = arith.constant 0 : i32
    %dma_wait3A_614 = tpu.memref_slice %arg4[%add3A_607, %dma_wait3A_613] : memref<204800x128xf32, #tpu.memory_space<hbm>> -> memref<256x128xf32, #tpu.memory_space<hbm>>
    %dma_wait3A_615 = arith.constant 0 : i32
    %dma_wait3A_616 = tpu.memref_slice %arg4[%add3A_607, %dma_wait3A_615] : memref<204800x128xf32, #tpu.memory_space<hbm>> -> memref<256x128xf32, #tpu.memory_space<hbm>>
    %dma_wait3A_617 = arith.constant 0 : i32
    %dma_wait3A_618 = arith.constant 0 : i32
    %dma_wait3A_619 = tpu.memref_slice %arg6[%dma_wait3A_608, %dma_wait3A_617, %dma_wait3A_618] : memref<3x256x128xf32, #tpu.memory_space<vmem>> -> memref<1x256x128xf32, #tpu.memory_space<vmem>>
    %dma_wait3A_620 = tpu.memref_squeeze %dma_wait3A_619 : memref<1x256x128xf32, #tpu.memory_space<vmem>> -> memref<256x128xf32, #tpu.memory_space<vmem>>
    tpu.wait_dma2 semaphore(%arg12 : memref<!tpu.dma_semaphore, #tpu.memory_space<semaphore_mem>>) src(%dma_wait3A_620 : memref<256x128xf32, #tpu.memory_space<vmem>>) dst(%dma_wait3A_616 : memref<256x128xf32, #tpu.memory_space<hbm>>)
    %dma_start3A_621 = arith.constant 2 : i32
    %dma_start3A_622 = arith.constant 0 : i32
    %dma_start3A_623 = arith.constant 0 : i32
    %dma_start3A_624 = tpu.memref_slice %arg6[%dma_start3A_621, %dma_start3A_622, %dma_start3A_623] : memref<3x256x128xf32, #tpu.memory_space<vmem>> -> memref<1x256x128xf32, #tpu.memory_space<vmem>>
    %dma_start3A_625 = tpu.memref_squeeze %dma_start3A_624 : memref<1x256x128xf32, #tpu.memory_space<vmem>> -> memref<256x128xf32, #tpu.memory_space<vmem>>
    %dma_start3A_626 = arith.constant 3584 : i32
    %dma_start3A_627 = tpu.memref_slice %arg5[%dma_start3A_626] : memref<6400xi32, #tpu.memory_space<vmem>> -> memref<256xi32, #tpu.memory_space<vmem>>
    %dma_start3A_628 = arith.constant 0 : i32
    %dma_start3A_629 = arith.constant 0 : i32
    %dma_start3A_630 = tpu.memref_slice %arg3[%dma_start3A_628, %dma_start3A_629] : memref<100001x128xf32, #tpu.memory_space<hbm>> -> memref<100001x128xf32, #tpu.memory_space<hbm>>
    tpu.enqueue_indirect_dma source(%dma_start3A_630 : memref<100001x128xf32, #tpu.memory_space<hbm>>) target(%dma_start3A_625 : memref<256x128xf32, #tpu.memory_space<vmem>>) offsets(%dma_start3A_627 : memref<256xi32, #tpu.memory_space<vmem>>) semaphore(%arg9 : memref<!tpu.dma_semaphore, #tpu.memory_space<semaphore_mem>>)
    %dma_wait3A_631 = arith.constant 0 : i32
    %dma_wait3A_632 = arith.constant 0 : i32
    %dma_wait3A_633 = arith.constant 0 : i32
    %dma_wait3A_634 = tpu.memref_slice %arg6[%dma_wait3A_631, %dma_wait3A_632, %dma_wait3A_633] : memref<3x256x128xf32, #tpu.memory_space<vmem>> -> memref<1x256x128xf32, #tpu.memory_space<vmem>>
    %dma_wait3A_635 = tpu.memref_squeeze %dma_wait3A_634 : memref<1x256x128xf32, #tpu.memory_space<vmem>> -> memref<256x128xf32, #tpu.memory_space<vmem>>
    %dma_wait3A_636 = arith.constant 3072 : i32
    %dma_wait3A_637 = tpu.memref_slice %arg5[%dma_wait3A_636] : memref<6400xi32, #tpu.memory_space<vmem>> -> memref<256xi32, #tpu.memory_space<vmem>>
    %dma_wait3A_638 = arith.constant 0 : i32
    %dma_wait3A_639 = arith.constant 0 : i32
    %dma_wait3A_640 = tpu.memref_slice %arg3[%dma_wait3A_638, %dma_wait3A_639] : memref<100001x128xf32, #tpu.memory_space<hbm>> -> memref<100001x128xf32, #tpu.memory_space<hbm>>
    tpu.wait_indirect_dma semaphore(%arg7 : memref<!tpu.dma_semaphore, #tpu.memory_space<semaphore_mem>>) src(%dma_wait3A_640 : memref<100001x128xf32, #tpu.memory_space<hbm>>) dst(%dma_wait3A_635 : memref<256x128xf32, #tpu.memory_space<vmem>>)
    %add3A_641 = arith.constant 3072 : i32
    %add3A_642 = arith.addi %mul3A_2, %add3A_641 : i32
    %dma_start3A_643 = arith.constant 0 : i32
    %dma_start3A_644 = arith.constant 0 : i32
    %dma_start3A_645 = arith.constant 0 : i32
    %dma_start3A_646 = tpu.memref_slice %arg6[%dma_start3A_643, %dma_start3A_644, %dma_start3A_645] : memref<3x256x128xf32, #tpu.memory_space<vmem>> -> memref<1x256x128xf32, #tpu.memory_space<vmem>>
    %dma_start3A_647 = tpu.memref_squeeze %dma_start3A_646 : memref<1x256x128xf32, #tpu.memory_space<vmem>> -> memref<256x128xf32, #tpu.memory_space<vmem>>
    %dma_start3A_648 = arith.constant 0 : i32
    %dma_start3A_649 = tpu.memref_slice %arg4[%add3A_642, %dma_start3A_648] : memref<204800x128xf32, #tpu.memory_space<hbm>> -> memref<256x128xf32, #tpu.memory_space<hbm>>
    %dma_start3A_650 = arith.constant 0 : i32
    %dma_start3A_651 = tpu.memref_slice %arg4[%add3A_642, %dma_start3A_650] : memref<204800x128xf32, #tpu.memory_space<hbm>> -> memref<256x128xf32, #tpu.memory_space<hbm>>
    %dma_start3A_652 = arith.constant 0 : i32
    %dma_start3A_653 = arith.constant 0 : i32
    %dma_start3A_654 = tpu.memref_slice %arg6[%dma_start3A_643, %dma_start3A_652, %dma_start3A_653] : memref<3x256x128xf32, #tpu.memory_space<vmem>> -> memref<1x256x128xf32, #tpu.memory_space<vmem>>
    %dma_start3A_655 = tpu.memref_squeeze %dma_start3A_654 : memref<1x256x128xf32, #tpu.memory_space<vmem>> -> memref<256x128xf32, #tpu.memory_space<vmem>>
    tpu.enqueue_dma source(%dma_start3A_655 : memref<256x128xf32, #tpu.memory_space<vmem>>) target(%dma_start3A_651 : memref<256x128xf32, #tpu.memory_space<hbm>>) target_semaphore(%arg10 : memref<!tpu.dma_semaphore, #tpu.memory_space<semaphore_mem>>)
    %add3A_656 = arith.constant 3072 : i32
    %add3A_657 = arith.addi %mul3A_2, %add3A_656 : i32
    %dma_wait3A_658 = arith.constant 0 : i32
    %dma_wait3A_659 = arith.constant 0 : i32
    %dma_wait3A_660 = arith.constant 0 : i32
    %dma_wait3A_661 = tpu.memref_slice %arg6[%dma_wait3A_658, %dma_wait3A_659, %dma_wait3A_660] : memref<3x256x128xf32, #tpu.memory_space<vmem>> -> memref<1x256x128xf32, #tpu.memory_space<vmem>>
    %dma_wait3A_662 = tpu.memref_squeeze %dma_wait3A_661 : memref<1x256x128xf32, #tpu.memory_space<vmem>> -> memref<256x128xf32, #tpu.memory_space<vmem>>
    %dma_wait3A_663 = arith.constant 0 : i32
    %dma_wait3A_664 = tpu.memref_slice %arg4[%add3A_657, %dma_wait3A_663] : memref<204800x128xf32, #tpu.memory_space<hbm>> -> memref<256x128xf32, #tpu.memory_space<hbm>>
    %dma_wait3A_665 = arith.constant 0 : i32
    %dma_wait3A_666 = tpu.memref_slice %arg4[%add3A_657, %dma_wait3A_665] : memref<204800x128xf32, #tpu.memory_space<hbm>> -> memref<256x128xf32, #tpu.memory_space<hbm>>
    %dma_wait3A_667 = arith.constant 0 : i32
    %dma_wait3A_668 = arith.constant 0 : i32
    %dma_wait3A_669 = tpu.memref_slice %arg6[%dma_wait3A_658, %dma_wait3A_667, %dma_wait3A_668] : memref<3x256x128xf32, #tpu.memory_space<vmem>> -> memref<1x256x128xf32, #tpu.memory_space<vmem>>
    %dma_wait3A_670 = tpu.memref_squeeze %dma_wait3A_669 : memref<1x256x128xf32, #tpu.memory_space<vmem>> -> memref<256x128xf32, #tpu.memory_space<vmem>>
    tpu.wait_dma2 semaphore(%arg10 : memref<!tpu.dma_semaphore, #tpu.memory_space<semaphore_mem>>) src(%dma_wait3A_670 : memref<256x128xf32, #tpu.memory_space<vmem>>) dst(%dma_wait3A_666 : memref<256x128xf32, #tpu.memory_space<hbm>>)
    %dma_start3A_671 = arith.constant 0 : i32
    %dma_start3A_672 = arith.constant 0 : i32
    %dma_start3A_673 = arith.constant 0 : i32
    %dma_start3A_674 = tpu.memref_slice %arg6[%dma_start3A_671, %dma_start3A_672, %dma_start3A_673] : memref<3x256x128xf32, #tpu.memory_space<vmem>> -> memref<1x256x128xf32, #tpu.memory_space<vmem>>
    %dma_start3A_675 = tpu.memref_squeeze %dma_start3A_674 : memref<1x256x128xf32, #tpu.memory_space<vmem>> -> memref<256x128xf32, #tpu.memory_space<vmem>>
    %dma_start3A_676 = arith.constant 3840 : i32
    %dma_start3A_677 = tpu.memref_slice %arg5[%dma_start3A_676] : memref<6400xi32, #tpu.memory_space<vmem>> -> memref<256xi32, #tpu.memory_space<vmem>>
    %dma_start3A_678 = arith.constant 0 : i32
    %dma_start3A_679 = arith.constant 0 : i32
    %dma_start3A_680 = tpu.memref_slice %arg3[%dma_start3A_678, %dma_start3A_679] : memref<100001x128xf32, #tpu.memory_space<hbm>> -> memref<100001x128xf32, #tpu.memory_space<hbm>>
    tpu.enqueue_indirect_dma source(%dma_start3A_680 : memref<100001x128xf32, #tpu.memory_space<hbm>>) target(%dma_start3A_675 : memref<256x128xf32, #tpu.memory_space<vmem>>) offsets(%dma_start3A_677 : memref<256xi32, #tpu.memory_space<vmem>>) semaphore(%arg7 : memref<!tpu.dma_semaphore, #tpu.memory_space<semaphore_mem>>)
    %dma_wait3A_681 = arith.constant 1 : i32
    %dma_wait3A_682 = arith.constant 0 : i32
    %dma_wait3A_683 = arith.constant 0 : i32
    %dma_wait3A_684 = tpu.memref_slice %arg6[%dma_wait3A_681, %dma_wait3A_682, %dma_wait3A_683] : memref<3x256x128xf32, #tpu.memory_space<vmem>> -> memref<1x256x128xf32, #tpu.memory_space<vmem>>
    %dma_wait3A_685 = tpu.memref_squeeze %dma_wait3A_684 : memref<1x256x128xf32, #tpu.memory_space<vmem>> -> memref<256x128xf32, #tpu.memory_space<vmem>>
    %dma_wait3A_686 = arith.constant 3328 : i32
    %dma_wait3A_687 = tpu.memref_slice %arg5[%dma_wait3A_686] : memref<6400xi32, #tpu.memory_space<vmem>> -> memref<256xi32, #tpu.memory_space<vmem>>
    %dma_wait3A_688 = arith.constant 0 : i32
    %dma_wait3A_689 = arith.constant 0 : i32
    %dma_wait3A_690 = tpu.memref_slice %arg3[%dma_wait3A_688, %dma_wait3A_689] : memref<100001x128xf32, #tpu.memory_space<hbm>> -> memref<100001x128xf32, #tpu.memory_space<hbm>>
    tpu.wait_indirect_dma semaphore(%arg8 : memref<!tpu.dma_semaphore, #tpu.memory_space<semaphore_mem>>) src(%dma_wait3A_690 : memref<100001x128xf32, #tpu.memory_space<hbm>>) dst(%dma_wait3A_685 : memref<256x128xf32, #tpu.memory_space<vmem>>)
    %add3A_691 = arith.constant 3328 : i32
    %add3A_692 = arith.addi %mul3A_2, %add3A_691 : i32
    %dma_start3A_693 = arith.constant 1 : i32
    %dma_start3A_694 = arith.constant 0 : i32
    %dma_start3A_695 = arith.constant 0 : i32
    %dma_start3A_696 = tpu.memref_slice %arg6[%dma_start3A_693, %dma_start3A_694, %dma_start3A_695] : memref<3x256x128xf32, #tpu.memory_space<vmem>> -> memref<1x256x128xf32, #tpu.memory_space<vmem>>
    %dma_start3A_697 = tpu.memref_squeeze %dma_start3A_696 : memref<1x256x128xf32, #tpu.memory_space<vmem>> -> memref<256x128xf32, #tpu.memory_space<vmem>>
    %dma_start3A_698 = arith.constant 0 : i32
    %dma_start3A_699 = tpu.memref_slice %arg4[%add3A_692, %dma_start3A_698] : memref<204800x128xf32, #tpu.memory_space<hbm>> -> memref<256x128xf32, #tpu.memory_space<hbm>>
    %dma_start3A_700 = arith.constant 0 : i32
    %dma_start3A_701 = tpu.memref_slice %arg4[%add3A_692, %dma_start3A_700] : memref<204800x128xf32, #tpu.memory_space<hbm>> -> memref<256x128xf32, #tpu.memory_space<hbm>>
    %dma_start3A_702 = arith.constant 0 : i32
    %dma_start3A_703 = arith.constant 0 : i32
    %dma_start3A_704 = tpu.memref_slice %arg6[%dma_start3A_693, %dma_start3A_702, %dma_start3A_703] : memref<3x256x128xf32, #tpu.memory_space<vmem>> -> memref<1x256x128xf32, #tpu.memory_space<vmem>>
    %dma_start3A_705 = tpu.memref_squeeze %dma_start3A_704 : memref<1x256x128xf32, #tpu.memory_space<vmem>> -> memref<256x128xf32, #tpu.memory_space<vmem>>
    tpu.enqueue_dma source(%dma_start3A_705 : memref<256x128xf32, #tpu.memory_space<vmem>>) target(%dma_start3A_701 : memref<256x128xf32, #tpu.memory_space<hbm>>) target_semaphore(%arg11 : memref<!tpu.dma_semaphore, #tpu.memory_space<semaphore_mem>>)
    %add3A_706 = arith.constant 3328 : i32
    %add3A_707 = arith.addi %mul3A_2, %add3A_706 : i32
    %dma_wait3A_708 = arith.constant 1 : i32
    %dma_wait3A_709 = arith.constant 0 : i32
    %dma_wait3A_710 = arith.constant 0 : i32
    %dma_wait3A_711 = tpu.memref_slice %arg6[%dma_wait3A_708, %dma_wait3A_709, %dma_wait3A_710] : memref<3x256x128xf32, #tpu.memory_space<vmem>> -> memref<1x256x128xf32, #tpu.memory_space<vmem>>
    %dma_wait3A_712 = tpu.memref_squeeze %dma_wait3A_711 : memref<1x256x128xf32, #tpu.memory_space<vmem>> -> memref<256x128xf32, #tpu.memory_space<vmem>>
    %dma_wait3A_713 = arith.constant 0 : i32
    %dma_wait3A_714 = tpu.memref_slice %arg4[%add3A_707, %dma_wait3A_713] : memref<204800x128xf32, #tpu.memory_space<hbm>> -> memref<256x128xf32, #tpu.memory_space<hbm>>
    %dma_wait3A_715 = arith.constant 0 : i32
    %dma_wait3A_716 = tpu.memref_slice %arg4[%add3A_707, %dma_wait3A_715] : memref<204800x128xf32, #tpu.memory_space<hbm>> -> memref<256x128xf32, #tpu.memory_space<hbm>>
    %dma_wait3A_717 = arith.constant 0 : i32
    %dma_wait3A_718 = arith.constant 0 : i32
    %dma_wait3A_719 = tpu.memref_slice %arg6[%dma_wait3A_708, %dma_wait3A_717, %dma_wait3A_718] : memref<3x256x128xf32, #tpu.memory_space<vmem>> -> memref<1x256x128xf32, #tpu.memory_space<vmem>>
    %dma_wait3A_720 = tpu.memref_squeeze %dma_wait3A_719 : memref<1x256x128xf32, #tpu.memory_space<vmem>> -> memref<256x128xf32, #tpu.memory_space<vmem>>
    tpu.wait_dma2 semaphore(%arg11 : memref<!tpu.dma_semaphore, #tpu.memory_space<semaphore_mem>>) src(%dma_wait3A_720 : memref<256x128xf32, #tpu.memory_space<vmem>>) dst(%dma_wait3A_716 : memref<256x128xf32, #tpu.memory_space<hbm>>)
    %dma_start3A_721 = arith.constant 1 : i32
    %dma_start3A_722 = arith.constant 0 : i32
    %dma_start3A_723 = arith.constant 0 : i32
    %dma_start3A_724 = tpu.memref_slice %arg6[%dma_start3A_721, %dma_start3A_722, %dma_start3A_723] : memref<3x256x128xf32, #tpu.memory_space<vmem>> -> memref<1x256x128xf32, #tpu.memory_space<vmem>>
    %dma_start3A_725 = tpu.memref_squeeze %dma_start3A_724 : memref<1x256x128xf32, #tpu.memory_space<vmem>> -> memref<256x128xf32, #tpu.memory_space<vmem>>
    %dma_start3A_726 = arith.constant 4096 : i32
    %dma_start3A_727 = tpu.memref_slice %arg5[%dma_start3A_726] : memref<6400xi32, #tpu.memory_space<vmem>> -> memref<256xi32, #tpu.memory_space<vmem>>
    %dma_start3A_728 = arith.constant 0 : i32
    %dma_start3A_729 = arith.constant 0 : i32
    %dma_start3A_730 = tpu.memref_slice %arg3[%dma_start3A_728, %dma_start3A_729] : memref<100001x128xf32, #tpu.memory_space<hbm>> -> memref<100001x128xf32, #tpu.memory_space<hbm>>
    tpu.enqueue_indirect_dma source(%dma_start3A_730 : memref<100001x128xf32, #tpu.memory_space<hbm>>) target(%dma_start3A_725 : memref<256x128xf32, #tpu.memory_space<vmem>>) offsets(%dma_start3A_727 : memref<256xi32, #tpu.memory_space<vmem>>) semaphore(%arg8 : memref<!tpu.dma_semaphore, #tpu.memory_space<semaphore_mem>>)
    %dma_wait3A_731 = arith.constant 2 : i32
    %dma_wait3A_732 = arith.constant 0 : i32
    %dma_wait3A_733 = arith.constant 0 : i32
    %dma_wait3A_734 = tpu.memref_slice %arg6[%dma_wait3A_731, %dma_wait3A_732, %dma_wait3A_733] : memref<3x256x128xf32, #tpu.memory_space<vmem>> -> memref<1x256x128xf32, #tpu.memory_space<vmem>>
    %dma_wait3A_735 = tpu.memref_squeeze %dma_wait3A_734 : memref<1x256x128xf32, #tpu.memory_space<vmem>> -> memref<256x128xf32, #tpu.memory_space<vmem>>
    %dma_wait3A_736 = arith.constant 3584 : i32
    %dma_wait3A_737 = tpu.memref_slice %arg5[%dma_wait3A_736] : memref<6400xi32, #tpu.memory_space<vmem>> -> memref<256xi32, #tpu.memory_space<vmem>>
    %dma_wait3A_738 = arith.constant 0 : i32
    %dma_wait3A_739 = arith.constant 0 : i32
    %dma_wait3A_740 = tpu.memref_slice %arg3[%dma_wait3A_738, %dma_wait3A_739] : memref<100001x128xf32, #tpu.memory_space<hbm>> -> memref<100001x128xf32, #tpu.memory_space<hbm>>
    tpu.wait_indirect_dma semaphore(%arg9 : memref<!tpu.dma_semaphore, #tpu.memory_space<semaphore_mem>>) src(%dma_wait3A_740 : memref<100001x128xf32, #tpu.memory_space<hbm>>) dst(%dma_wait3A_735 : memref<256x128xf32, #tpu.memory_space<vmem>>)
    %add3A_741 = arith.constant 3584 : i32
    %add3A_742 = arith.addi %mul3A_2, %add3A_741 : i32
    %dma_start3A_743 = arith.constant 2 : i32
    %dma_start3A_744 = arith.constant 0 : i32
    %dma_start3A_745 = arith.constant 0 : i32
    %dma_start3A_746 = tpu.memref_slice %arg6[%dma_start3A_743, %dma_start3A_744, %dma_start3A_745] : memref<3x256x128xf32, #tpu.memory_space<vmem>> -> memref<1x256x128xf32, #tpu.memory_space<vmem>>
    %dma_start3A_747 = tpu.memref_squeeze %dma_start3A_746 : memref<1x256x128xf32, #tpu.memory_space<vmem>> -> memref<256x128xf32, #tpu.memory_space<vmem>>
    %dma_start3A_748 = arith.constant 0 : i32
    %dma_start3A_749 = tpu.memref_slice %arg4[%add3A_742, %dma_start3A_748] : memref<204800x128xf32, #tpu.memory_space<hbm>> -> memref<256x128xf32, #tpu.memory_space<hbm>>
    %dma_start3A_750 = arith.constant 0 : i32
    %dma_start3A_751 = tpu.memref_slice %arg4[%add3A_742, %dma_start3A_750] : memref<204800x128xf32, #tpu.memory_space<hbm>> -> memref<256x128xf32, #tpu.memory_space<hbm>>
    %dma_start3A_752 = arith.constant 0 : i32
    %dma_start3A_753 = arith.constant 0 : i32
    %dma_start3A_754 = tpu.memref_slice %arg6[%dma_start3A_743, %dma_start3A_752, %dma_start3A_753] : memref<3x256x128xf32, #tpu.memory_space<vmem>> -> memref<1x256x128xf32, #tpu.memory_space<vmem>>
    %dma_start3A_755 = tpu.memref_squeeze %dma_start3A_754 : memref<1x256x128xf32, #tpu.memory_space<vmem>> -> memref<256x128xf32, #tpu.memory_space<vmem>>
    tpu.enqueue_dma source(%dma_start3A_755 : memref<256x128xf32, #tpu.memory_space<vmem>>) target(%dma_start3A_751 : memref<256x128xf32, #tpu.memory_space<hbm>>) target_semaphore(%arg12 : memref<!tpu.dma_semaphore, #tpu.memory_space<semaphore_mem>>)
    %add3A_756 = arith.constant 3584 : i32
    %add3A_757 = arith.addi %mul3A_2, %add3A_756 : i32
    %dma_wait3A_758 = arith.constant 2 : i32
    %dma_wait3A_759 = arith.constant 0 : i32
    %dma_wait3A_760 = arith.constant 0 : i32
    %dma_wait3A_761 = tpu.memref_slice %arg6[%dma_wait3A_758, %dma_wait3A_759, %dma_wait3A_760] : memref<3x256x128xf32, #tpu.memory_space<vmem>> -> memref<1x256x128xf32, #tpu.memory_space<vmem>>
    %dma_wait3A_762 = tpu.memref_squeeze %dma_wait3A_761 : memref<1x256x128xf32, #tpu.memory_space<vmem>> -> memref<256x128xf32, #tpu.memory_space<vmem>>
    %dma_wait3A_763 = arith.constant 0 : i32
    %dma_wait3A_764 = tpu.memref_slice %arg4[%add3A_757, %dma_wait3A_763] : memref<204800x128xf32, #tpu.memory_space<hbm>> -> memref<256x128xf32, #tpu.memory_space<hbm>>
    %dma_wait3A_765 = arith.constant 0 : i32
    %dma_wait3A_766 = tpu.memref_slice %arg4[%add3A_757, %dma_wait3A_765] : memref<204800x128xf32, #tpu.memory_space<hbm>> -> memref<256x128xf32, #tpu.memory_space<hbm>>
    %dma_wait3A_767 = arith.constant 0 : i32
    %dma_wait3A_768 = arith.constant 0 : i32
    %dma_wait3A_769 = tpu.memref_slice %arg6[%dma_wait3A_758, %dma_wait3A_767, %dma_wait3A_768] : memref<3x256x128xf32, #tpu.memory_space<vmem>> -> memref<1x256x128xf32, #tpu.memory_space<vmem>>
    %dma_wait3A_770 = tpu.memref_squeeze %dma_wait3A_769 : memref<1x256x128xf32, #tpu.memory_space<vmem>> -> memref<256x128xf32, #tpu.memory_space<vmem>>
    tpu.wait_dma2 semaphore(%arg12 : memref<!tpu.dma_semaphore, #tpu.memory_space<semaphore_mem>>) src(%dma_wait3A_770 : memref<256x128xf32, #tpu.memory_space<vmem>>) dst(%dma_wait3A_766 : memref<256x128xf32, #tpu.memory_space<hbm>>)
    %dma_start3A_771 = arith.constant 2 : i32
    %dma_start3A_772 = arith.constant 0 : i32
    %dma_start3A_773 = arith.constant 0 : i32
    %dma_start3A_774 = tpu.memref_slice %arg6[%dma_start3A_771, %dma_start3A_772, %dma_start3A_773] : memref<3x256x128xf32, #tpu.memory_space<vmem>> -> memref<1x256x128xf32, #tpu.memory_space<vmem>>
    %dma_start3A_775 = tpu.memref_squeeze %dma_start3A_774 : memref<1x256x128xf32, #tpu.memory_space<vmem>> -> memref<256x128xf32, #tpu.memory_space<vmem>>
    %dma_start3A_776 = arith.constant 4352 : i32
    %dma_start3A_777 = tpu.memref_slice %arg5[%dma_start3A_776] : memref<6400xi32, #tpu.memory_space<vmem>> -> memref<256xi32, #tpu.memory_space<vmem>>
    %dma_start3A_778 = arith.constant 0 : i32
    %dma_start3A_779 = arith.constant 0 : i32
    %dma_start3A_780 = tpu.memref_slice %arg3[%dma_start3A_778, %dma_start3A_779] : memref<100001x128xf32, #tpu.memory_space<hbm>> -> memref<100001x128xf32, #tpu.memory_space<hbm>>
    tpu.enqueue_indirect_dma source(%dma_start3A_780 : memref<100001x128xf32, #tpu.memory_space<hbm>>) target(%dma_start3A_775 : memref<256x128xf32, #tpu.memory_space<vmem>>) offsets(%dma_start3A_777 : memref<256xi32, #tpu.memory_space<vmem>>) semaphore(%arg9 : memref<!tpu.dma_semaphore, #tpu.memory_space<semaphore_mem>>)
    %dma_wait3A_781 = arith.constant 0 : i32
    %dma_wait3A_782 = arith.constant 0 : i32
    %dma_wait3A_783 = arith.constant 0 : i32
    %dma_wait3A_784 = tpu.memref_slice %arg6[%dma_wait3A_781, %dma_wait3A_782, %dma_wait3A_783] : memref<3x256x128xf32, #tpu.memory_space<vmem>> -> memref<1x256x128xf32, #tpu.memory_space<vmem>>
    %dma_wait3A_785 = tpu.memref_squeeze %dma_wait3A_784 : memref<1x256x128xf32, #tpu.memory_space<vmem>> -> memref<256x128xf32, #tpu.memory_space<vmem>>
    %dma_wait3A_786 = arith.constant 3840 : i32
    %dma_wait3A_787 = tpu.memref_slice %arg5[%dma_wait3A_786] : memref<6400xi32, #tpu.memory_space<vmem>> -> memref<256xi32, #tpu.memory_space<vmem>>
    %dma_wait3A_788 = arith.constant 0 : i32
    %dma_wait3A_789 = arith.constant 0 : i32
    %dma_wait3A_790 = tpu.memref_slice %arg3[%dma_wait3A_788, %dma_wait3A_789] : memref<100001x128xf32, #tpu.memory_space<hbm>> -> memref<100001x128xf32, #tpu.memory_space<hbm>>
    tpu.wait_indirect_dma semaphore(%arg7 : memref<!tpu.dma_semaphore, #tpu.memory_space<semaphore_mem>>) src(%dma_wait3A_790 : memref<100001x128xf32, #tpu.memory_space<hbm>>) dst(%dma_wait3A_785 : memref<256x128xf32, #tpu.memory_space<vmem>>)
    %add3A_791 = arith.constant 3840 : i32
    %add3A_792 = arith.addi %mul3A_2, %add3A_791 : i32
    %dma_start3A_793 = arith.constant 0 : i32
    %dma_start3A_794 = arith.constant 0 : i32
    %dma_start3A_795 = arith.constant 0 : i32
    %dma_start3A_796 = tpu.memref_slice %arg6[%dma_start3A_793, %dma_start3A_794, %dma_start3A_795] : memref<3x256x128xf32, #tpu.memory_space<vmem>> -> memref<1x256x128xf32, #tpu.memory_space<vmem>>
    %dma_start3A_797 = tpu.memref_squeeze %dma_start3A_796 : memref<1x256x128xf32, #tpu.memory_space<vmem>> -> memref<256x128xf32, #tpu.memory_space<vmem>>
    %dma_start3A_798 = arith.constant 0 : i32
    %dma_start3A_799 = tpu.memref_slice %arg4[%add3A_792, %dma_start3A_798] : memref<204800x128xf32, #tpu.memory_space<hbm>> -> memref<256x128xf32, #tpu.memory_space<hbm>>
    %dma_start3A_800 = arith.constant 0 : i32
    %dma_start3A_801 = tpu.memref_slice %arg4[%add3A_792, %dma_start3A_800] : memref<204800x128xf32, #tpu.memory_space<hbm>> -> memref<256x128xf32, #tpu.memory_space<hbm>>
    %dma_start3A_802 = arith.constant 0 : i32
    %dma_start3A_803 = arith.constant 0 : i32
    %dma_start3A_804 = tpu.memref_slice %arg6[%dma_start3A_793, %dma_start3A_802, %dma_start3A_803] : memref<3x256x128xf32, #tpu.memory_space<vmem>> -> memref<1x256x128xf32, #tpu.memory_space<vmem>>
    %dma_start3A_805 = tpu.memref_squeeze %dma_start3A_804 : memref<1x256x128xf32, #tpu.memory_space<vmem>> -> memref<256x128xf32, #tpu.memory_space<vmem>>
    tpu.enqueue_dma source(%dma_start3A_805 : memref<256x128xf32, #tpu.memory_space<vmem>>) target(%dma_start3A_801 : memref<256x128xf32, #tpu.memory_space<hbm>>) target_semaphore(%arg10 : memref<!tpu.dma_semaphore, #tpu.memory_space<semaphore_mem>>)
    %add3A_806 = arith.constant 3840 : i32
    %add3A_807 = arith.addi %mul3A_2, %add3A_806 : i32
    %dma_wait3A_808 = arith.constant 0 : i32
    %dma_wait3A_809 = arith.constant 0 : i32
    %dma_wait3A_810 = arith.constant 0 : i32
    %dma_wait3A_811 = tpu.memref_slice %arg6[%dma_wait3A_808, %dma_wait3A_809, %dma_wait3A_810] : memref<3x256x128xf32, #tpu.memory_space<vmem>> -> memref<1x256x128xf32, #tpu.memory_space<vmem>>
    %dma_wait3A_812 = tpu.memref_squeeze %dma_wait3A_811 : memref<1x256x128xf32, #tpu.memory_space<vmem>> -> memref<256x128xf32, #tpu.memory_space<vmem>>
    %dma_wait3A_813 = arith.constant 0 : i32
    %dma_wait3A_814 = tpu.memref_slice %arg4[%add3A_807, %dma_wait3A_813] : memref<204800x128xf32, #tpu.memory_space<hbm>> -> memref<256x128xf32, #tpu.memory_space<hbm>>
    %dma_wait3A_815 = arith.constant 0 : i32
    %dma_wait3A_816 = tpu.memref_slice %arg4[%add3A_807, %dma_wait3A_815] : memref<204800x128xf32, #tpu.memory_space<hbm>> -> memref<256x128xf32, #tpu.memory_space<hbm>>
    %dma_wait3A_817 = arith.constant 0 : i32
    %dma_wait3A_818 = arith.constant 0 : i32
    %dma_wait3A_819 = tpu.memref_slice %arg6[%dma_wait3A_808, %dma_wait3A_817, %dma_wait3A_818] : memref<3x256x128xf32, #tpu.memory_space<vmem>> -> memref<1x256x128xf32, #tpu.memory_space<vmem>>
    %dma_wait3A_820 = tpu.memref_squeeze %dma_wait3A_819 : memref<1x256x128xf32, #tpu.memory_space<vmem>> -> memref<256x128xf32, #tpu.memory_space<vmem>>
    tpu.wait_dma2 semaphore(%arg10 : memref<!tpu.dma_semaphore, #tpu.memory_space<semaphore_mem>>) src(%dma_wait3A_820 : memref<256x128xf32, #tpu.memory_space<vmem>>) dst(%dma_wait3A_816 : memref<256x128xf32, #tpu.memory_space<hbm>>)
    %dma_start3A_821 = arith.constant 0 : i32
    %dma_start3A_822 = arith.constant 0 : i32
    %dma_start3A_823 = arith.constant 0 : i32
    %dma_start3A_824 = tpu.memref_slice %arg6[%dma_start3A_821, %dma_start3A_822, %dma_start3A_823] : memref<3x256x128xf32, #tpu.memory_space<vmem>> -> memref<1x256x128xf32, #tpu.memory_space<vmem>>
    %dma_start3A_825 = tpu.memref_squeeze %dma_start3A_824 : memref<1x256x128xf32, #tpu.memory_space<vmem>> -> memref<256x128xf32, #tpu.memory_space<vmem>>
    %dma_start3A_826 = arith.constant 4608 : i32
    %dma_start3A_827 = tpu.memref_slice %arg5[%dma_start3A_826] : memref<6400xi32, #tpu.memory_space<vmem>> -> memref<256xi32, #tpu.memory_space<vmem>>
    %dma_start3A_828 = arith.constant 0 : i32
    %dma_start3A_829 = arith.constant 0 : i32
    %dma_start3A_830 = tpu.memref_slice %arg3[%dma_start3A_828, %dma_start3A_829] : memref<100001x128xf32, #tpu.memory_space<hbm>> -> memref<100001x128xf32, #tpu.memory_space<hbm>>
    tpu.enqueue_indirect_dma source(%dma_start3A_830 : memref<100001x128xf32, #tpu.memory_space<hbm>>) target(%dma_start3A_825 : memref<256x128xf32, #tpu.memory_space<vmem>>) offsets(%dma_start3A_827 : memref<256xi32, #tpu.memory_space<vmem>>) semaphore(%arg7 : memref<!tpu.dma_semaphore, #tpu.memory_space<semaphore_mem>>)
    %dma_wait3A_831 = arith.constant 1 : i32
    %dma_wait3A_832 = arith.constant 0 : i32
    %dma_wait3A_833 = arith.constant 0 : i32
    %dma_wait3A_834 = tpu.memref_slice %arg6[%dma_wait3A_831, %dma_wait3A_832, %dma_wait3A_833] : memref<3x256x128xf32, #tpu.memory_space<vmem>> -> memref<1x256x128xf32, #tpu.memory_space<vmem>>
    %dma_wait3A_835 = tpu.memref_squeeze %dma_wait3A_834 : memref<1x256x128xf32, #tpu.memory_space<vmem>> -> memref<256x128xf32, #tpu.memory_space<vmem>>
    %dma_wait3A_836 = arith.constant 4096 : i32
    %dma_wait3A_837 = tpu.memref_slice %arg5[%dma_wait3A_836] : memref<6400xi32, #tpu.memory_space<vmem>> -> memref<256xi32, #tpu.memory_space<vmem>>
    %dma_wait3A_838 = arith.constant 0 : i32
    %dma_wait3A_839 = arith.constant 0 : i32
    %dma_wait3A_840 = tpu.memref_slice %arg3[%dma_wait3A_838, %dma_wait3A_839] : memref<100001x128xf32, #tpu.memory_space<hbm>> -> memref<100001x128xf32, #tpu.memory_space<hbm>>
    tpu.wait_indirect_dma semaphore(%arg8 : memref<!tpu.dma_semaphore, #tpu.memory_space<semaphore_mem>>) src(%dma_wait3A_840 : memref<100001x128xf32, #tpu.memory_space<hbm>>) dst(%dma_wait3A_835 : memref<256x128xf32, #tpu.memory_space<vmem>>)
    %add3A_841 = arith.constant 4096 : i32
    %add3A_842 = arith.addi %mul3A_2, %add3A_841 : i32
    %dma_start3A_843 = arith.constant 1 : i32
    %dma_start3A_844 = arith.constant 0 : i32
    %dma_start3A_845 = arith.constant 0 : i32
    %dma_start3A_846 = tpu.memref_slice %arg6[%dma_start3A_843, %dma_start3A_844, %dma_start3A_845] : memref<3x256x128xf32, #tpu.memory_space<vmem>> -> memref<1x256x128xf32, #tpu.memory_space<vmem>>
    %dma_start3A_847 = tpu.memref_squeeze %dma_start3A_846 : memref<1x256x128xf32, #tpu.memory_space<vmem>> -> memref<256x128xf32, #tpu.memory_space<vmem>>
    %dma_start3A_848 = arith.constant 0 : i32
    %dma_start3A_849 = tpu.memref_slice %arg4[%add3A_842, %dma_start3A_848] : memref<204800x128xf32, #tpu.memory_space<hbm>> -> memref<256x128xf32, #tpu.memory_space<hbm>>
    %dma_start3A_850 = arith.constant 0 : i32
    %dma_start3A_851 = tpu.memref_slice %arg4[%add3A_842, %dma_start3A_850] : memref<204800x128xf32, #tpu.memory_space<hbm>> -> memref<256x128xf32, #tpu.memory_space<hbm>>
    %dma_start3A_852 = arith.constant 0 : i32
    %dma_start3A_853 = arith.constant 0 : i32
    %dma_start3A_854 = tpu.memref_slice %arg6[%dma_start3A_843, %dma_start3A_852, %dma_start3A_853] : memref<3x256x128xf32, #tpu.memory_space<vmem>> -> memref<1x256x128xf32, #tpu.memory_space<vmem>>
    %dma_start3A_855 = tpu.memref_squeeze %dma_start3A_854 : memref<1x256x128xf32, #tpu.memory_space<vmem>> -> memref<256x128xf32, #tpu.memory_space<vmem>>
    tpu.enqueue_dma source(%dma_start3A_855 : memref<256x128xf32, #tpu.memory_space<vmem>>) target(%dma_start3A_851 : memref<256x128xf32, #tpu.memory_space<hbm>>) target_semaphore(%arg11 : memref<!tpu.dma_semaphore, #tpu.memory_space<semaphore_mem>>)
    %add3A_856 = arith.constant 4096 : i32
    %add3A_857 = arith.addi %mul3A_2, %add3A_856 : i32
    %dma_wait3A_858 = arith.constant 1 : i32
    %dma_wait3A_859 = arith.constant 0 : i32
    %dma_wait3A_860 = arith.constant 0 : i32
    %dma_wait3A_861 = tpu.memref_slice %arg6[%dma_wait3A_858, %dma_wait3A_859, %dma_wait3A_860] : memref<3x256x128xf32, #tpu.memory_space<vmem>> -> memref<1x256x128xf32, #tpu.memory_space<vmem>>
    %dma_wait3A_862 = tpu.memref_squeeze %dma_wait3A_861 : memref<1x256x128xf32, #tpu.memory_space<vmem>> -> memref<256x128xf32, #tpu.memory_space<vmem>>
    %dma_wait3A_863 = arith.constant 0 : i32
    %dma_wait3A_864 = tpu.memref_slice %arg4[%add3A_857, %dma_wait3A_863] : memref<204800x128xf32, #tpu.memory_space<hbm>> -> memref<256x128xf32, #tpu.memory_space<hbm>>
    %dma_wait3A_865 = arith.constant 0 : i32
    %dma_wait3A_866 = tpu.memref_slice %arg4[%add3A_857, %dma_wait3A_865] : memref<204800x128xf32, #tpu.memory_space<hbm>> -> memref<256x128xf32, #tpu.memory_space<hbm>>
    %dma_wait3A_867 = arith.constant 0 : i32
    %dma_wait3A_868 = arith.constant 0 : i32
    %dma_wait3A_869 = tpu.memref_slice %arg6[%dma_wait3A_858, %dma_wait3A_867, %dma_wait3A_868] : memref<3x256x128xf32, #tpu.memory_space<vmem>> -> memref<1x256x128xf32, #tpu.memory_space<vmem>>
    %dma_wait3A_870 = tpu.memref_squeeze %dma_wait3A_869 : memref<1x256x128xf32, #tpu.memory_space<vmem>> -> memref<256x128xf32, #tpu.memory_space<vmem>>
    tpu.wait_dma2 semaphore(%arg11 : memref<!tpu.dma_semaphore, #tpu.memory_space<semaphore_mem>>) src(%dma_wait3A_870 : memref<256x128xf32, #tpu.memory_space<vmem>>) dst(%dma_wait3A_866 : memref<256x128xf32, #tpu.memory_space<hbm>>)
    %dma_start3A_871 = arith.constant 1 : i32
    %dma_start3A_872 = arith.constant 0 : i32
    %dma_start3A_873 = arith.constant 0 : i32
    %dma_start3A_874 = tpu.memref_slice %arg6[%dma_start3A_871, %dma_start3A_872, %dma_start3A_873] : memref<3x256x128xf32, #tpu.memory_space<vmem>> -> memref<1x256x128xf32, #tpu.memory_space<vmem>>
    %dma_start3A_875 = tpu.memref_squeeze %dma_start3A_874 : memref<1x256x128xf32, #tpu.memory_space<vmem>> -> memref<256x128xf32, #tpu.memory_space<vmem>>
    %dma_start3A_876 = arith.constant 4864 : i32
    %dma_start3A_877 = tpu.memref_slice %arg5[%dma_start3A_876] : memref<6400xi32, #tpu.memory_space<vmem>> -> memref<256xi32, #tpu.memory_space<vmem>>
    %dma_start3A_878 = arith.constant 0 : i32
    %dma_start3A_879 = arith.constant 0 : i32
    %dma_start3A_880 = tpu.memref_slice %arg3[%dma_start3A_878, %dma_start3A_879] : memref<100001x128xf32, #tpu.memory_space<hbm>> -> memref<100001x128xf32, #tpu.memory_space<hbm>>
    tpu.enqueue_indirect_dma source(%dma_start3A_880 : memref<100001x128xf32, #tpu.memory_space<hbm>>) target(%dma_start3A_875 : memref<256x128xf32, #tpu.memory_space<vmem>>) offsets(%dma_start3A_877 : memref<256xi32, #tpu.memory_space<vmem>>) semaphore(%arg8 : memref<!tpu.dma_semaphore, #tpu.memory_space<semaphore_mem>>)
    %dma_wait3A_881 = arith.constant 2 : i32
    %dma_wait3A_882 = arith.constant 0 : i32
    %dma_wait3A_883 = arith.constant 0 : i32
    %dma_wait3A_884 = tpu.memref_slice %arg6[%dma_wait3A_881, %dma_wait3A_882, %dma_wait3A_883] : memref<3x256x128xf32, #tpu.memory_space<vmem>> -> memref<1x256x128xf32, #tpu.memory_space<vmem>>
    %dma_wait3A_885 = tpu.memref_squeeze %dma_wait3A_884 : memref<1x256x128xf32, #tpu.memory_space<vmem>> -> memref<256x128xf32, #tpu.memory_space<vmem>>
    %dma_wait3A_886 = arith.constant 4352 : i32
    %dma_wait3A_887 = tpu.memref_slice %arg5[%dma_wait3A_886] : memref<6400xi32, #tpu.memory_space<vmem>> -> memref<256xi32, #tpu.memory_space<vmem>>
    %dma_wait3A_888 = arith.constant 0 : i32
    %dma_wait3A_889 = arith.constant 0 : i32
    %dma_wait3A_890 = tpu.memref_slice %arg3[%dma_wait3A_888, %dma_wait3A_889] : memref<100001x128xf32, #tpu.memory_space<hbm>> -> memref<100001x128xf32, #tpu.memory_space<hbm>>
    tpu.wait_indirect_dma semaphore(%arg9 : memref<!tpu.dma_semaphore, #tpu.memory_space<semaphore_mem>>) src(%dma_wait3A_890 : memref<100001x128xf32, #tpu.memory_space<hbm>>) dst(%dma_wait3A_885 : memref<256x128xf32, #tpu.memory_space<vmem>>)
    %add3A_891 = arith.constant 4352 : i32
    %add3A_892 = arith.addi %mul3A_2, %add3A_891 : i32
    %dma_start3A_893 = arith.constant 2 : i32
    %dma_start3A_894 = arith.constant 0 : i32
    %dma_start3A_895 = arith.constant 0 : i32
    %dma_start3A_896 = tpu.memref_slice %arg6[%dma_start3A_893, %dma_start3A_894, %dma_start3A_895] : memref<3x256x128xf32, #tpu.memory_space<vmem>> -> memref<1x256x128xf32, #tpu.memory_space<vmem>>
    %dma_start3A_897 = tpu.memref_squeeze %dma_start3A_896 : memref<1x256x128xf32, #tpu.memory_space<vmem>> -> memref<256x128xf32, #tpu.memory_space<vmem>>
    %dma_start3A_898 = arith.constant 0 : i32
    %dma_start3A_899 = tpu.memref_slice %arg4[%add3A_892, %dma_start3A_898] : memref<204800x128xf32, #tpu.memory_space<hbm>> -> memref<256x128xf32, #tpu.memory_space<hbm>>
    %dma_start3A_900 = arith.constant 0 : i32
    %dma_start3A_901 = tpu.memref_slice %arg4[%add3A_892, %dma_start3A_900] : memref<204800x128xf32, #tpu.memory_space<hbm>> -> memref<256x128xf32, #tpu.memory_space<hbm>>
    %dma_start3A_902 = arith.constant 0 : i32
    %dma_start3A_903 = arith.constant 0 : i32
    %dma_start3A_904 = tpu.memref_slice %arg6[%dma_start3A_893, %dma_start3A_902, %dma_start3A_903] : memref<3x256x128xf32, #tpu.memory_space<vmem>> -> memref<1x256x128xf32, #tpu.memory_space<vmem>>
    %dma_start3A_905 = tpu.memref_squeeze %dma_start3A_904 : memref<1x256x128xf32, #tpu.memory_space<vmem>> -> memref<256x128xf32, #tpu.memory_space<vmem>>
    tpu.enqueue_dma source(%dma_start3A_905 : memref<256x128xf32, #tpu.memory_space<vmem>>) target(%dma_start3A_901 : memref<256x128xf32, #tpu.memory_space<hbm>>) target_semaphore(%arg12 : memref<!tpu.dma_semaphore, #tpu.memory_space<semaphore_mem>>)
    %add3A_906 = arith.constant 4352 : i32
    %add3A_907 = arith.addi %mul3A_2, %add3A_906 : i32
    %dma_wait3A_908 = arith.constant 2 : i32
    %dma_wait3A_909 = arith.constant 0 : i32
    %dma_wait3A_910 = arith.constant 0 : i32
    %dma_wait3A_911 = tpu.memref_slice %arg6[%dma_wait3A_908, %dma_wait3A_909, %dma_wait3A_910] : memref<3x256x128xf32, #tpu.memory_space<vmem>> -> memref<1x256x128xf32, #tpu.memory_space<vmem>>
    %dma_wait3A_912 = tpu.memref_squeeze %dma_wait3A_911 : memref<1x256x128xf32, #tpu.memory_space<vmem>> -> memref<256x128xf32, #tpu.memory_space<vmem>>
    %dma_wait3A_913 = arith.constant 0 : i32
    %dma_wait3A_914 = tpu.memref_slice %arg4[%add3A_907, %dma_wait3A_913] : memref<204800x128xf32, #tpu.memory_space<hbm>> -> memref<256x128xf32, #tpu.memory_space<hbm>>
    %dma_wait3A_915 = arith.constant 0 : i32
    %dma_wait3A_916 = tpu.memref_slice %arg4[%add3A_907, %dma_wait3A_915] : memref<204800x128xf32, #tpu.memory_space<hbm>> -> memref<256x128xf32, #tpu.memory_space<hbm>>
    %dma_wait3A_917 = arith.constant 0 : i32
    %dma_wait3A_918 = arith.constant 0 : i32
    %dma_wait3A_919 = tpu.memref_slice %arg6[%dma_wait3A_908, %dma_wait3A_917, %dma_wait3A_918] : memref<3x256x128xf32, #tpu.memory_space<vmem>> -> memref<1x256x128xf32, #tpu.memory_space<vmem>>
    %dma_wait3A_920 = tpu.memref_squeeze %dma_wait3A_919 : memref<1x256x128xf32, #tpu.memory_space<vmem>> -> memref<256x128xf32, #tpu.memory_space<vmem>>
    tpu.wait_dma2 semaphore(%arg12 : memref<!tpu.dma_semaphore, #tpu.memory_space<semaphore_mem>>) src(%dma_wait3A_920 : memref<256x128xf32, #tpu.memory_space<vmem>>) dst(%dma_wait3A_916 : memref<256x128xf32, #tpu.memory_space<hbm>>)
    %dma_start3A_921 = arith.constant 2 : i32
    %dma_start3A_922 = arith.constant 0 : i32
    %dma_start3A_923 = arith.constant 0 : i32
    %dma_start3A_924 = tpu.memref_slice %arg6[%dma_start3A_921, %dma_start3A_922, %dma_start3A_923] : memref<3x256x128xf32, #tpu.memory_space<vmem>> -> memref<1x256x128xf32, #tpu.memory_space<vmem>>
    %dma_start3A_925 = tpu.memref_squeeze %dma_start3A_924 : memref<1x256x128xf32, #tpu.memory_space<vmem>> -> memref<256x128xf32, #tpu.memory_space<vmem>>
    %dma_start3A_926 = arith.constant 5120 : i32
    %dma_start3A_927 = tpu.memref_slice %arg5[%dma_start3A_926] : memref<6400xi32, #tpu.memory_space<vmem>> -> memref<256xi32, #tpu.memory_space<vmem>>
    %dma_start3A_928 = arith.constant 0 : i32
    %dma_start3A_929 = arith.constant 0 : i32
    %dma_start3A_930 = tpu.memref_slice %arg3[%dma_start3A_928, %dma_start3A_929] : memref<100001x128xf32, #tpu.memory_space<hbm>> -> memref<100001x128xf32, #tpu.memory_space<hbm>>
    tpu.enqueue_indirect_dma source(%dma_start3A_930 : memref<100001x128xf32, #tpu.memory_space<hbm>>) target(%dma_start3A_925 : memref<256x128xf32, #tpu.memory_space<vmem>>) offsets(%dma_start3A_927 : memref<256xi32, #tpu.memory_space<vmem>>) semaphore(%arg9 : memref<!tpu.dma_semaphore, #tpu.memory_space<semaphore_mem>>)
    %dma_wait3A_931 = arith.constant 0 : i32
    %dma_wait3A_932 = arith.constant 0 : i32
    %dma_wait3A_933 = arith.constant 0 : i32
    %dma_wait3A_934 = tpu.memref_slice %arg6[%dma_wait3A_931, %dma_wait3A_932, %dma_wait3A_933] : memref<3x256x128xf32, #tpu.memory_space<vmem>> -> memref<1x256x128xf32, #tpu.memory_space<vmem>>
    %dma_wait3A_935 = tpu.memref_squeeze %dma_wait3A_934 : memref<1x256x128xf32, #tpu.memory_space<vmem>> -> memref<256x128xf32, #tpu.memory_space<vmem>>
    %dma_wait3A_936 = arith.constant 4608 : i32
    %dma_wait3A_937 = tpu.memref_slice %arg5[%dma_wait3A_936] : memref<6400xi32, #tpu.memory_space<vmem>> -> memref<256xi32, #tpu.memory_space<vmem>>
    %dma_wait3A_938 = arith.constant 0 : i32
    %dma_wait3A_939 = arith.constant 0 : i32
    %dma_wait3A_940 = tpu.memref_slice %arg3[%dma_wait3A_938, %dma_wait3A_939] : memref<100001x128xf32, #tpu.memory_space<hbm>> -> memref<100001x128xf32, #tpu.memory_space<hbm>>
    tpu.wait_indirect_dma semaphore(%arg7 : memref<!tpu.dma_semaphore, #tpu.memory_space<semaphore_mem>>) src(%dma_wait3A_940 : memref<100001x128xf32, #tpu.memory_space<hbm>>) dst(%dma_wait3A_935 : memref<256x128xf32, #tpu.memory_space<vmem>>)
    %add3A_941 = arith.constant 4608 : i32
    %add3A_942 = arith.addi %mul3A_2, %add3A_941 : i32
    %dma_start3A_943 = arith.constant 0 : i32
    %dma_start3A_944 = arith.constant 0 : i32
    %dma_start3A_945 = arith.constant 0 : i32
    %dma_start3A_946 = tpu.memref_slice %arg6[%dma_start3A_943, %dma_start3A_944, %dma_start3A_945] : memref<3x256x128xf32, #tpu.memory_space<vmem>> -> memref<1x256x128xf32, #tpu.memory_space<vmem>>
    %dma_start3A_947 = tpu.memref_squeeze %dma_start3A_946 : memref<1x256x128xf32, #tpu.memory_space<vmem>> -> memref<256x128xf32, #tpu.memory_space<vmem>>
    %dma_start3A_948 = arith.constant 0 : i32
    %dma_start3A_949 = tpu.memref_slice %arg4[%add3A_942, %dma_start3A_948] : memref<204800x128xf32, #tpu.memory_space<hbm>> -> memref<256x128xf32, #tpu.memory_space<hbm>>
    %dma_start3A_950 = arith.constant 0 : i32
    %dma_start3A_951 = tpu.memref_slice %arg4[%add3A_942, %dma_start3A_950] : memref<204800x128xf32, #tpu.memory_space<hbm>> -> memref<256x128xf32, #tpu.memory_space<hbm>>
    %dma_start3A_952 = arith.constant 0 : i32
    %dma_start3A_953 = arith.constant 0 : i32
    %dma_start3A_954 = tpu.memref_slice %arg6[%dma_start3A_943, %dma_start3A_952, %dma_start3A_953] : memref<3x256x128xf32, #tpu.memory_space<vmem>> -> memref<1x256x128xf32, #tpu.memory_space<vmem>>
    %dma_start3A_955 = tpu.memref_squeeze %dma_start3A_954 : memref<1x256x128xf32, #tpu.memory_space<vmem>> -> memref<256x128xf32, #tpu.memory_space<vmem>>
    tpu.enqueue_dma source(%dma_start3A_955 : memref<256x128xf32, #tpu.memory_space<vmem>>) target(%dma_start3A_951 : memref<256x128xf32, #tpu.memory_space<hbm>>) target_semaphore(%arg10 : memref<!tpu.dma_semaphore, #tpu.memory_space<semaphore_mem>>)
    %add3A_956 = arith.constant 4608 : i32
    %add3A_957 = arith.addi %mul3A_2, %add3A_956 : i32
    %dma_wait3A_958 = arith.constant 0 : i32
    %dma_wait3A_959 = arith.constant 0 : i32
    %dma_wait3A_960 = arith.constant 0 : i32
    %dma_wait3A_961 = tpu.memref_slice %arg6[%dma_wait3A_958, %dma_wait3A_959, %dma_wait3A_960] : memref<3x256x128xf32, #tpu.memory_space<vmem>> -> memref<1x256x128xf32, #tpu.memory_space<vmem>>
    %dma_wait3A_962 = tpu.memref_squeeze %dma_wait3A_961 : memref<1x256x128xf32, #tpu.memory_space<vmem>> -> memref<256x128xf32, #tpu.memory_space<vmem>>
    %dma_wait3A_963 = arith.constant 0 : i32
    %dma_wait3A_964 = tpu.memref_slice %arg4[%add3A_957, %dma_wait3A_963] : memref<204800x128xf32, #tpu.memory_space<hbm>> -> memref<256x128xf32, #tpu.memory_space<hbm>>
    %dma_wait3A_965 = arith.constant 0 : i32
    %dma_wait3A_966 = tpu.memref_slice %arg4[%add3A_957, %dma_wait3A_965] : memref<204800x128xf32, #tpu.memory_space<hbm>> -> memref<256x128xf32, #tpu.memory_space<hbm>>
    %dma_wait3A_967 = arith.constant 0 : i32
    %dma_wait3A_968 = arith.constant 0 : i32
    %dma_wait3A_969 = tpu.memref_slice %arg6[%dma_wait3A_958, %dma_wait3A_967, %dma_wait3A_968] : memref<3x256x128xf32, #tpu.memory_space<vmem>> -> memref<1x256x128xf32, #tpu.memory_space<vmem>>
    %dma_wait3A_970 = tpu.memref_squeeze %dma_wait3A_969 : memref<1x256x128xf32, #tpu.memory_space<vmem>> -> memref<256x128xf32, #tpu.memory_space<vmem>>
    tpu.wait_dma2 semaphore(%arg10 : memref<!tpu.dma_semaphore, #tpu.memory_space<semaphore_mem>>) src(%dma_wait3A_970 : memref<256x128xf32, #tpu.memory_space<vmem>>) dst(%dma_wait3A_966 : memref<256x128xf32, #tpu.memory_space<hbm>>)
    %dma_start3A_971 = arith.constant 0 : i32
    %dma_start3A_972 = arith.constant 0 : i32
    %dma_start3A_973 = arith.constant 0 : i32
    %dma_start3A_974 = tpu.memref_slice %arg6[%dma_start3A_971, %dma_start3A_972, %dma_start3A_973] : memref<3x256x128xf32, #tpu.memory_space<vmem>> -> memref<1x256x128xf32, #tpu.memory_space<vmem>>
    %dma_start3A_975 = tpu.memref_squeeze %dma_start3A_974 : memref<1x256x128xf32, #tpu.memory_space<vmem>> -> memref<256x128xf32, #tpu.memory_space<vmem>>
    %dma_start3A_976 = arith.constant 5376 : i32
    %dma_start3A_977 = tpu.memref_slice %arg5[%dma_start3A_976] : memref<6400xi32, #tpu.memory_space<vmem>> -> memref<256xi32, #tpu.memory_space<vmem>>
    %dma_start3A_978 = arith.constant 0 : i32
    %dma_start3A_979 = arith.constant 0 : i32
    %dma_start3A_980 = tpu.memref_slice %arg3[%dma_start3A_978, %dma_start3A_979] : memref<100001x128xf32, #tpu.memory_space<hbm>> -> memref<100001x128xf32, #tpu.memory_space<hbm>>
    tpu.enqueue_indirect_dma source(%dma_start3A_980 : memref<100001x128xf32, #tpu.memory_space<hbm>>) target(%dma_start3A_975 : memref<256x128xf32, #tpu.memory_space<vmem>>) offsets(%dma_start3A_977 : memref<256xi32, #tpu.memory_space<vmem>>) semaphore(%arg7 : memref<!tpu.dma_semaphore, #tpu.memory_space<semaphore_mem>>)
    %dma_wait3A_981 = arith.constant 1 : i32
    %dma_wait3A_982 = arith.constant 0 : i32
    %dma_wait3A_983 = arith.constant 0 : i32
    %dma_wait3A_984 = tpu.memref_slice %arg6[%dma_wait3A_981, %dma_wait3A_982, %dma_wait3A_983] : memref<3x256x128xf32, #tpu.memory_space<vmem>> -> memref<1x256x128xf32, #tpu.memory_space<vmem>>
    %dma_wait3A_985 = tpu.memref_squeeze %dma_wait3A_984 : memref<1x256x128xf32, #tpu.memory_space<vmem>> -> memref<256x128xf32, #tpu.memory_space<vmem>>
    %dma_wait3A_986 = arith.constant 4864 : i32
    %dma_wait3A_987 = tpu.memref_slice %arg5[%dma_wait3A_986] : memref<6400xi32, #tpu.memory_space<vmem>> -> memref<256xi32, #tpu.memory_space<vmem>>
    %dma_wait3A_988 = arith.constant 0 : i32
    %dma_wait3A_989 = arith.constant 0 : i32
    %dma_wait3A_990 = tpu.memref_slice %arg3[%dma_wait3A_988, %dma_wait3A_989] : memref<100001x128xf32, #tpu.memory_space<hbm>> -> memref<100001x128xf32, #tpu.memory_space<hbm>>
    tpu.wait_indirect_dma semaphore(%arg8 : memref<!tpu.dma_semaphore, #tpu.memory_space<semaphore_mem>>) src(%dma_wait3A_990 : memref<100001x128xf32, #tpu.memory_space<hbm>>) dst(%dma_wait3A_985 : memref<256x128xf32, #tpu.memory_space<vmem>>)
    %add3A_991 = arith.constant 4864 : i32
    %add3A_992 = arith.addi %mul3A_2, %add3A_991 : i32
    %dma_start3A_993 = arith.constant 1 : i32
    %dma_start3A_994 = arith.constant 0 : i32
    %dma_start3A_995 = arith.constant 0 : i32
    %dma_start3A_996 = tpu.memref_slice %arg6[%dma_start3A_993, %dma_start3A_994, %dma_start3A_995] : memref<3x256x128xf32, #tpu.memory_space<vmem>> -> memref<1x256x128xf32, #tpu.memory_space<vmem>>
    %dma_start3A_997 = tpu.memref_squeeze %dma_start3A_996 : memref<1x256x128xf32, #tpu.memory_space<vmem>> -> memref<256x128xf32, #tpu.memory_space<vmem>>
    %dma_start3A_998 = arith.constant 0 : i32
    %dma_start3A_999 = tpu.memref_slice %arg4[%add3A_992, %dma_start3A_998] : memref<204800x128xf32, #tpu.memory_space<hbm>> -> memref<256x128xf32, #tpu.memory_space<hbm>>
    %dma_start3A_1000 = arith.constant 0 : i32
    %dma_start3A_1001 = tpu.memref_slice %arg4[%add3A_992, %dma_start3A_1000] : memref<204800x128xf32, #tpu.memory_space<hbm>> -> memref<256x128xf32, #tpu.memory_space<hbm>>
    %dma_start3A_1002 = arith.constant 0 : i32
    %dma_start3A_1003 = arith.constant 0 : i32
    %dma_start3A_1004 = tpu.memref_slice %arg6[%dma_start3A_993, %dma_start3A_1002, %dma_start3A_1003] : memref<3x256x128xf32, #tpu.memory_space<vmem>> -> memref<1x256x128xf32, #tpu.memory_space<vmem>>
    %dma_start3A_1005 = tpu.memref_squeeze %dma_start3A_1004 : memref<1x256x128xf32, #tpu.memory_space<vmem>> -> memref<256x128xf32, #tpu.memory_space<vmem>>
    tpu.enqueue_dma source(%dma_start3A_1005 : memref<256x128xf32, #tpu.memory_space<vmem>>) target(%dma_start3A_1001 : memref<256x128xf32, #tpu.memory_space<hbm>>) target_semaphore(%arg11 : memref<!tpu.dma_semaphore, #tpu.memory_space<semaphore_mem>>)
    %add3A_1006 = arith.constant 4864 : i32
    %add3A_1007 = arith.addi %mul3A_2, %add3A_1006 : i32
    %dma_wait3A_1008 = arith.constant 1 : i32
    %dma_wait3A_1009 = arith.constant 0 : i32
    %dma_wait3A_1010 = arith.constant 0 : i32
    %dma_wait3A_1011 = tpu.memref_slice %arg6[%dma_wait3A_1008, %dma_wait3A_1009, %dma_wait3A_1010] : memref<3x256x128xf32, #tpu.memory_space<vmem>> -> memref<1x256x128xf32, #tpu.memory_space<vmem>>
    %dma_wait3A_1012 = tpu.memref_squeeze %dma_wait3A_1011 : memref<1x256x128xf32, #tpu.memory_space<vmem>> -> memref<256x128xf32, #tpu.memory_space<vmem>>
    %dma_wait3A_1013 = arith.constant 0 : i32
    %dma_wait3A_1014 = tpu.memref_slice %arg4[%add3A_1007, %dma_wait3A_1013] : memref<204800x128xf32, #tpu.memory_space<hbm>> -> memref<256x128xf32, #tpu.memory_space<hbm>>
    %dma_wait3A_1015 = arith.constant 0 : i32
    %dma_wait3A_1016 = tpu.memref_slice %arg4[%add3A_1007, %dma_wait3A_1015] : memref<204800x128xf32, #tpu.memory_space<hbm>> -> memref<256x128xf32, #tpu.memory_space<hbm>>
    %dma_wait3A_1017 = arith.constant 0 : i32
    %dma_wait3A_1018 = arith.constant 0 : i32
    %dma_wait3A_1019 = tpu.memref_slice %arg6[%dma_wait3A_1008, %dma_wait3A_1017, %dma_wait3A_1018] : memref<3x256x128xf32, #tpu.memory_space<vmem>> -> memref<1x256x128xf32, #tpu.memory_space<vmem>>
    %dma_wait3A_1020 = tpu.memref_squeeze %dma_wait3A_1019 : memref<1x256x128xf32, #tpu.memory_space<vmem>> -> memref<256x128xf32, #tpu.memory_space<vmem>>
    tpu.wait_dma2 semaphore(%arg11 : memref<!tpu.dma_semaphore, #tpu.memory_space<semaphore_mem>>) src(%dma_wait3A_1020 : memref<256x128xf32, #tpu.memory_space<vmem>>) dst(%dma_wait3A_1016 : memref<256x128xf32, #tpu.memory_space<hbm>>)
    %dma_start3A_1021 = arith.constant 1 : i32
    %dma_start3A_1022 = arith.constant 0 : i32
    %dma_start3A_1023 = arith.constant 0 : i32
    %dma_start3A_1024 = tpu.memref_slice %arg6[%dma_start3A_1021, %dma_start3A_1022, %dma_start3A_1023] : memref<3x256x128xf32, #tpu.memory_space<vmem>> -> memref<1x256x128xf32, #tpu.memory_space<vmem>>
    %dma_start3A_1025 = tpu.memref_squeeze %dma_start3A_1024 : memref<1x256x128xf32, #tpu.memory_space<vmem>> -> memref<256x128xf32, #tpu.memory_space<vmem>>
    %dma_start3A_1026 = arith.constant 5632 : i32
    %dma_start3A_1027 = tpu.memref_slice %arg5[%dma_start3A_1026] : memref<6400xi32, #tpu.memory_space<vmem>> -> memref<256xi32, #tpu.memory_space<vmem>>
    %dma_start3A_1028 = arith.constant 0 : i32
    %dma_start3A_1029 = arith.constant 0 : i32
    %dma_start3A_1030 = tpu.memref_slice %arg3[%dma_start3A_1028, %dma_start3A_1029] : memref<100001x128xf32, #tpu.memory_space<hbm>> -> memref<100001x128xf32, #tpu.memory_space<hbm>>
    tpu.enqueue_indirect_dma source(%dma_start3A_1030 : memref<100001x128xf32, #tpu.memory_space<hbm>>) target(%dma_start3A_1025 : memref<256x128xf32, #tpu.memory_space<vmem>>) offsets(%dma_start3A_1027 : memref<256xi32, #tpu.memory_space<vmem>>) semaphore(%arg8 : memref<!tpu.dma_semaphore, #tpu.memory_space<semaphore_mem>>)
    %dma_wait3A_1031 = arith.constant 2 : i32
    %dma_wait3A_1032 = arith.constant 0 : i32
    %dma_wait3A_1033 = arith.constant 0 : i32
    %dma_wait3A_1034 = tpu.memref_slice %arg6[%dma_wait3A_1031, %dma_wait3A_1032, %dma_wait3A_1033] : memref<3x256x128xf32, #tpu.memory_space<vmem>> -> memref<1x256x128xf32, #tpu.memory_space<vmem>>
    %dma_wait3A_1035 = tpu.memref_squeeze %dma_wait3A_1034 : memref<1x256x128xf32, #tpu.memory_space<vmem>> -> memref<256x128xf32, #tpu.memory_space<vmem>>
    %dma_wait3A_1036 = arith.constant 5120 : i32
    %dma_wait3A_1037 = tpu.memref_slice %arg5[%dma_wait3A_1036] : memref<6400xi32, #tpu.memory_space<vmem>> -> memref<256xi32, #tpu.memory_space<vmem>>
    %dma_wait3A_1038 = arith.constant 0 : i32
    %dma_wait3A_1039 = arith.constant 0 : i32
    %dma_wait3A_1040 = tpu.memref_slice %arg3[%dma_wait3A_1038, %dma_wait3A_1039] : memref<100001x128xf32, #tpu.memory_space<hbm>> -> memref<100001x128xf32, #tpu.memory_space<hbm>>
    tpu.wait_indirect_dma semaphore(%arg9 : memref<!tpu.dma_semaphore, #tpu.memory_space<semaphore_mem>>) src(%dma_wait3A_1040 : memref<100001x128xf32, #tpu.memory_space<hbm>>) dst(%dma_wait3A_1035 : memref<256x128xf32, #tpu.memory_space<vmem>>)
    %add3A_1041 = arith.constant 5120 : i32
    %add3A_1042 = arith.addi %mul3A_2, %add3A_1041 : i32
    %dma_start3A_1043 = arith.constant 2 : i32
    %dma_start3A_1044 = arith.constant 0 : i32
    %dma_start3A_1045 = arith.constant 0 : i32
    %dma_start3A_1046 = tpu.memref_slice %arg6[%dma_start3A_1043, %dma_start3A_1044, %dma_start3A_1045] : memref<3x256x128xf32, #tpu.memory_space<vmem>> -> memref<1x256x128xf32, #tpu.memory_space<vmem>>
    %dma_start3A_1047 = tpu.memref_squeeze %dma_start3A_1046 : memref<1x256x128xf32, #tpu.memory_space<vmem>> -> memref<256x128xf32, #tpu.memory_space<vmem>>
    %dma_start3A_1048 = arith.constant 0 : i32
    %dma_start3A_1049 = tpu.memref_slice %arg4[%add3A_1042, %dma_start3A_1048] : memref<204800x128xf32, #tpu.memory_space<hbm>> -> memref<256x128xf32, #tpu.memory_space<hbm>>
    %dma_start3A_1050 = arith.constant 0 : i32
    %dma_start3A_1051 = tpu.memref_slice %arg4[%add3A_1042, %dma_start3A_1050] : memref<204800x128xf32, #tpu.memory_space<hbm>> -> memref<256x128xf32, #tpu.memory_space<hbm>>
    %dma_start3A_1052 = arith.constant 0 : i32
    %dma_start3A_1053 = arith.constant 0 : i32
    %dma_start3A_1054 = tpu.memref_slice %arg6[%dma_start3A_1043, %dma_start3A_1052, %dma_start3A_1053] : memref<3x256x128xf32, #tpu.memory_space<vmem>> -> memref<1x256x128xf32, #tpu.memory_space<vmem>>
    %dma_start3A_1055 = tpu.memref_squeeze %dma_start3A_1054 : memref<1x256x128xf32, #tpu.memory_space<vmem>> -> memref<256x128xf32, #tpu.memory_space<vmem>>
    tpu.enqueue_dma source(%dma_start3A_1055 : memref<256x128xf32, #tpu.memory_space<vmem>>) target(%dma_start3A_1051 : memref<256x128xf32, #tpu.memory_space<hbm>>) target_semaphore(%arg12 : memref<!tpu.dma_semaphore, #tpu.memory_space<semaphore_mem>>)
    %add3A_1056 = arith.constant 5120 : i32
    %add3A_1057 = arith.addi %mul3A_2, %add3A_1056 : i32
    %dma_wait3A_1058 = arith.constant 2 : i32
    %dma_wait3A_1059 = arith.constant 0 : i32
    %dma_wait3A_1060 = arith.constant 0 : i32
    %dma_wait3A_1061 = tpu.memref_slice %arg6[%dma_wait3A_1058, %dma_wait3A_1059, %dma_wait3A_1060] : memref<3x256x128xf32, #tpu.memory_space<vmem>> -> memref<1x256x128xf32, #tpu.memory_space<vmem>>
    %dma_wait3A_1062 = tpu.memref_squeeze %dma_wait3A_1061 : memref<1x256x128xf32, #tpu.memory_space<vmem>> -> memref<256x128xf32, #tpu.memory_space<vmem>>
    %dma_wait3A_1063 = arith.constant 0 : i32
    %dma_wait3A_1064 = tpu.memref_slice %arg4[%add3A_1057, %dma_wait3A_1063] : memref<204800x128xf32, #tpu.memory_space<hbm>> -> memref<256x128xf32, #tpu.memory_space<hbm>>
    %dma_wait3A_1065 = arith.constant 0 : i32
    %dma_wait3A_1066 = tpu.memref_slice %arg4[%add3A_1057, %dma_wait3A_1065] : memref<204800x128xf32, #tpu.memory_space<hbm>> -> memref<256x128xf32, #tpu.memory_space<hbm>>
    %dma_wait3A_1067 = arith.constant 0 : i32
    %dma_wait3A_1068 = arith.constant 0 : i32
    %dma_wait3A_1069 = tpu.memref_slice %arg6[%dma_wait3A_1058, %dma_wait3A_1067, %dma_wait3A_1068] : memref<3x256x128xf32, #tpu.memory_space<vmem>> -> memref<1x256x128xf32, #tpu.memory_space<vmem>>
    %dma_wait3A_1070 = tpu.memref_squeeze %dma_wait3A_1069 : memref<1x256x128xf32, #tpu.memory_space<vmem>> -> memref<256x128xf32, #tpu.memory_space<vmem>>
    tpu.wait_dma2 semaphore(%arg12 : memref<!tpu.dma_semaphore, #tpu.memory_space<semaphore_mem>>) src(%dma_wait3A_1070 : memref<256x128xf32, #tpu.memory_space<vmem>>) dst(%dma_wait3A_1066 : memref<256x128xf32, #tpu.memory_space<hbm>>)
    %dma_start3A_1071 = arith.constant 2 : i32
    %dma_start3A_1072 = arith.constant 0 : i32
    %dma_start3A_1073 = arith.constant 0 : i32
    %dma_start3A_1074 = tpu.memref_slice %arg6[%dma_start3A_1071, %dma_start3A_1072, %dma_start3A_1073] : memref<3x256x128xf32, #tpu.memory_space<vmem>> -> memref<1x256x128xf32, #tpu.memory_space<vmem>>
    %dma_start3A_1075 = tpu.memref_squeeze %dma_start3A_1074 : memref<1x256x128xf32, #tpu.memory_space<vmem>> -> memref<256x128xf32, #tpu.memory_space<vmem>>
    %dma_start3A_1076 = arith.constant 5888 : i32
    %dma_start3A_1077 = tpu.memref_slice %arg5[%dma_start3A_1076] : memref<6400xi32, #tpu.memory_space<vmem>> -> memref<256xi32, #tpu.memory_space<vmem>>
    %dma_start3A_1078 = arith.constant 0 : i32
    %dma_start3A_1079 = arith.constant 0 : i32
    %dma_start3A_1080 = tpu.memref_slice %arg3[%dma_start3A_1078, %dma_start3A_1079] : memref<100001x128xf32, #tpu.memory_space<hbm>> -> memref<100001x128xf32, #tpu.memory_space<hbm>>
    tpu.enqueue_indirect_dma source(%dma_start3A_1080 : memref<100001x128xf32, #tpu.memory_space<hbm>>) target(%dma_start3A_1075 : memref<256x128xf32, #tpu.memory_space<vmem>>) offsets(%dma_start3A_1077 : memref<256xi32, #tpu.memory_space<vmem>>) semaphore(%arg9 : memref<!tpu.dma_semaphore, #tpu.memory_space<semaphore_mem>>)
    %dma_wait3A_1081 = arith.constant 0 : i32
    %dma_wait3A_1082 = arith.constant 0 : i32
    %dma_wait3A_1083 = arith.constant 0 : i32
    %dma_wait3A_1084 = tpu.memref_slice %arg6[%dma_wait3A_1081, %dma_wait3A_1082, %dma_wait3A_1083] : memref<3x256x128xf32, #tpu.memory_space<vmem>> -> memref<1x256x128xf32, #tpu.memory_space<vmem>>
    %dma_wait3A_1085 = tpu.memref_squeeze %dma_wait3A_1084 : memref<1x256x128xf32, #tpu.memory_space<vmem>> -> memref<256x128xf32, #tpu.memory_space<vmem>>
    %dma_wait3A_1086 = arith.constant 5376 : i32
    %dma_wait3A_1087 = tpu.memref_slice %arg5[%dma_wait3A_1086] : memref<6400xi32, #tpu.memory_space<vmem>> -> memref<256xi32, #tpu.memory_space<vmem>>
    %dma_wait3A_1088 = arith.constant 0 : i32
    %dma_wait3A_1089 = arith.constant 0 : i32
    %dma_wait3A_1090 = tpu.memref_slice %arg3[%dma_wait3A_1088, %dma_wait3A_1089] : memref<100001x128xf32, #tpu.memory_space<hbm>> -> memref<100001x128xf32, #tpu.memory_space<hbm>>
    tpu.wait_indirect_dma semaphore(%arg7 : memref<!tpu.dma_semaphore, #tpu.memory_space<semaphore_mem>>) src(%dma_wait3A_1090 : memref<100001x128xf32, #tpu.memory_space<hbm>>) dst(%dma_wait3A_1085 : memref<256x128xf32, #tpu.memory_space<vmem>>)
    %add3A_1091 = arith.constant 5376 : i32
    %add3A_1092 = arith.addi %mul3A_2, %add3A_1091 : i32
    %dma_start3A_1093 = arith.constant 0 : i32
    %dma_start3A_1094 = arith.constant 0 : i32
    %dma_start3A_1095 = arith.constant 0 : i32
    %dma_start3A_1096 = tpu.memref_slice %arg6[%dma_start3A_1093, %dma_start3A_1094, %dma_start3A_1095] : memref<3x256x128xf32, #tpu.memory_space<vmem>> -> memref<1x256x128xf32, #tpu.memory_space<vmem>>
    %dma_start3A_1097 = tpu.memref_squeeze %dma_start3A_1096 : memref<1x256x128xf32, #tpu.memory_space<vmem>> -> memref<256x128xf32, #tpu.memory_space<vmem>>
    %dma_start3A_1098 = arith.constant 0 : i32
    %dma_start3A_1099 = tpu.memref_slice %arg4[%add3A_1092, %dma_start3A_1098] : memref<204800x128xf32, #tpu.memory_space<hbm>> -> memref<256x128xf32, #tpu.memory_space<hbm>>
    %dma_start3A_1100 = arith.constant 0 : i32
    %dma_start3A_1101 = tpu.memref_slice %arg4[%add3A_1092, %dma_start3A_1100] : memref<204800x128xf32, #tpu.memory_space<hbm>> -> memref<256x128xf32, #tpu.memory_space<hbm>>
    %dma_start3A_1102 = arith.constant 0 : i32
    %dma_start3A_1103 = arith.constant 0 : i32
    %dma_start3A_1104 = tpu.memref_slice %arg6[%dma_start3A_1093, %dma_start3A_1102, %dma_start3A_1103] : memref<3x256x128xf32, #tpu.memory_space<vmem>> -> memref<1x256x128xf32, #tpu.memory_space<vmem>>
    %dma_start3A_1105 = tpu.memref_squeeze %dma_start3A_1104 : memref<1x256x128xf32, #tpu.memory_space<vmem>> -> memref<256x128xf32, #tpu.memory_space<vmem>>
    tpu.enqueue_dma source(%dma_start3A_1105 : memref<256x128xf32, #tpu.memory_space<vmem>>) target(%dma_start3A_1101 : memref<256x128xf32, #tpu.memory_space<hbm>>) target_semaphore(%arg10 : memref<!tpu.dma_semaphore, #tpu.memory_space<semaphore_mem>>)
    %add3A_1106 = arith.constant 5376 : i32
    %add3A_1107 = arith.addi %mul3A_2, %add3A_1106 : i32
    %dma_wait3A_1108 = arith.constant 0 : i32
    %dma_wait3A_1109 = arith.constant 0 : i32
    %dma_wait3A_1110 = arith.constant 0 : i32
    %dma_wait3A_1111 = tpu.memref_slice %arg6[%dma_wait3A_1108, %dma_wait3A_1109, %dma_wait3A_1110] : memref<3x256x128xf32, #tpu.memory_space<vmem>> -> memref<1x256x128xf32, #tpu.memory_space<vmem>>
    %dma_wait3A_1112 = tpu.memref_squeeze %dma_wait3A_1111 : memref<1x256x128xf32, #tpu.memory_space<vmem>> -> memref<256x128xf32, #tpu.memory_space<vmem>>
    %dma_wait3A_1113 = arith.constant 0 : i32
    %dma_wait3A_1114 = tpu.memref_slice %arg4[%add3A_1107, %dma_wait3A_1113] : memref<204800x128xf32, #tpu.memory_space<hbm>> -> memref<256x128xf32, #tpu.memory_space<hbm>>
    %dma_wait3A_1115 = arith.constant 0 : i32
    %dma_wait3A_1116 = tpu.memref_slice %arg4[%add3A_1107, %dma_wait3A_1115] : memref<204800x128xf32, #tpu.memory_space<hbm>> -> memref<256x128xf32, #tpu.memory_space<hbm>>
    %dma_wait3A_1117 = arith.constant 0 : i32
    %dma_wait3A_1118 = arith.constant 0 : i32
    %dma_wait3A_1119 = tpu.memref_slice %arg6[%dma_wait3A_1108, %dma_wait3A_1117, %dma_wait3A_1118] : memref<3x256x128xf32, #tpu.memory_space<vmem>> -> memref<1x256x128xf32, #tpu.memory_space<vmem>>
    %dma_wait3A_1120 = tpu.memref_squeeze %dma_wait3A_1119 : memref<1x256x128xf32, #tpu.memory_space<vmem>> -> memref<256x128xf32, #tpu.memory_space<vmem>>
    tpu.wait_dma2 semaphore(%arg10 : memref<!tpu.dma_semaphore, #tpu.memory_space<semaphore_mem>>) src(%dma_wait3A_1120 : memref<256x128xf32, #tpu.memory_space<vmem>>) dst(%dma_wait3A_1116 : memref<256x128xf32, #tpu.memory_space<hbm>>)
    %dma_start3A_1121 = arith.constant 0 : i32
    %dma_start3A_1122 = arith.constant 0 : i32
    %dma_start3A_1123 = arith.constant 0 : i32
    %dma_start3A_1124 = tpu.memref_slice %arg6[%dma_start3A_1121, %dma_start3A_1122, %dma_start3A_1123] : memref<3x256x128xf32, #tpu.memory_space<vmem>> -> memref<1x256x128xf32, #tpu.memory_space<vmem>>
    %dma_start3A_1125 = tpu.memref_squeeze %dma_start3A_1124 : memref<1x256x128xf32, #tpu.memory_space<vmem>> -> memref<256x128xf32, #tpu.memory_space<vmem>>
    %dma_start3A_1126 = arith.constant 6144 : i32
    %dma_start3A_1127 = tpu.memref_slice %arg5[%dma_start3A_1126] : memref<6400xi32, #tpu.memory_space<vmem>> -> memref<256xi32, #tpu.memory_space<vmem>>
    %dma_start3A_1128 = arith.constant 0 : i32
    %dma_start3A_1129 = arith.constant 0 : i32
    %dma_start3A_1130 = tpu.memref_slice %arg3[%dma_start3A_1128, %dma_start3A_1129] : memref<100001x128xf32, #tpu.memory_space<hbm>> -> memref<100001x128xf32, #tpu.memory_space<hbm>>
    tpu.enqueue_indirect_dma source(%dma_start3A_1130 : memref<100001x128xf32, #tpu.memory_space<hbm>>) target(%dma_start3A_1125 : memref<256x128xf32, #tpu.memory_space<vmem>>) offsets(%dma_start3A_1127 : memref<256xi32, #tpu.memory_space<vmem>>) semaphore(%arg7 : memref<!tpu.dma_semaphore, #tpu.memory_space<semaphore_mem>>)
    %dma_wait3A_1131 = arith.constant 1 : i32
    %dma_wait3A_1132 = arith.constant 0 : i32
    %dma_wait3A_1133 = arith.constant 0 : i32
    %dma_wait3A_1134 = tpu.memref_slice %arg6[%dma_wait3A_1131, %dma_wait3A_1132, %dma_wait3A_1133] : memref<3x256x128xf32, #tpu.memory_space<vmem>> -> memref<1x256x128xf32, #tpu.memory_space<vmem>>
    %dma_wait3A_1135 = tpu.memref_squeeze %dma_wait3A_1134 : memref<1x256x128xf32, #tpu.memory_space<vmem>> -> memref<256x128xf32, #tpu.memory_space<vmem>>
    %dma_wait3A_1136 = arith.constant 5632 : i32
    %dma_wait3A_1137 = tpu.memref_slice %arg5[%dma_wait3A_1136] : memref<6400xi32, #tpu.memory_space<vmem>> -> memref<256xi32, #tpu.memory_space<vmem>>
    %dma_wait3A_1138 = arith.constant 0 : i32
    %dma_wait3A_1139 = arith.constant 0 : i32
    %dma_wait3A_1140 = tpu.memref_slice %arg3[%dma_wait3A_1138, %dma_wait3A_1139] : memref<100001x128xf32, #tpu.memory_space<hbm>> -> memref<100001x128xf32, #tpu.memory_space<hbm>>
    tpu.wait_indirect_dma semaphore(%arg8 : memref<!tpu.dma_semaphore, #tpu.memory_space<semaphore_mem>>) src(%dma_wait3A_1140 : memref<100001x128xf32, #tpu.memory_space<hbm>>) dst(%dma_wait3A_1135 : memref<256x128xf32, #tpu.memory_space<vmem>>)
    %add3A_1141 = arith.constant 5632 : i32
    %add3A_1142 = arith.addi %mul3A_2, %add3A_1141 : i32
    %dma_start3A_1143 = arith.constant 1 : i32
    %dma_start3A_1144 = arith.constant 0 : i32
    %dma_start3A_1145 = arith.constant 0 : i32
    %dma_start3A_1146 = tpu.memref_slice %arg6[%dma_start3A_1143, %dma_start3A_1144, %dma_start3A_1145] : memref<3x256x128xf32, #tpu.memory_space<vmem>> -> memref<1x256x128xf32, #tpu.memory_space<vmem>>
    %dma_start3A_1147 = tpu.memref_squeeze %dma_start3A_1146 : memref<1x256x128xf32, #tpu.memory_space<vmem>> -> memref<256x128xf32, #tpu.memory_space<vmem>>
    %dma_start3A_1148 = arith.constant 0 : i32
    %dma_start3A_1149 = tpu.memref_slice %arg4[%add3A_1142, %dma_start3A_1148] : memref<204800x128xf32, #tpu.memory_space<hbm>> -> memref<256x128xf32, #tpu.memory_space<hbm>>
    %dma_start3A_1150 = arith.constant 0 : i32
    %dma_start3A_1151 = tpu.memref_slice %arg4[%add3A_1142, %dma_start3A_1150] : memref<204800x128xf32, #tpu.memory_space<hbm>> -> memref<256x128xf32, #tpu.memory_space<hbm>>
    %dma_start3A_1152 = arith.constant 0 : i32
    %dma_start3A_1153 = arith.constant 0 : i32
    %dma_start3A_1154 = tpu.memref_slice %arg6[%dma_start3A_1143, %dma_start3A_1152, %dma_start3A_1153] : memref<3x256x128xf32, #tpu.memory_space<vmem>> -> memref<1x256x128xf32, #tpu.memory_space<vmem>>
    %dma_start3A_1155 = tpu.memref_squeeze %dma_start3A_1154 : memref<1x256x128xf32, #tpu.memory_space<vmem>> -> memref<256x128xf32, #tpu.memory_space<vmem>>
    tpu.enqueue_dma source(%dma_start3A_1155 : memref<256x128xf32, #tpu.memory_space<vmem>>) target(%dma_start3A_1151 : memref<256x128xf32, #tpu.memory_space<hbm>>) target_semaphore(%arg11 : memref<!tpu.dma_semaphore, #tpu.memory_space<semaphore_mem>>)
    %dma_wait3A_1156 = arith.constant 2 : i32
    %dma_wait3A_1157 = arith.constant 0 : i32
    %dma_wait3A_1158 = arith.constant 0 : i32
    %dma_wait3A_1159 = tpu.memref_slice %arg6[%dma_wait3A_1156, %dma_wait3A_1157, %dma_wait3A_1158] : memref<3x256x128xf32, #tpu.memory_space<vmem>> -> memref<1x256x128xf32, #tpu.memory_space<vmem>>
    %dma_wait3A_1160 = tpu.memref_squeeze %dma_wait3A_1159 : memref<1x256x128xf32, #tpu.memory_space<vmem>> -> memref<256x128xf32, #tpu.memory_space<vmem>>
    %dma_wait3A_1161 = arith.constant 5888 : i32
    %dma_wait3A_1162 = tpu.memref_slice %arg5[%dma_wait3A_1161] : memref<6400xi32, #tpu.memory_space<vmem>> -> memref<256xi32, #tpu.memory_space<vmem>>
    %dma_wait3A_1163 = arith.constant 0 : i32
    %dma_wait3A_1164 = arith.constant 0 : i32
    %dma_wait3A_1165 = tpu.memref_slice %arg3[%dma_wait3A_1163, %dma_wait3A_1164] : memref<100001x128xf32, #tpu.memory_space<hbm>> -> memref<100001x128xf32, #tpu.memory_space<hbm>>
    tpu.wait_indirect_dma semaphore(%arg9 : memref<!tpu.dma_semaphore, #tpu.memory_space<semaphore_mem>>) src(%dma_wait3A_1165 : memref<100001x128xf32, #tpu.memory_space<hbm>>) dst(%dma_wait3A_1160 : memref<256x128xf32, #tpu.memory_space<vmem>>)
    %add3A_1166 = arith.constant 5888 : i32
    %add3A_1167 = arith.addi %mul3A_2, %add3A_1166 : i32
    %dma_start3A_1168 = arith.constant 2 : i32
    %dma_start3A_1169 = arith.constant 0 : i32
    %dma_start3A_1170 = arith.constant 0 : i32
    %dma_start3A_1171 = tpu.memref_slice %arg6[%dma_start3A_1168, %dma_start3A_1169, %dma_start3A_1170] : memref<3x256x128xf32, #tpu.memory_space<vmem>> -> memref<1x256x128xf32, #tpu.memory_space<vmem>>
    %dma_start3A_1172 = tpu.memref_squeeze %dma_start3A_1171 : memref<1x256x128xf32, #tpu.memory_space<vmem>> -> memref<256x128xf32, #tpu.memory_space<vmem>>
    %dma_start3A_1173 = arith.constant 0 : i32
    %dma_start3A_1174 = tpu.memref_slice %arg4[%add3A_1167, %dma_start3A_1173] : memref<204800x128xf32, #tpu.memory_space<hbm>> -> memref<256x128xf32, #tpu.memory_space<hbm>>
    %dma_start3A_1175 = arith.constant 0 : i32
    %dma_start3A_1176 = tpu.memref_slice %arg4[%add3A_1167, %dma_start3A_1175] : memref<204800x128xf32, #tpu.memory_space<hbm>> -> memref<256x128xf32, #tpu.memory_space<hbm>>
    %dma_start3A_1177 = arith.constant 0 : i32
    %dma_start3A_1178 = arith.constant 0 : i32
    %dma_start3A_1179 = tpu.memref_slice %arg6[%dma_start3A_1168, %dma_start3A_1177, %dma_start3A_1178] : memref<3x256x128xf32, #tpu.memory_space<vmem>> -> memref<1x256x128xf32, #tpu.memory_space<vmem>>
    %dma_start3A_1180 = tpu.memref_squeeze %dma_start3A_1179 : memref<1x256x128xf32, #tpu.memory_space<vmem>> -> memref<256x128xf32, #tpu.memory_space<vmem>>
    tpu.enqueue_dma source(%dma_start3A_1180 : memref<256x128xf32, #tpu.memory_space<vmem>>) target(%dma_start3A_1176 : memref<256x128xf32, #tpu.memory_space<hbm>>) target_semaphore(%arg12 : memref<!tpu.dma_semaphore, #tpu.memory_space<semaphore_mem>>)
    %dma_wait3A_1181 = arith.constant 0 : i32
    %dma_wait3A_1182 = arith.constant 0 : i32
    %dma_wait3A_1183 = arith.constant 0 : i32
    %dma_wait3A_1184 = tpu.memref_slice %arg6[%dma_wait3A_1181, %dma_wait3A_1182, %dma_wait3A_1183] : memref<3x256x128xf32, #tpu.memory_space<vmem>> -> memref<1x256x128xf32, #tpu.memory_space<vmem>>
    %dma_wait3A_1185 = tpu.memref_squeeze %dma_wait3A_1184 : memref<1x256x128xf32, #tpu.memory_space<vmem>> -> memref<256x128xf32, #tpu.memory_space<vmem>>
    %dma_wait3A_1186 = arith.constant 6144 : i32
    %dma_wait3A_1187 = tpu.memref_slice %arg5[%dma_wait3A_1186] : memref<6400xi32, #tpu.memory_space<vmem>> -> memref<256xi32, #tpu.memory_space<vmem>>
    %dma_wait3A_1188 = arith.constant 0 : i32
    %dma_wait3A_1189 = arith.constant 0 : i32
    %dma_wait3A_1190 = tpu.memref_slice %arg3[%dma_wait3A_1188, %dma_wait3A_1189] : memref<100001x128xf32, #tpu.memory_space<hbm>> -> memref<100001x128xf32, #tpu.memory_space<hbm>>
    tpu.wait_indirect_dma semaphore(%arg7 : memref<!tpu.dma_semaphore, #tpu.memory_space<semaphore_mem>>) src(%dma_wait3A_1190 : memref<100001x128xf32, #tpu.memory_space<hbm>>) dst(%dma_wait3A_1185 : memref<256x128xf32, #tpu.memory_space<vmem>>)
    %add3A_1191 = arith.constant 6144 : i32
    %add3A_1192 = arith.addi %mul3A_2, %add3A_1191 : i32
    %dma_start3A_1193 = arith.constant 0 : i32
    %dma_start3A_1194 = arith.constant 0 : i32
    %dma_start3A_1195 = arith.constant 0 : i32
    %dma_start3A_1196 = tpu.memref_slice %arg6[%dma_start3A_1193, %dma_start3A_1194, %dma_start3A_1195] : memref<3x256x128xf32, #tpu.memory_space<vmem>> -> memref<1x256x128xf32, #tpu.memory_space<vmem>>
    %dma_start3A_1197 = tpu.memref_squeeze %dma_start3A_1196 : memref<1x256x128xf32, #tpu.memory_space<vmem>> -> memref<256x128xf32, #tpu.memory_space<vmem>>
    %dma_start3A_1198 = arith.constant 0 : i32
    %dma_start3A_1199 = tpu.memref_slice %arg4[%add3A_1192, %dma_start3A_1198] : memref<204800x128xf32, #tpu.memory_space<hbm>> -> memref<256x128xf32, #tpu.memory_space<hbm>>
    %dma_start3A_1200 = arith.constant 0 : i32
    %dma_start3A_1201 = tpu.memref_slice %arg4[%add3A_1192, %dma_start3A_1200] : memref<204800x128xf32, #tpu.memory_space<hbm>> -> memref<256x128xf32, #tpu.memory_space<hbm>>
    %dma_start3A_1202 = arith.constant 0 : i32
    %dma_start3A_1203 = arith.constant 0 : i32
    %dma_start3A_1204 = tpu.memref_slice %arg6[%dma_start3A_1193, %dma_start3A_1202, %dma_start3A_1203] : memref<3x256x128xf32, #tpu.memory_space<vmem>> -> memref<1x256x128xf32, #tpu.memory_space<vmem>>
    %dma_start3A_1205 = tpu.memref_squeeze %dma_start3A_1204 : memref<1x256x128xf32, #tpu.memory_space<vmem>> -> memref<256x128xf32, #tpu.memory_space<vmem>>
    tpu.enqueue_dma source(%dma_start3A_1205 : memref<256x128xf32, #tpu.memory_space<vmem>>) target(%dma_start3A_1201 : memref<256x128xf32, #tpu.memory_space<hbm>>) target_semaphore(%arg10 : memref<!tpu.dma_semaphore, #tpu.memory_space<semaphore_mem>>)
    %add3A_1206 = arith.constant 5632 : i32
    %add3A_1207 = arith.addi %mul3A_2, %add3A_1206 : i32
    %dma_wait3A_1208 = arith.constant 1 : i32
    %dma_wait3A_1209 = arith.constant 0 : i32
    %dma_wait3A_1210 = arith.constant 0 : i32
    %dma_wait3A_1211 = tpu.memref_slice %arg6[%dma_wait3A_1208, %dma_wait3A_1209, %dma_wait3A_1210] : memref<3x256x128xf32, #tpu.memory_space<vmem>> -> memref<1x256x128xf32, #tpu.memory_space<vmem>>
    %dma_wait3A_1212 = tpu.memref_squeeze %dma_wait3A_1211 : memref<1x256x128xf32, #tpu.memory_space<vmem>> -> memref<256x128xf32, #tpu.memory_space<vmem>>
    %dma_wait3A_1213 = arith.constant 0 : i32
    %dma_wait3A_1214 = tpu.memref_slice %arg4[%add3A_1207, %dma_wait3A_1213] : memref<204800x128xf32, #tpu.memory_space<hbm>> -> memref<256x128xf32, #tpu.memory_space<hbm>>
    %dma_wait3A_1215 = arith.constant 0 : i32
    %dma_wait3A_1216 = tpu.memref_slice %arg4[%add3A_1207, %dma_wait3A_1215] : memref<204800x128xf32, #tpu.memory_space<hbm>> -> memref<256x128xf32, #tpu.memory_space<hbm>>
    %dma_wait3A_1217 = arith.constant 0 : i32
    %dma_wait3A_1218 = arith.constant 0 : i32
    %dma_wait3A_1219 = tpu.memref_slice %arg6[%dma_wait3A_1208, %dma_wait3A_1217, %dma_wait3A_1218] : memref<3x256x128xf32, #tpu.memory_space<vmem>> -> memref<1x256x128xf32, #tpu.memory_space<vmem>>
    %dma_wait3A_1220 = tpu.memref_squeeze %dma_wait3A_1219 : memref<1x256x128xf32, #tpu.memory_space<vmem>> -> memref<256x128xf32, #tpu.memory_space<vmem>>
    tpu.wait_dma2 semaphore(%arg11 : memref<!tpu.dma_semaphore, #tpu.memory_space<semaphore_mem>>) src(%dma_wait3A_1220 : memref<256x128xf32, #tpu.memory_space<vmem>>) dst(%dma_wait3A_1216 : memref<256x128xf32, #tpu.memory_space<hbm>>)
    %add3A_1221 = arith.constant 5888 : i32
    %add3A_1222 = arith.addi %mul3A_2, %add3A_1221 : i32
    %dma_wait3A_1223 = arith.constant 2 : i32
    %dma_wait3A_1224 = arith.constant 0 : i32
    %dma_wait3A_1225 = arith.constant 0 : i32
    %dma_wait3A_1226 = tpu.memref_slice %arg6[%dma_wait3A_1223, %dma_wait3A_1224, %dma_wait3A_1225] : memref<3x256x128xf32, #tpu.memory_space<vmem>> -> memref<1x256x128xf32, #tpu.memory_space<vmem>>
    %dma_wait3A_1227 = tpu.memref_squeeze %dma_wait3A_1226 : memref<1x256x128xf32, #tpu.memory_space<vmem>> -> memref<256x128xf32, #tpu.memory_space<vmem>>
    %dma_wait3A_1228 = arith.constant 0 : i32
    %dma_wait3A_1229 = tpu.memref_slice %arg4[%add3A_1222, %dma_wait3A_1228] : memref<204800x128xf32, #tpu.memory_space<hbm>> -> memref<256x128xf32, #tpu.memory_space<hbm>>
    %dma_wait3A_1230 = arith.constant 0 : i32
    %dma_wait3A_1231 = tpu.memref_slice %arg4[%add3A_1222, %dma_wait3A_1230] : memref<204800x128xf32, #tpu.memory_space<hbm>> -> memref<256x128xf32, #tpu.memory_space<hbm>>
    %dma_wait3A_1232 = arith.constant 0 : i32
    %dma_wait3A_1233 = arith.constant 0 : i32
    %dma_wait3A_1234 = tpu.memref_slice %arg6[%dma_wait3A_1223, %dma_wait3A_1232, %dma_wait3A_1233] : memref<3x256x128xf32, #tpu.memory_space<vmem>> -> memref<1x256x128xf32, #tpu.memory_space<vmem>>
    %dma_wait3A_1235 = tpu.memref_squeeze %dma_wait3A_1234 : memref<1x256x128xf32, #tpu.memory_space<vmem>> -> memref<256x128xf32, #tpu.memory_space<vmem>>
    tpu.wait_dma2 semaphore(%arg12 : memref<!tpu.dma_semaphore, #tpu.memory_space<semaphore_mem>>) src(%dma_wait3A_1235 : memref<256x128xf32, #tpu.memory_space<vmem>>) dst(%dma_wait3A_1231 : memref<256x128xf32, #tpu.memory_space<hbm>>)
    %add3A_1236 = arith.constant 6144 : i32
    %add3A_1237 = arith.addi %mul3A_2, %add3A_1236 : i32
    %dma_wait3A_1238 = arith.constant 0 : i32
    %dma_wait3A_1239 = arith.constant 0 : i32
    %dma_wait3A_1240 = arith.constant 0 : i32
    %dma_wait3A_1241 = tpu.memref_slice %arg6[%dma_wait3A_1238, %dma_wait3A_1239, %dma_wait3A_1240] : memref<3x256x128xf32, #tpu.memory_space<vmem>> -> memref<1x256x128xf32, #tpu.memory_space<vmem>>
    %dma_wait3A_1242 = tpu.memref_squeeze %dma_wait3A_1241 : memref<1x256x128xf32, #tpu.memory_space<vmem>> -> memref<256x128xf32, #tpu.memory_space<vmem>>
    %dma_wait3A_1243 = arith.constant 0 : i32
    %dma_wait3A_1244 = tpu.memref_slice %arg4[%add3A_1237, %dma_wait3A_1243] : memref<204800x128xf32, #tpu.memory_space<hbm>> -> memref<256x128xf32, #tpu.memory_space<hbm>>
    %dma_wait3A_1245 = arith.constant 0 : i32
    %dma_wait3A_1246 = tpu.memref_slice %arg4[%add3A_1237, %dma_wait3A_1245] : memref<204800x128xf32, #tpu.memory_space<hbm>> -> memref<256x128xf32, #tpu.memory_space<hbm>>
    %dma_wait3A_1247 = arith.constant 0 : i32
    %dma_wait3A_1248 = arith.constant 0 : i32
    %dma_wait3A_1249 = tpu.memref_slice %arg6[%dma_wait3A_1238, %dma_wait3A_1247, %dma_wait3A_1248] : memref<3x256x128xf32, #tpu.memory_space<vmem>> -> memref<1x256x128xf32, #tpu.memory_space<vmem>>
    %dma_wait3A_1250 = tpu.memref_squeeze %dma_wait3A_1249 : memref<1x256x128xf32, #tpu.memory_space<vmem>> -> memref<256x128xf32, #tpu.memory_space<vmem>>
    tpu.wait_dma2 semaphore(%arg10 : memref<!tpu.dma_semaphore, #tpu.memory_space<semaphore_mem>>) src(%dma_wait3A_1250 : memref<256x128xf32, #tpu.memory_space<vmem>>) dst(%dma_wait3A_1246 : memref<256x128xf32, #tpu.memory_space<hbm>>)
    return
  }
}

</mosaic_0001>

<sc_bundles>
// kernel: _embed.3.cloned.1.call-start
scs
__scs_entry_jumppad:
0x0: {  	(pc) =	sbr.rel $0x88, $3  }
0x1: {  	(tag) =	ssettag $0x0;
	lr =	simm.s32 $0x1  }
0x2: {  	[smem:$0x3F9F] =	sst lr;
	_ =	strace $0xD0000000  }
0x3: {  	_ = 	snop  }
0x4: {  	_ = 	snop  }
0x5: {  	_ = 	snop  }
0x6: {  	_ = 	snop  }
0x7: {  	_ = 	snop  }
__scs_overlays_trampoline_lowered:
0x8: {  	[smem:$0x3FAE] =	sst s0  }
0x9: {  	[smem:$0x3FAF] =	sst s1  }
0xa: {  	[smem:$0x3FB0] =	sst s2  }
0xb: {  	[smem:$0x3FB1] =	sst s3  }
0xc: {  	[smem:$0x3FB2] =	sst s4  }
0xd: {  	[smem:$0x3FB3] =	sst s5  }
0xe: {  	[smem:$0x3FB4] =	sst s6  }
0xf: {  	[smem:$0x3FB5] =	sst s7  }
0x10: {  	[smem:$0x3FB6] =	sst s8  }
0x11: {  	[smem:$0x3FB7] =	sst s9;
	s0 =	simm.s32 @!p0 $0x0  }
0x12: {  	s1 =	sld [smem:$0x3F9D];
	s0 =	simm.s32 @p0 $0x1  }
0x13: {  	[smem:$0x3FB8] =	sst s0;
	s0 =	simm.s32 @!p1 $0x0  }
0x14: {  	s2 =	sld [smem:$0x3F9C];
	s0 =	simm.s32 @p1 $0x1  }
0x15: {  	[smem:$0x3FB9] =	sst s0;
	s0 =	simm.s32 @!p2 $0x0  }
0x16: {  	s3 =	sld [smem:$0x3FDB];
	s0 =	simm.s32 @p2 $0x1  }
0x17: {  	s4 =	simm.s32 $0x1BF5;
	[smem:$0x3FBB] =	sst s0  }
0x18: {  	s0 =	sld [smem:$0x3F9E];
	_ =	swait.ge [sflag:s4], $0x0  }
0x19: {  	s7 =	sld [smem:$0x3F9F]  }
0x1a: {  	s8 =	sadd.s32 $0xFFFFE003, lr  }
0x1b: {  	s9 =	sadd.s32 $0xFFFFFEF7, lr;
	s5 =	simm.s32 $0xFFFFFFFF;
	p2 =	slt.u32 s8, $0xFFFFF086  }
0x1c: {  	p1 =	slt.u32 s9, $0xF7A;
	s5 =	simm.s32 @!p2 $0x0  }
0x1d: {  	s5 =	simm.s32 @p1 $0x1;
	p0 =	seq.s32 s7, s2  }
0x1e: {  	s7 =	smul.u32 @!p0 $0xF7A, s2;
	p2 =	seq.s32 @!p0 s5, $0x0  }
0x1f: {  	s9 =	smul.u32 $0xF7A, s1;
	s8 =	simm.s32 @!p0 $0x1BF5;
	p2 =	por !p2, p0  }
0x20: {  	[sflag:s8] =	ssyncset.s32 @!p0 $0xFFFFF086;
	s6 =	sadd.s32 @!p0 s3, s7;
	s7 =	simm.s32 @!p0 $0x108  }
0x21: {  	s3 =	sadd.s32 s3, s9;
	s6 =	sadd.s32 @!p0 $0x88, s6;
	s7 =	simm.s32 @p2 $0x1082  }
0x22: {  	[simem:s7], [sflag:s8] =	dma.local @!p0 [hbm:s6], $0xF7A  }
0x23: {  	s9 =	sor.u32 $0xD0000000, s2;
	s6 =	simm.s32 $0x108;
	_ =	swait.ge @!p0 [sflag:s8], $0x0  }
0x24: {  	s3 =	sadd.s32 $0x88, s3;
	s6 =	simm.s32 @!p1 $0x1082;
	[sflag:s4] =	ssyncset.s32 $0xFFFFF086  }
0x25: {  	[simem:s6], [sflag:s4] =	dma.local [hbm:s3], $0xF7A  }
0x26: {  	[smem:$0x3F9F] =	sst s1;
	(tag) =	ssettag s2;
	_ =	strace s9  }
0x27: {  	s1 =	sld [smem:$0x3FAF]  }
0x28: {  	s2 =	sld [smem:$0x3FB0]  }
0x29: {  	s4 =	sld [smem:$0x3FB2]  }
0x2a: {  	p0 =	seq.s32 s5, $0x0;
	s5 =	sld [smem:$0x3FB3]  }
0x2b: {  	s6 =	sld [smem:$0x3FB4]  }
0x2c: {  	s7 =	sld [smem:$0x3FB5]  }
0x2d: {  	s3 =	simm.s32 $0x108;
	s8 =	sld [smem:$0x3FB6]  }
0x2e: {  	s3 =	simm.s32 @!p0 $0x1082;
	s9 =	sld [smem:$0x3FB7]  }
0x2f: {  	lr =	sadd.s32 s0, s3;
	s0 =	sld [smem:$0x3FAE]  }
0x30: {  	s3 =	sld [smem:$0x3FB1]  }
0x31: {  	[smem:$0x3FBA] =	sst s10  }
0x32: {  	s10 =	sld [smem:$0x3FB8];
	_ =	sdelay $0x3  }
0x33: {  	p0 =	seq.s32 s10, $0x1;
	s10 =	sld [smem:$0x3FBA];
	_ =	sdelay $0x3  }
0x34: {  	[smem:$0x3FBA] =	sst s10  }
0x35: {  	s10 =	sld [smem:$0x3FB9];
	_ =	sdelay $0x3  }
0x36: {  	p1 =	seq.s32 s10, $0x1;
	s10 =	sld [smem:$0x3FBA];
	_ =	sdelay $0x3  }
0x37: {  	[smem:$0x3FBA] =	sst s10  }
0x38: {  	s10 =	sld [smem:$0x3FBB]  }
0x39: {  	_ = 	snop;
	(pc) =	sbr.ind lr, $3  }
0x3a: {  	_ = 	snop  }
0x3b: {  	_ = 	snop  }
0x3c: {  	p2 =	seq.s32 s10, $0x1;
	s10 =	sld [smem:$0x3FBA]  }
0x3d: {  	_ =	shalt  }
0x3e: {  	_ =	shalt  }
0x3f: {  	_ =	shalt  }
0x40: {  	_ =	shalt  }
0x41: {  	_ =	shalt  }
0x42: {  	_ =	shalt  }
0x43: {  	_ =	shalt  }
0x44: {  	_ =	shalt  }
0x45: {  	_ =	shalt  }
0x46: {  	_ =	shalt  }
0x47: {  	_ =	shalt  }
0x48: {  	_ =	shalt  }
0x49: {  	_ =	shalt  }
0x4a: {  	_ =	shalt  }
0x4b: {  	_ =	shalt  }
0x4c: {  	_ =	shalt  }
0x4d: {  	_ =	shalt  }
0x4e: {  	_ =	shalt  }
0x4f: {  	_ =	shalt  }
0x50: {  	_ =	shalt  }
0x51: {  	_ =	shalt  }
0x52: {  	_ =	shalt  }
0x53: {  	_ =	shalt  }
0x54: {  	_ =	shalt  }
0x55: {  	_ =	shalt  }
0x56: {  	_ =	shalt  }
0x57: {  	_ =	shalt  }
0x58: {  	_ =	shalt  }
0x59: {  	_ =	shalt  }
0x5a: {  	_ =	shalt  }
0x5b: {  	_ =	shalt  }
0x5c: {  	_ =	shalt  }
0x5d: {  	_ =	shalt  }
0x5e: {  	_ =	shalt  }
0x5f: {  	_ =	shalt  }
0x60: {  	_ =	shalt  }
0x61: {  	_ =	shalt  }
0x62: {  	_ =	shalt  }
0x63: {  	_ =	shalt  }
0x64: {  	_ =	shalt  }
0x65: {  	_ =	shalt  }
0x66: {  	_ =	shalt  }
0x67: {  	_ =	shalt  }
0x68: {  	_ =	shalt  }
0x69: {  	_ =	shalt  }
0x6a: {  	_ =	shalt  }
0x6b: {  	_ =	shalt  }
0x6c: {  	_ =	shalt  }
0x6d: {  	_ =	shalt  }
0x6e: {  	_ =	shalt  }
0x6f: {  	_ =	shalt  }
0x70: {  	_ =	shalt  }
0x71: {  	_ =	shalt  }
0x72: {  	_ =	shalt  }
0x73: {  	_ =	shalt  }
0x74: {  	_ =	shalt  }
0x75: {  	_ =	shalt  }
0x76: {  	_ =	shalt  }
0x77: {  	_ =	shalt  }
0x78: {  	_ =	shalt  }
0x79: {  	_ =	shalt  }
0x7a: {  	_ =	shalt  }
0x7b: {  	_ =	shalt  }
0x7c: {  	_ =	shalt  }
0x7d: {  	_ =	shalt  }
0x7e: {  	_ =	shalt  }
0x7f: {  	_ =	shalt  }
0x80: {  	_ =	shalt  }
0x81: {  	_ =	shalt  }
0x82: {  	_ =	shalt  }
0x83: {  	_ =	shalt  }
0x84: {  	_ =	shalt  }
0x85: {  	_ =	shalt  }
0x86: {  	_ =	shalt  }
0x87: {  	_ =	shalt  }
.Lfunc_end0:
.L_simem_size_0:
called_computation_lowered:
.L_overlay_start_0:
0x88: {  	s2 =	sld [smem:$0x3FD9]  }
0x89: {  	s3 =	sld [smem:$0x3FFE];
	_ =	sdelay $0x1  }
0x8a: {  	s1 =	srdreg.scid  }
0x8b: {  	s0 =	sand.u32 $0x1, s1  }
0x8c: {  	s18 =	sshll.u32 s0, $0xA;
	s2 =	sadd.s32 s3, s2  }
0x8d: {  	s2 =	sadd.s32 s2, s18  }
0x8e: {  	[smem:$0x3FC6] =	sst s2  }
0x8f: {  	_ = 	snop  }
0x90: {  	s2 =	sld [smem:$0x3FC9]  }
0x91: {  	s19 =	sld [smem:$0x3FC8]  }
0x92: {  	s4 =	sld [smem:$0x3FD0];
	(tm) =	ssettm $0x1  }
0x93: {  	s5 =	sld [smem:$0x3FFB];
	_ =	sdelay $0x3  }
0x94: {  	_ =	strace s5  }
0x95: {  	s5 =	sld [smem:$0x3FFC];
	_ =	sdelay $0x3  }
0x96: {  	_ =	strace s5  }
0x97: {  	s5 =	sld [smem:$0x3FFD];
	_ =	sdelay $0x3  }
0x98: {  	_ =	strace s5  }
0x99: {  	_ =	strace $0x8FFFFFFF  }
0x9a: {  	s20 =	sld [smem:$0x3FDB];
	_ =	sdelay $0x1  }
0x9b: {  	s6 =	simm.s32 $_scs_section_size  }
0x9c: {  	s7 =	simm.s32 $_size__tile_overlayer_lowered;
	s8 =	simm.s32 $_tile_overlayer_lowered  }
0x9d: {  	s23 =	simm.s32 $0x1BFF;
	s22 =	sshll.u32 s8, $0x1;
	s5 =	sadd.s32 s6, s20  }
0x9e: {  	s9 =	simm.s32 $0x0;
	s21 =	sshll.u32 s7, $0x1;
	s7 =	sadd.s32 s22, s5  }
0x9f: {  	[timem:s9], [sflag:s23] =	dma.local [hbm:s7], s21  }
0xa0: {  	_ =	swait.ge [sflag:s23], s21  }
0xa1: {  	s6 =	ssub.s32 $0x0, s21;
	[sflag:s23] =	ssyncset.done $0x0  }
0xa2: {  	[sflag:s23] =	ssyncadd.s32 s6;
	_ =	sdelay $0x1  }
0xa3: {  	s24 =	simm.s32 $0x1B8B  }
0xa4: {  	_ =	swait.ge [sflag:s24], $0x1  }
0xa5: {  	[sflag:s24] =	ssyncset.done $0x0  }
0xa6: {  	s25 =	simm.s32 $0x1B8E;
	[sflag:s24] =	ssyncadd.s32 $0xFFFFFFFF  }
0xa7: {  	s26 =	simm.s32 $execute0_lowered;
	[smem:$0x3FD2] =	sst s25  }
0xa8: {  	s6 =	sshll.u32 s26, $0x1;
	_ =	strace $0x80000046;
	[dreg:$0x1] =	wrdreg $0xFFFFFFFF  }
0xa9: {  	s28 =	simm.s32 $_size_execute0_lowered;
	s5 =	sadd.s32 s5, s6;
	[dreg:$0x0] =	wrdreg $0x0  }
0xaa: {  	s6 =	sshll.u32 s28, $0x1;
	[dreg:$0x2] =	wrdreg s5  }
0xab: {  	[dreg:$0x3] =	wrdreg s6  }
0xac: {  	[dreg:$0x4] =	wrdreg $0xC0  }
0xad: {  	_ =	task [dreg:s9], $0x5FFFF  }
0xae: {  	[dreg:$0x1] =	wrdreg $0xFFFFFFFF  }
0xaf: {  	[dreg:$0x0] =	wrdreg $0x60  }
0xb0: {  	[dreg:$0x2] =	wrdreg s2  }
0xb1: {  	[dreg:$0x3] =	wrdreg s19  }
0xb2: {  	[dreg:$0x4] =	wrdreg s4  }
0xb3: {  	[dreg:$0x5] =	wrdreg $0x9  }
0xb4: {  	_ =	task.clear_ibuf [dreg:s9], $0x6FFFF;
	_ =	strace $0x90000046  }
0xb5: {  	s29 =	simm.s32 $0x9;
	_ =	strace $0x80000048  }
0xb6: {  	_ =	swait.ge [sflag:s29], $0x1  }
0xb7: {  	[sflag:s29] =	ssyncadd.s32 $0xFFFFFFFF  }
0xb8: {  	_ =	strace $0x90000048  }
0xb9: {  	_ =	sfence  }
0xba: {  	s30 =	sld [smem:$0x0];
	_ =	sdelay $0x2  }
0xbb: {  	s31 =	sshll.u32 s1, $0xD;
	s1 =	sshrl.u32 s1, $0x2  }
0xbc: {  	s3 =	sand.u32 $0x4000, s31;
	s1 =	sadd.s32 s1, s30  }
0xbd: {  	s0 =	sor.u32 s3, s0;
	s1 =	sshll.u32 s1, $0x11  }
0xbe: {  	s0 =	sor.u32 s1, s0  }
0xbf: {  	s0 =	sadd.s32 $0x8F2B, s0  }
0xc0: {  	[sflag:s0] =	ssyncadd.remote.s32 $0x1  }
0xc1: {  	_ =	sfence.sel $0xFFFF  }
0xc2: {  	[dreg:$0x0] =	wrdreg $0xFFFFFFFF;
	(pc) =	sbr.abs _section_cstart, $3  }
0xc3: {  	[dreg:$0x1] =	wrdreg $0xFFFFFFFF  }
0xc4: {  	_ =	task.clear_ibuf [dreg:s9], $0x2FFFF;
	_ =	strace $0x9FFFFFFF  }
0xc5: {  	(tm) =	ssettm $0x7FFFFFFF  }
tec
execute0_lowered:
.L_overlay_start_1:
0x0: {  	(tag) =	ssettag $0x1  }
0x1: {  	s0 =	srdreg.scid;
	s2 =	stileid.u32  }
0x2: {  	s0 =	sand.u32 $0x1, s0;
	s2 =	sshll.u32 s2, $0x1  }
0x3: {  	s1 =	rddreg [dreg:$0x0];
	s4 =	sor.u32 s0, s2  }
0x4: {  	s3 =	rddreg [dreg:$0x1];
	s6 =	smul.u32 $0x320, s4  }
0x5: {  	s5 =	rddreg [dreg:$0x2];
	s2 =	simm.s32 $0x0;
	s7 =	smul.u32 $0xC8000, s4  }
0x6: {  	[smem:$0x7FF] =	sst s2;
	s4 =	smul.u32 $0x19000, s4  }
0x7: {  	_ =	strace $0x80000047;
	s1 =	sadd.s32 s1, s6;
	s15 =	sshrl.u32 s7, $0x3  }
0x8: {  	s16 =	sadd.s32 s5, s4;
	[dreg:$0x4] =	wrdreg s1;
	s4 =	sadd.s32 s5, s15  }
0x9: {  	[dreg:$0x5] =	wrdreg s16;
	s17 =	sadd.s32 $0x1000, s4  }
0xa: {  	s18 =	sadd.s32 $0x2000, s4;
	[dreg:$0x6] =	wrdreg s17  }
0xb: {  	s19 =	sadd.s32 $0x3000, s4;
	[dreg:$0x7] =	wrdreg s18  }
0xc: {  	s20 =	sadd.s32 $0x4000, s4;
	[dreg:$0x8] =	wrdreg s19  }
0xd: {  	s21 =	sadd.s32 $0x5000, s4;
	[dreg:$0x9] =	wrdreg s20  }
0xe: {  	s22 =	sadd.s32 $0x6000, s4;
	[dreg:$0xa] =	wrdreg s21  }
0xf: {  	s23 =	sadd.s32 $0x7000, s4;
	[dreg:$0xb] =	wrdreg s22  }
0x10: {  	s24 =	sadd.s32 $0x8000, s4;
	[dreg:$0xc] =	wrdreg s23  }
0x11: {  	s25 =	sadd.s32 $0x9000, s4;
	[dreg:$0xd] =	wrdreg s24  }
0x12: {  	s26 =	sadd.s32 $0xA000, s4;
	[dreg:$0xe] =	wrdreg s25  }
0x13: {  	s5 =	sadd.s32 $0xB000, s4;
	[dreg:$0xf] =	wrdreg s26  }
0x14: {  	s6 =	sadd.s32 $0xC000, s4;
	[dreg:$0x10] =	wrdreg s5  }
0x15: {  	s7 =	sadd.s32 $0xD000, s4;
	[dreg:$0x11] =	wrdreg s6  }
0x16: {  	s8 =	sadd.s32 $0xE000, s4;
	[dreg:$0x12] =	wrdreg s7  }
0x17: {  	s9 =	sadd.s32 $0xF000, s4;
	[dreg:$0x13] =	wrdreg s8  }
0x18: {  	s31 =	simm.s32 $0x7;
	s10 =	sadd.s32 $0x10000, s4;
	[dreg:$0x14] =	wrdreg s9  }
0x19: {  	s30 =	simm.s32 $0x900;
	s11 =	sadd.s32 $0x11000, s4;
	[dreg:$0x15] =	wrdreg s10  }
0x1a: {  	s29 =	simm.s32 $0xA00;
	s12 =	sadd.s32 $0x12000, s4;
	[dreg:$0x16] =	wrdreg s11  }
0x1b: {  	s28 =	simm.s32 $0xB00;
	s13 =	sadd.s32 $0x13000, s4;
	[dreg:$0x17] =	wrdreg s12  }
0x1c: {  	p0 =	por $0x0, $0x0;
	s14 =	sadd.s32 $0x14000, s4;
	[dreg:$0x18] =	wrdreg s13  }
0x1d: {  	s0 =	ssub.s32 $0x2, s0;
	s15 =	sadd.s32 $0x15000, s4;
	[dreg:$0x19] =	wrdreg s14  }
0x1e: {  	s16 =	sadd.s32 $0x16000, s4;
	[dreg:$0x1a] =	wrdreg s15;
	s17 =	sshrl.u32 s0, $0x1  }
0x1f: {  	[dreg:$0x1b] =	wrdreg s16;
	s18 =	sadd.s32 $0x17000, s4;
	s19 =	sadd.s32 $0x18000, s4  }
0x20: {  	s11 =	simm.s32 $0x100;
	s20 =	simm.s32 $0x200;
	s5 =	simm.s32 $0x1900  }
0x21: {  	s9 =	simm.s32 $0x9900;
	s7 =	simm.s32 $0x11900;
	s6 =	simm.s32 $0x1  }
0x22: {  	s21 =	simm.s32 $0x300;
	s4 =	simm.s32 $0x4;
	[dreg:$0x1c] =	wrdreg s18  }
0x23: {  	s22 =	simm.s32 $0x400;
	s12 =	simm.s32 $0x2;
	[dreg:$0x1d] =	wrdreg s19  }
0x24: {  	s23 =	simm.s32 $0x500;
	s8 =	simm.s32 $0x5;
	[dreg:$0x1e] =	wrdreg s20  }
0x25: {  	s24 =	simm.s32 $0x600;
	s13 =	simm.s32 $0x3;
	[dreg:$0x1f] =	wrdreg s21  }
0x26: {  	s25 =	simm.s32 $0x700;
	s10 =	simm.s32 $0x6;
	[smem:$0x7F9] =	sst s22  }
0x27: {  	s26 =	simm.s32 $0x800;
	s0 =	ssub.s32 s0, s17;
	[smem:$0x7FA] =	sst s23  }
0x28: {  	s16 =	simm.s32 $0x1600;
	[smem:$0x7FB] =	sst s24;
	s0 =	smax.u32 s0, $0x1  }
0x29: {  	s15 =	simm.s32 $0x1700;
	[smem:$0x7FC] =	sst s25;
	p1 =	sne.s32 s0, $0x1  }
.Ltmp0:
0x2a: {  	s14 =	simm.s32 $0x1800;
	[smem:$0x7FD] =	sst s26;
	(pc) =	sbr.rel @!p1 .LBB2_3-.Ltmp0, $4  }
0x2b: {  	s26 =	simm.s32 $0xC00;
	s25 =	simm.s32 $0xD00;
	s24 =	simm.s32 $0xE00  }
0x2c: {  	s23 =	simm.s32 $0xF00;
	s22 =	simm.s32 $0x1000;
	s21 =	simm.s32 $0x1100  }
0x2d: {  	s20 =	simm.s32 $0x1200;
	s19 =	simm.s32 $0x1300;
	s18 =	simm.s32 $0x1400  }
0x2e: {  	s17 =	simm.s32 $0x1500;
	s1 =	sadd.s32 $0xFFFFFFFF, s0;
	s0 =	rddreg [dreg:$0x4]  }
0x2f: {  	[tilespmem:s2], [sflag:$0x7] =	stream.linear.gather [hbm4b:s0+s2], $0x1900, $0x38;
	[tilespmem:$0x19900] =	vst v63  }
0x30: {  	_ =	swait.ge [sflag:s31], $0x1900  }
0x31: {  	[sflag:s31] =	ssyncset.done $0x0  }
0x32: {  	[sflag:s31] =	ssyncadd.s32 $0xFFFFE700  }
0x33: {  	[tilespmem:s5], [sflag:$0x1] =	stream.indirect.gather [hbm4b:s3+s11], $0x80, s2, s11, $0xb8;
	[tilespmem:$0x19900] =	vst v63  }
0x34: {  	_ = 	snop  }
0x35: {  	[tilespmem:s9], [sflag:$0x2] =	stream.indirect.gather [hbm4b:s3+s11], $0x80, s11, s11, $0xb8;
	[tilespmem:$0x19900] =	vst v63  }
0x36: {  	s0 =	rddreg [dreg:$0x1e]  }
0x37: {  	[tilespmem:s7], [sflag:$0x3] =	stream.indirect.gather [hbm4b:s3+s11], $0x80, s0, s11, $0xb8;
	[tilespmem:$0x19900] =	vst v63  }
0x38: {  	_ =	swait.ge [sflag:s6], $0x8000  }
0x39: {  	[sflag:s6] =	ssyncset.done $0x0  }
0x3a: {  	s0 =	rddreg [dreg:$0x5];
	[sflag:s6] =	ssyncadd.s32 $0xFFFF8000  }
0x3b: {  	[hbm4b:s0+s2] =	stream.linear.scatter [tilespmem:s5], [sflag:$0x4], $0x8000, $0x38;
	[tilespmem:$0x19900] =	vst v63  }
0x3c: {  	_ =	swait.ge [sflag:s4], $0x8000  }
0x3d: {  	[sflag:s4] =	ssyncset.done $0x0  }
0x3e: {  	s0 =	rddreg [dreg:$0x1f];
	[sflag:s4] =	ssyncadd.s32 $0xFFFF8000  }
0x3f: {  	[tilespmem:s5], [sflag:$0x1] =	stream.indirect.gather [hbm4b:s3+s11], $0x80, s0, s11, $0xb8;
	[tilespmem:$0x19900] =	vst v63  }
0x40: {  	_ =	swait.ge [sflag:s12], $0x8000  }
0x41: {  	[sflag:s12] =	ssyncset.done $0x0  }
0x42: {  	s0 =	rddreg [dreg:$0x6];
	[sflag:s12] =	ssyncadd.s32 $0xFFFF8000  }
0x43: {  	[hbm4b:s0+s2] =	stream.linear.scatter [tilespmem:s9], [sflag:$0x5], $0x8000, $0x38;
	[tilespmem:$0x19900] =	vst v63  }
0x44: {  	_ =	swait.ge [sflag:s8], $0x8000  }
0x45: {  	s0 =	sld [smem:$0x7F9]  }
0x46: {  	[sflag:s8] =	ssyncset.done $0x0  }
0x47: {  	[sflag:s8] =	ssyncadd.s32 $0xFFFF8000  }
0x48: {  	[tilespmem:s9], [sflag:$0x2] =	stream.indirect.gather [hbm4b:s3+s11], $0x80, s0, s11, $0xb8;
	[tilespmem:$0x19900] =	vst v63  }
0x49: {  	_ =	swait.ge [sflag:s13], $0x8000  }
0x4a: {  	[sflag:s13] =	ssyncset.done $0x0  }
0x4b: {  	s0 =	rddreg [dreg:$0x7];
	[sflag:s13] =	ssyncadd.s32 $0xFFFF8000  }
0x4c: {  	[hbm4b:s0+s2] =	stream.linear.scatter [tilespmem:s7], [sflag:$0x6], $0x8000, $0x38;
	[tilespmem:$0x19900] =	vst v63  }
0x4d: {  	_ =	swait.ge [sflag:s10], $0x8000  }
0x4e: {  	s0 =	sld [smem:$0x7FA]  }
0x4f: {  	[sflag:s10] =	ssyncset.done $0x0  }
0x50: {  	[sflag:s10] =	ssyncadd.s32 $0xFFFF8000  }
0x51: {  	[tilespmem:s7], [sflag:$0x3] =	stream.indirect.gather [hbm4b:s3+s11], $0x80, s0, s11, $0xb8;
	[tilespmem:$0x19900] =	vst v63  }
0x52: {  	_ =	swait.ge [sflag:s6], $0x8000  }
0x53: {  	[sflag:s6] =	ssyncset.done $0x0  }
0x54: {  	s0 =	rddreg [dreg:$0x8];
	[sflag:s6] =	ssyncadd.s32 $0xFFFF8000  }
0x55: {  	[hbm4b:s0+s2] =	stream.linear.scatter [tilespmem:s5], [sflag:$0x4], $0x8000, $0x38;
	[tilespmem:$0x19900] =	vst v63  }
0x56: {  	_ =	swait.ge [sflag:s4], $0x8000  }
0x57: {  	s0 =	sld [smem:$0x7FB]  }
0x58: {  	[sflag:s4] =	ssyncset.done $0x0  }
0x59: {  	[sflag:s4] =	ssyncadd.s32 $0xFFFF8000  }
0x5a: {  	[tilespmem:s5], [sflag:$0x1] =	stream.indirect.gather [hbm4b:s3+s11], $0x80, s0, s11, $0xb8;
	[tilespmem:$0x19900] =	vst v63  }
0x5b: {  	_ =	swait.ge [sflag:s12], $0x8000  }
0x5c: {  	[sflag:s12] =	ssyncset.done $0x0  }
0x5d: {  	s0 =	rddreg [dreg:$0x9];
	[sflag:s12] =	ssyncadd.s32 $0xFFFF8000  }
0x5e: {  	[hbm4b:s0+s2] =	stream.linear.scatter [tilespmem:s9], [sflag:$0x5], $0x8000, $0x38;
	[tilespmem:$0x19900] =	vst v63  }
0x5f: {  	_ =	swait.ge [sflag:s8], $0x8000  }
0x60: {  	s0 =	sld [smem:$0x7FC]  }
0x61: {  	[sflag:s8] =	ssyncset.done $0x0  }
0x62: {  	[sflag:s8] =	ssyncadd.s32 $0xFFFF8000  }
0x63: {  	[tilespmem:s9], [sflag:$0x2] =	stream.indirect.gather [hbm4b:s3+s11], $0x80, s0, s11, $0xb8;
	[tilespmem:$0x19900] =	vst v63  }
0x64: {  	_ =	swait.ge [sflag:s13], $0x8000  }
0x65: {  	[sflag:s13] =	ssyncset.done $0x0  }
0x66: {  	s0 =	rddreg [dreg:$0xa];
	[sflag:s13] =	ssyncadd.s32 $0xFFFF8000  }
0x67: {  	[hbm4b:s0+s2] =	stream.linear.scatter [tilespmem:s7], [sflag:$0x6], $0x8000, $0x38;
	[tilespmem:$0x19900] =	vst v63  }
0x68: {  	_ =	swait.ge [sflag:s10], $0x8000  }
0x69: {  	s0 =	sld [smem:$0x7FD]  }
0x6a: {  	[sflag:s10] =	ssyncset.done $0x0  }
0x6b: {  	[sflag:s10] =	ssyncadd.s32 $0xFFFF8000  }
0x6c: {  	[tilespmem:s7], [sflag:$0x3] =	stream.indirect.gather [hbm4b:s3+s11], $0x80, s0, s11, $0xb8;
	[tilespmem:$0x19900] =	vst v63  }
0x6d: {  	_ =	swait.ge [sflag:s6], $0x8000  }
0x6e: {  	[sflag:s6] =	ssyncset.done $0x0  }
0x6f: {  	s0 =	rddreg [dreg:$0xb];
	[sflag:s6] =	ssyncadd.s32 $0xFFFF8000  }
0x70: {  	[hbm4b:s0+s2] =	stream.linear.scatter [tilespmem:s5], [sflag:$0x4], $0x8000, $0x38;
	[tilespmem:$0x19900] =	vst v63  }
0x71: {  	_ =	swait.ge [sflag:s4], $0x8000  }
0x72: {  	[sflag:s4] =	ssyncset.done $0x0  }
0x73: {  	[sflag:s4] =	ssyncadd.s32 $0xFFFF8000  }
0x74: {  	[tilespmem:s5], [sflag:$0x1] =	stream.indirect.gather [hbm4b:s3+s11], $0x80, s30, s11, $0xb8;
	[tilespmem:$0x19900] =	vst v63  }
0x75: {  	_ =	swait.ge [sflag:s12], $0x8000  }
0x76: {  	[sflag:s12] =	ssyncset.done $0x0  }
0x77: {  	s0 =	rddreg [dreg:$0xc];
	[sflag:s12] =	ssyncadd.s32 $0xFFFF8000  }
0x78: {  	[hbm4b:s0+s2] =	stream.linear.scatter [tilespmem:s9], [sflag:$0x5], $0x8000, $0x38;
	[tilespmem:$0x19900] =	vst v63  }
0x79: {  	_ =	swait.ge [sflag:s8], $0x8000  }
0x7a: {  	[sflag:s8] =	ssyncset.done $0x0  }
0x7b: {  	[sflag:s8] =	ssyncadd.s32 $0xFFFF8000  }
0x7c: {  	[tilespmem:s9], [sflag:$0x2] =	stream.indirect.gather [hbm4b:s3+s11], $0x80, s29, s11, $0xb8;
	[tilespmem:$0x19900] =	vst v63  }
0x7d: {  	_ =	swait.ge [sflag:s13], $0x8000  }
0x7e: {  	[sflag:s13] =	ssyncset.done $0x0  }
0x7f: {  	s0 =	rddreg [dreg:$0xd];
	[sflag:s13] =	ssyncadd.s32 $0xFFFF8000  }
0x80: {  	[hbm4b:s0+s2] =	stream.linear.scatter [tilespmem:s7], [sflag:$0x6], $0x8000, $0x38;
	[tilespmem:$0x19900] =	vst v63  }
0x81: {  	_ =	swait.ge [sflag:s10], $0x8000  }
0x82: {  	[sflag:s10] =	ssyncset.done $0x0  }
0x83: {  	[sflag:s10] =	ssyncadd.s32 $0xFFFF8000  }
0x84: {  	[tilespmem:s7], [sflag:$0x3] =	stream.indirect.gather [hbm4b:s3+s11], $0x80, s28, s11, $0xb8;
	[tilespmem:$0x19900] =	vst v63  }
0x85: {  	_ =	swait.ge [sflag:s6], $0x8000  }
0x86: {  	[sflag:s6] =	ssyncset.done $0x0  }
0x87: {  	s0 =	rddreg [dreg:$0xe];
	[sflag:s6] =	ssyncadd.s32 $0xFFFF8000  }
0x88: {  	[hbm4b:s0+s2] =	stream.linear.scatter [tilespmem:s5], [sflag:$0x4], $0x8000, $0x38;
	[tilespmem:$0x19900] =	vst v63  }
0x89: {  	_ =	swait.ge [sflag:s4], $0x8000  }
0x8a: {  	[sflag:s4] =	ssyncset.done $0x0  }
0x8b: {  	[sflag:s4] =	ssyncadd.s32 $0xFFFF8000  }
0x8c: {  	[tilespmem:s5], [sflag:$0x1] =	stream.indirect.gather [hbm4b:s3+s11], $0x80, s26, s11, $0xb8;
	[tilespmem:$0x19900] =	vst v63  }
0x8d: {  	_ =	swait.ge [sflag:s12], $0x8000  }
0x8e: {  	[sflag:s12] =	ssyncset.done $0x0  }
0x8f: {  	s0 =	rddreg [dreg:$0xf];
	[sflag:s12] =	ssyncadd.s32 $0xFFFF8000  }
0x90: {  	[hbm4b:s0+s2] =	stream.linear.scatter [tilespmem:s9], [sflag:$0x5], $0x8000, $0x38;
	[tilespmem:$0x19900] =	vst v63  }
0x91: {  	_ =	swait.ge [sflag:s8], $0x8000  }
0x92: {  	[sflag:s8] =	ssyncset.done $0x0  }
0x93: {  	[sflag:s8] =	ssyncadd.s32 $0xFFFF8000  }
0x94: {  	[tilespmem:s9], [sflag:$0x2] =	stream.indirect.gather [hbm4b:s3+s11], $0x80, s25, s11, $0xb8;
	[tilespmem:$0x19900] =	vst v63  }
0x95: {  	_ =	swait.ge [sflag:s13], $0x8000  }
0x96: {  	[sflag:s13] =	ssyncset.done $0x0  }
0x97: {  	s0 =	rddreg [dreg:$0x10];
	[sflag:s13] =	ssyncadd.s32 $0xFFFF8000  }
0x98: {  	[hbm4b:s0+s2] =	stream.linear.scatter [tilespmem:s7], [sflag:$0x6], $0x8000, $0x38;
	[tilespmem:$0x19900] =	vst v63  }
0x99: {  	_ =	swait.ge [sflag:s10], $0x8000  }
0x9a: {  	[sflag:s10] =	ssyncset.done $0x0  }
0x9b: {  	[sflag:s10] =	ssyncadd.s32 $0xFFFF8000  }
0x9c: {  	[tilespmem:s7], [sflag:$0x3] =	stream.indirect.gather [hbm4b:s3+s11], $0x80, s24, s11, $0xb8;
	[tilespmem:$0x19900] =	vst v63  }
0x9d: {  	_ =	swait.ge [sflag:s6], $0x8000  }
0x9e: {  	[sflag:s6] =	ssyncset.done $0x0  }
0x9f: {  	s0 =	rddreg [dreg:$0x11];
	[sflag:s6] =	ssyncadd.s32 $0xFFFF8000  }
0xa0: {  	[hbm4b:s0+s2] =	stream.linear.scatter [tilespmem:s5], [sflag:$0x4], $0x8000, $0x38;
	[tilespmem:$0x19900] =	vst v63  }
0xa1: {  	_ =	swait.ge [sflag:s4], $0x8000  }
0xa2: {  	[sflag:s4] =	ssyncset.done $0x0  }
0xa3: {  	[sflag:s4] =	ssyncadd.s32 $0xFFFF8000  }
0xa4: {  	[tilespmem:s5], [sflag:$0x1] =	stream.indirect.gather [hbm4b:s3+s11], $0x80, s23, s11, $0xb8;
	[tilespmem:$0x19900] =	vst v63  }
0xa5: {  	_ =	swait.ge [sflag:s12], $0x8000  }
0xa6: {  	[sflag:s12] =	ssyncset.done $0x0  }
0xa7: {  	s0 =	rddreg [dreg:$0x12];
	[sflag:s12] =	ssyncadd.s32 $0xFFFF8000  }
0xa8: {  	[hbm4b:s0+s2] =	stream.linear.scatter [tilespmem:s9], [sflag:$0x5], $0x8000, $0x38;
	[tilespmem:$0x19900] =	vst v63  }
0xa9: {  	_ =	swait.ge [sflag:s8], $0x8000  }
0xaa: {  	[sflag:s8] =	ssyncset.done $0x0  }
0xab: {  	[sflag:s8] =	ssyncadd.s32 $0xFFFF8000  }
0xac: {  	[tilespmem:s9], [sflag:$0x2] =	stream.indirect.gather [hbm4b:s3+s11], $0x80, s22, s11, $0xb8;
	[tilespmem:$0x19900] =	vst v63  }
0xad: {  	_ =	swait.ge [sflag:s13], $0x8000  }
0xae: {  	[sflag:s13] =	ssyncset.done $0x0  }
0xaf: {  	s0 =	rddreg [dreg:$0x13];
	[sflag:s13] =	ssyncadd.s32 $0xFFFF8000  }
0xb0: {  	[hbm4b:s0+s2] =	stream.linear.scatter [tilespmem:s7], [sflag:$0x6], $0x8000, $0x38;
	[tilespmem:$0x19900] =	vst v63  }
0xb1: {  	_ =	swait.ge [sflag:s10], $0x8000  }
0xb2: {  	[sflag:s10] =	ssyncset.done $0x0  }
0xb3: {  	[sflag:s10] =	ssyncadd.s32 $0xFFFF8000  }
0xb4: {  	[tilespmem:s7], [sflag:$0x3] =	stream.indirect.gather [hbm4b:s3+s11], $0x80, s21, s11, $0xb8;
	[tilespmem:$0x19900] =	vst v63  }
0xb5: {  	_ =	swait.ge [sflag:s6], $0x8000  }
0xb6: {  	[sflag:s6] =	ssyncset.done $0x0  }
0xb7: {  	s0 =	rddreg [dreg:$0x14];
	[sflag:s6] =	ssyncadd.s32 $0xFFFF8000  }
0xb8: {  	[hbm4b:s0+s2] =	stream.linear.scatter [tilespmem:s5], [sflag:$0x4], $0x8000, $0x38;
	[tilespmem:$0x19900] =	vst v63  }
0xb9: {  	_ =	swait.ge [sflag:s4], $0x8000  }
0xba: {  	[sflag:s4] =	ssyncset.done $0x0  }
0xbb: {  	[sflag:s4] =	ssyncadd.s32 $0xFFFF8000  }
0xbc: {  	[tilespmem:s5], [sflag:$0x1] =	stream.indirect.gather [hbm4b:s3+s11], $0x80, s20, s11, $0xb8;
	[tilespmem:$0x19900] =	vst v63  }
0xbd: {  	_ =	swait.ge [sflag:s12], $0x8000  }
0xbe: {  	[sflag:s12] =	ssyncset.done $0x0  }
0xbf: {  	s0 =	rddreg [dreg:$0x15];
	[sflag:s12] =	ssyncadd.s32 $0xFFFF8000  }
0xc0: {  	[hbm4b:s0+s2] =	stream.linear.scatter [tilespmem:s9], [sflag:$0x5], $0x8000, $0x38;
	[tilespmem:$0x19900] =	vst v63  }
0xc1: {  	_ =	swait.ge [sflag:s8], $0x8000  }
0xc2: {  	[sflag:s8] =	ssyncset.done $0x0  }
0xc3: {  	[sflag:s8] =	ssyncadd.s32 $0xFFFF8000  }
0xc4: {  	[tilespmem:s9], [sflag:$0x2] =	stream.indirect.gather [hbm4b:s3+s11], $0x80, s19, s11, $0xb8;
	[tilespmem:$0x19900] =	vst v63  }
0xc5: {  	_ =	swait.ge [sflag:s13], $0x8000  }
0xc6: {  	[sflag:s13] =	ssyncset.done $0x0  }
0xc7: {  	s0 =	rddreg [dreg:$0x16];
	[sflag:s13] =	ssyncadd.s32 $0xFFFF8000  }
0xc8: {  	[hbm4b:s0+s2] =	stream.linear.scatter [tilespmem:s7], [sflag:$0x6], $0x8000, $0x38;
	[tilespmem:$0x19900] =	vst v63  }
0xc9: {  	_ =	swait.ge [sflag:s10], $0x8000  }
0xca: {  	[sflag:s10] =	ssyncset.done $0x0  }
0xcb: {  	[sflag:s10] =	ssyncadd.s32 $0xFFFF8000  }
0xcc: {  	[tilespmem:s7], [sflag:$0x3] =	stream.indirect.gather [hbm4b:s3+s11], $0x80, s18, s11, $0xb8;
	[tilespmem:$0x19900] =	vst v63  }
0xcd: {  	_ =	swait.ge [sflag:s6], $0x8000  }
0xce: {  	[sflag:s6] =	ssyncset.done $0x0  }
0xcf: {  	s0 =	rddreg [dreg:$0x17];
	[sflag:s6] =	ssyncadd.s32 $0xFFFF8000  }
0xd0: {  	[hbm4b:s0+s2] =	stream.linear.scatter [tilespmem:s5], [sflag:$0x4], $0x8000, $0x38;
	[tilespmem:$0x19900] =	vst v63  }
0xd1: {  	_ =	swait.ge [sflag:s4], $0x8000  }
0xd2: {  	[sflag:s4] =	ssyncset.done $0x0  }
0xd3: {  	[sflag:s4] =	ssyncadd.s32 $0xFFFF8000  }
0xd4: {  	[tilespmem:s5], [sflag:$0x1] =	stream.indirect.gather [hbm4b:s3+s11], $0x80, s17, s11, $0xb8;
	[tilespmem:$0x19900] =	vst v63  }
0xd5: {  	_ =	swait.ge [sflag:s12], $0x8000  }
0xd6: {  	[sflag:s12] =	ssyncset.done $0x0  }
0xd7: {  	s0 =	rddreg [dreg:$0x18];
	[sflag:s12] =	ssyncadd.s32 $0xFFFF8000  }
0xd8: {  	[hbm4b:s0+s2] =	stream.linear.scatter [tilespmem:s9], [sflag:$0x5], $0x8000, $0x38;
	[tilespmem:$0x19900] =	vst v63  }
0xd9: {  	_ =	swait.ge [sflag:s8], $0x8000  }
0xda: {  	[sflag:s8] =	ssyncset.done $0x0  }
0xdb: {  	[sflag:s8] =	ssyncadd.s32 $0xFFFF8000  }
0xdc: {  	[tilespmem:s9], [sflag:$0x2] =	stream.indirect.gather [hbm4b:s3+s11], $0x80, s16, s11, $0xb8;
	[tilespmem:$0x19900] =	vst v63  }
0xdd: {  	_ =	swait.ge [sflag:s13], $0x8000  }
0xde: {  	[sflag:s13] =	ssyncset.done $0x0  }
0xdf: {  	s0 =	rddreg [dreg:$0x19];
	[sflag:s13] =	ssyncadd.s32 $0xFFFF8000  }
0xe0: {  	[hbm4b:s0+s2] =	stream.linear.scatter [tilespmem:s7], [sflag:$0x6], $0x8000, $0x38;
	[tilespmem:$0x19900] =	vst v63  }
0xe1: {  	_ =	swait.ge [sflag:s10], $0x8000  }
0xe2: {  	[sflag:s10] =	ssyncset.done $0x0  }
0xe3: {  	[sflag:s10] =	ssyncadd.s32 $0xFFFF8000  }
0xe4: {  	[tilespmem:s7], [sflag:$0x3] =	stream.indirect.gather [hbm4b:s3+s11], $0x80, s15, s11, $0xb8;
	[tilespmem:$0x19900] =	vst v63  }
0xe5: {  	_ =	swait.ge [sflag:s6], $0x8000  }
0xe6: {  	[sflag:s6] =	ssyncset.done $0x0  }
0xe7: {  	s0 =	rddreg [dreg:$0x1a];
	[sflag:s6] =	ssyncadd.s32 $0xFFFF8000  }
0xe8: {  	[hbm4b:s0+s2] =	stream.linear.scatter [tilespmem:s5], [sflag:$0x4], $0x8000, $0x38;
	[tilespmem:$0x19900] =	vst v63  }
0xe9: {  	_ =	swait.ge [sflag:s4], $0x8000  }
0xea: {  	[sflag:s4] =	ssyncset.done $0x0  }
0xeb: {  	[sflag:s4] =	ssyncadd.s32 $0xFFFF8000  }
0xec: {  	[tilespmem:s5], [sflag:$0x1] =	stream.indirect.gather [hbm4b:s3+s11], $0x80, s14, s11, $0xb8;
	[tilespmem:$0x19900] =	vst v63  }
0xed: {  	_ =	swait.ge [sflag:s12], $0x8000  }
0xee: {  	[sflag:s12] =	ssyncset.done $0x0  }
0xef: {  	s0 =	rddreg [dreg:$0x1b];
	[sflag:s12] =	ssyncadd.s32 $0xFFFF8000  }
0xf0: {  	[hbm4b:s0+s2] =	stream.linear.scatter [tilespmem:s9], [sflag:$0x5], $0x8000, $0x38;
	[tilespmem:$0x19900] =	vst v63  }
0xf1: {  	_ =	swait.ge [sflag:s13], $0x8000  }
0xf2: {  	[sflag:s13] =	ssyncset.done $0x0  }
0xf3: {  	s0 =	rddreg [dreg:$0x1c];
	[sflag:s13] =	ssyncadd.s32 $0xFFFF8000  }
0xf4: {  	[hbm4b:s0+s2] =	stream.linear.scatter [tilespmem:s7], [sflag:$0x6], $0x8000, $0x38;
	[tilespmem:$0x19900] =	vst v63  }
0xf5: {  	_ =	swait.ge [sflag:s6], $0x8000  }
0xf6: {  	[sflag:s6] =	ssyncset.done $0x0  }
0xf7: {  	s0 =	rddreg [dreg:$0x1d];
	[sflag:s6] =	ssyncadd.s32 $0xFFFF8000  }
0xf8: {  	[hbm4b:s0+s2] =	stream.linear.scatter [tilespmem:s5], [sflag:$0x4], $0x8000, $0x38;
	[tilespmem:$0x19900] =	vst v63  }
0xf9: {  	_ =	swait.ge [sflag:s8], $0x8000  }
0xfa: {  	[sflag:s8] =	ssyncset.done $0x0  }
0xfb: {  	p1 =	sne.s32 s1, $0x1;
	[sflag:s8] =	ssyncadd.s32 $0xFFFF8000  }
.Ltmp1:
0xfc: {  	_ =	swait.ge [sflag:s10], $0x8000;
	(pc) =	sbr.rel @!p1 .LBB2_3-.Ltmp1, $4  }
0xfd: {  	[sflag:s10] =	ssyncset.done $0x0  }
0xfe: {  	[sflag:s10] =	ssyncadd.s32 $0xFFFF8000  }
0xff: {  	s1 =	sadd.s32 $0xFFFFFFFF, s1;
	_ =	swait.ge [sflag:s4], $0x8000  }
0x100: {  	p0 =	por $0x1, $0x1;
	s0 =	rddreg [dreg:$0x4];
	[sflag:s4] =	ssyncset.done $0x0  }
.LBB2_2:
0x101: {  	[sflag:s4] =	ssyncadd.s32 $0xFFFF8000  }
0x102: {  	[tilespmem:s2], [sflag:$0x7] =	stream.linear.gather [hbm4b:s0+s2], $0x1900, $0x38;
	[tilespmem:$0x19900] =	vst v63  }
0x103: {  	_ =	swait.ge [sflag:s31], $0x1900  }
0x104: {  	[sflag:s31] =	ssyncset.done $0x0  }
0x105: {  	[sflag:s31] =	ssyncadd.s32 $0xFFFFE700  }
0x106: {  	[tilespmem:s5], [sflag:$0x1] =	stream.indirect.gather [hbm4b:s3+s11], $0x80, s2, s11, $0xb8;
	[tilespmem:$0x19900] =	vst v63  }
0x107: {  	_ = 	snop  }
0x108: {  	[tilespmem:s9], [sflag:$0x2] =	stream.indirect.gather [hbm4b:s3+s11], $0x80, s11, s11, $0xb8;
	[tilespmem:$0x19900] =	vst v63  }
0x109: {  	s0 =	rddreg [dreg:$0x1e]  }
0x10a: {  	[tilespmem:s7], [sflag:$0x3] =	stream.indirect.gather [hbm4b:s3+s11], $0x80, s0, s11, $0xb8;
	[tilespmem:$0x19900] =	vst v63  }
0x10b: {  	_ =	swait.ge [sflag:s6], $0x8000  }
0x10c: {  	[sflag:s6] =	ssyncset.done $0x0  }
0x10d: {  	s0 =	rddreg [dreg:$0x5];
	[sflag:s6] =	ssyncadd.s32 $0xFFFF8000  }
0x10e: {  	[hbm4b:s0+s2] =	stream.linear.scatter [tilespmem:s5], [sflag:$0x4], $0x8000, $0x38;
	[tilespmem:$0x19900] =	vst v63  }
0x10f: {  	_ =	swait.ge [sflag:s4], $0x8000  }
0x110: {  	[sflag:s4] =	ssyncset.done $0x0  }
0x111: {  	s0 =	rddreg [dreg:$0x1f];
	[sflag:s4] =	ssyncadd.s32 $0xFFFF8000  }
0x112: {  	[tilespmem:s5], [sflag:$0x1] =	stream.indirect.gather [hbm4b:s3+s11], $0x80, s0, s11, $0xb8;
	[tilespmem:$0x19900] =	vst v63  }
0x113: {  	_ =	swait.ge [sflag:s12], $0x8000  }
0x114: {  	[sflag:s12] =	ssyncset.done $0x0  }
0x115: {  	s0 =	rddreg [dreg:$0x6];
	[sflag:s12] =	ssyncadd.s32 $0xFFFF8000  }
0x116: {  	[hbm4b:s0+s2] =	stream.linear.scatter [tilespmem:s9], [sflag:$0x5], $0x8000, $0x38;
	[tilespmem:$0x19900] =	vst v63  }
0x117: {  	_ =	swait.ge [sflag:s8], $0x8000  }
0x118: {  	s0 =	sld [smem:$0x7F9]  }
0x119: {  	[sflag:s8] =	ssyncset.done $0x0  }
0x11a: {  	[sflag:s8] =	ssyncadd.s32 $0xFFFF8000  }
0x11b: {  	[tilespmem:s9], [sflag:$0x2] =	stream.indirect.gather [hbm4b:s3+s11], $0x80, s0, s11, $0xb8;
	[tilespmem:$0x19900] =	vst v63  }
0x11c: {  	_ =	swait.ge [sflag:s13], $0x8000  }
0x11d: {  	[sflag:s13] =	ssyncset.done $0x0  }
0x11e: {  	s0 =	rddreg [dreg:$0x7];
	[sflag:s13] =	ssyncadd.s32 $0xFFFF8000  }
0x11f: {  	[hbm4b:s0+s2] =	stream.linear.scatter [tilespmem:s7], [sflag:$0x6], $0x8000, $0x38;
	[tilespmem:$0x19900] =	vst v63  }
0x120: {  	_ =	swait.ge [sflag:s10], $0x8000  }
0x121: {  	s0 =	sld [smem:$0x7FA]  }
0x122: {  	[sflag:s10] =	ssyncset.done $0x0  }
0x123: {  	[sflag:s10] =	ssyncadd.s32 $0xFFFF8000  }
0x124: {  	[tilespmem:s7], [sflag:$0x3] =	stream.indirect.gather [hbm4b:s3+s11], $0x80, s0, s11, $0xb8;
	[tilespmem:$0x19900] =	vst v63  }
0x125: {  	_ =	swait.ge [sflag:s6], $0x8000  }
0x126: {  	[sflag:s6] =	ssyncset.done $0x0  }
0x127: {  	s0 =	rddreg [dreg:$0x8];
	[sflag:s6] =	ssyncadd.s32 $0xFFFF8000  }
0x128: {  	[hbm4b:s0+s2] =	stream.linear.scatter [tilespmem:s5], [sflag:$0x4], $0x8000, $0x38;
	[tilespmem:$0x19900] =	vst v63  }
0x129: {  	_ =	swait.ge [sflag:s4], $0x8000  }
0x12a: {  	s0 =	sld [smem:$0x7FB]  }
0x12b: {  	[sflag:s4] =	ssyncset.done $0x0  }
0x12c: {  	[sflag:s4] =	ssyncadd.s32 $0xFFFF8000  }
0x12d: {  	[tilespmem:s5], [sflag:$0x1] =	stream.indirect.gather [hbm4b:s3+s11], $0x80, s0, s11, $0xb8;
	[tilespmem:$0x19900] =	vst v63  }
0x12e: {  	_ =	swait.ge [sflag:s12], $0x8000  }
0x12f: {  	[sflag:s12] =	ssyncset.done $0x0  }
0x130: {  	s0 =	rddreg [dreg:$0x9];
	[sflag:s12] =	ssyncadd.s32 $0xFFFF8000  }
0x131: {  	[hbm4b:s0+s2] =	stream.linear.scatter [tilespmem:s9], [sflag:$0x5], $0x8000, $0x38;
	[tilespmem:$0x19900] =	vst v63  }
0x132: {  	_ =	swait.ge [sflag:s8], $0x8000  }
0x133: {  	s0 =	sld [smem:$0x7FC]  }
0x134: {  	[sflag:s8] =	ssyncset.done $0x0  }
0x135: {  	[sflag:s8] =	ssyncadd.s32 $0xFFFF8000  }
0x136: {  	[tilespmem:s9], [sflag:$0x2] =	stream.indirect.gather [hbm4b:s3+s11], $0x80, s0, s11, $0xb8;
	[tilespmem:$0x19900] =	vst v63  }
0x137: {  	_ =	swait.ge [sflag:s13], $0x8000  }
0x138: {  	[sflag:s13] =	ssyncset.done $0x0  }
0x139: {  	s0 =	rddreg [dreg:$0xa];
	[sflag:s13] =	ssyncadd.s32 $0xFFFF8000  }
0x13a: {  	[hbm4b:s0+s2] =	stream.linear.scatter [tilespmem:s7], [sflag:$0x6], $0x8000, $0x38;
	[tilespmem:$0x19900] =	vst v63  }
0x13b: {  	_ =	swait.ge [sflag:s10], $0x8000  }
0x13c: {  	s0 =	sld [smem:$0x7FD]  }
0x13d: {  	[sflag:s10] =	ssyncset.done $0x0  }
0x13e: {  	[sflag:s10] =	ssyncadd.s32 $0xFFFF8000  }
0x13f: {  	[tilespmem:s7], [sflag:$0x3] =	stream.indirect.gather [hbm4b:s3+s11], $0x80, s0, s11, $0xb8;
	[tilespmem:$0x19900] =	vst v63  }
0x140: {  	_ =	swait.ge [sflag:s6], $0x8000  }
0x141: {  	[sflag:s6] =	ssyncset.done $0x0  }
0x142: {  	s0 =	rddreg [dreg:$0xb];
	[sflag:s6] =	ssyncadd.s32 $0xFFFF8000  }
0x143: {  	[hbm4b:s0+s2] =	stream.linear.scatter [tilespmem:s5], [sflag:$0x4], $0x8000, $0x38;
	[tilespmem:$0x19900] =	vst v63  }
0x144: {  	_ =	swait.ge [sflag:s4], $0x8000  }
0x145: {  	[sflag:s4] =	ssyncset.done $0x0  }
0x146: {  	[sflag:s4] =	ssyncadd.s32 $0xFFFF8000  }
0x147: {  	[tilespmem:s5], [sflag:$0x1] =	stream.indirect.gather [hbm4b:s3+s11], $0x80, s30, s11, $0xb8;
	[tilespmem:$0x19900] =	vst v63  }
0x148: {  	_ =	swait.ge [sflag:s12], $0x8000  }
0x149: {  	[sflag:s12] =	ssyncset.done $0x0  }
0x14a: {  	s0 =	rddreg [dreg:$0xc];
	[sflag:s12] =	ssyncadd.s32 $0xFFFF8000  }
0x14b: {  	[hbm4b:s0+s2] =	stream.linear.scatter [tilespmem:s9], [sflag:$0x5], $0x8000, $0x38;
	[tilespmem:$0x19900] =	vst v63  }
0x14c: {  	_ =	swait.ge [sflag:s8], $0x8000  }
0x14d: {  	[sflag:s8] =	ssyncset.done $0x0  }
0x14e: {  	[sflag:s8] =	ssyncadd.s32 $0xFFFF8000  }
0x14f: {  	[tilespmem:s9], [sflag:$0x2] =	stream.indirect.gather [hbm4b:s3+s11], $0x80, s29, s11, $0xb8;
	[tilespmem:$0x19900] =	vst v63  }
0x150: {  	_ =	swait.ge [sflag:s13], $0x8000  }
0x151: {  	[sflag:s13] =	ssyncset.done $0x0  }
0x152: {  	s0 =	rddreg [dreg:$0xd];
	[sflag:s13] =	ssyncadd.s32 $0xFFFF8000  }
0x153: {  	[hbm4b:s0+s2] =	stream.linear.scatter [tilespmem:s7], [sflag:$0x6], $0x8000, $0x38;
	[tilespmem:$0x19900] =	vst v63  }
0x154: {  	_ =	swait.ge [sflag:s10], $0x8000  }
0x155: {  	[sflag:s10] =	ssyncset.done $0x0  }
0x156: {  	[sflag:s10] =	ssyncadd.s32 $0xFFFF8000  }
0x157: {  	[tilespmem:s7], [sflag:$0x3] =	stream.indirect.gather [hbm4b:s3+s11], $0x80, s28, s11, $0xb8;
	[tilespmem:$0x19900] =	vst v63  }
0x158: {  	_ =	swait.ge [sflag:s6], $0x8000  }
0x159: {  	[sflag:s6] =	ssyncset.done $0x0  }
0x15a: {  	s0 =	rddreg [dreg:$0xe];
	[sflag:s6] =	ssyncadd.s32 $0xFFFF8000  }
0x15b: {  	[hbm4b:s0+s2] =	stream.linear.scatter [tilespmem:s5], [sflag:$0x4], $0x8000, $0x38;
	[tilespmem:$0x19900] =	vst v63  }
0x15c: {  	_ =	swait.ge [sflag:s4], $0x8000  }
0x15d: {  	[sflag:s4] =	ssyncset.done $0x0  }
0x15e: {  	[sflag:s4] =	ssyncadd.s32 $0xFFFF8000  }
0x15f: {  	[tilespmem:s5], [sflag:$0x1] =	stream.indirect.gather [hbm4b:s3+s11], $0x80, s26, s11, $0xb8;
	[tilespmem:$0x19900] =	vst v63  }
0x160: {  	_ =	swait.ge [sflag:s12], $0x8000  }
0x161: {  	[sflag:s12] =	ssyncset.done $0x0  }
0x162: {  	s0 =	rddreg [dreg:$0xf];
	[sflag:s12] =	ssyncadd.s32 $0xFFFF8000  }
0x163: {  	[hbm4b:s0+s2] =	stream.linear.scatter [tilespmem:s9], [sflag:$0x5], $0x8000, $0x38;
	[tilespmem:$0x19900] =	vst v63  }
0x164: {  	_ =	swait.ge [sflag:s8], $0x8000  }
0x165: {  	[sflag:s8] =	ssyncset.done $0x0  }
0x166: {  	[sflag:s8] =	ssyncadd.s32 $0xFFFF8000  }
0x167: {  	[tilespmem:s9], [sflag:$0x2] =	stream.indirect.gather [hbm4b:s3+s11], $0x80, s25, s11, $0xb8;
	[tilespmem:$0x19900] =	vst v63  }
0x168: {  	_ =	swait.ge [sflag:s13], $0x8000  }
0x169: {  	[sflag:s13] =	ssyncset.done $0x0  }
0x16a: {  	s0 =	rddreg [dreg:$0x10];
	[sflag:s13] =	ssyncadd.s32 $0xFFFF8000  }
0x16b: {  	[hbm4b:s0+s2] =	stream.linear.scatter [tilespmem:s7], [sflag:$0x6], $0x8000, $0x38;
	[tilespmem:$0x19900] =	vst v63  }
0x16c: {  	_ =	swait.ge [sflag:s10], $0x8000  }
0x16d: {  	[sflag:s10] =	ssyncset.done $0x0  }
0x16e: {  	[sflag:s10] =	ssyncadd.s32 $0xFFFF8000  }
0x16f: {  	[tilespmem:s7], [sflag:$0x3] =	stream.indirect.gather [hbm4b:s3+s11], $0x80, s24, s11, $0xb8;
	[tilespmem:$0x19900] =	vst v63  }
0x170: {  	_ =	swait.ge [sflag:s6], $0x8000  }
0x171: {  	[sflag:s6] =	ssyncset.done $0x0  }
0x172: {  	s0 =	rddreg [dreg:$0x11];
	[sflag:s6] =	ssyncadd.s32 $0xFFFF8000  }
0x173: {  	[hbm4b:s0+s2] =	stream.linear.scatter [tilespmem:s5], [sflag:$0x4], $0x8000, $0x38;
	[tilespmem:$0x19900] =	vst v63  }
0x174: {  	_ =	swait.ge [sflag:s4], $0x8000  }
0x175: {  	[sflag:s4] =	ssyncset.done $0x0  }
0x176: {  	[sflag:s4] =	ssyncadd.s32 $0xFFFF8000  }
0x177: {  	[tilespmem:s5], [sflag:$0x1] =	stream.indirect.gather [hbm4b:s3+s11], $0x80, s23, s11, $0xb8;
	[tilespmem:$0x19900] =	vst v63  }
0x178: {  	_ =	swait.ge [sflag:s12], $0x8000  }
0x179: {  	[sflag:s12] =	ssyncset.done $0x0  }
0x17a: {  	s0 =	rddreg [dreg:$0x12];
	[sflag:s12] =	ssyncadd.s32 $0xFFFF8000  }
0x17b: {  	[hbm4b:s0+s2] =	stream.linear.scatter [tilespmem:s9], [sflag:$0x5], $0x8000, $0x38;
	[tilespmem:$0x19900] =	vst v63  }
0x17c: {  	_ =	swait.ge [sflag:s8], $0x8000  }
0x17d: {  	[sflag:s8] =	ssyncset.done $0x0  }
0x17e: {  	[sflag:s8] =	ssyncadd.s32 $0xFFFF8000  }
0x17f: {  	[tilespmem:s9], [sflag:$0x2] =	stream.indirect.gather [hbm4b:s3+s11], $0x80, s22, s11, $0xb8;
	[tilespmem:$0x19900] =	vst v63  }
0x180: {  	_ =	swait.ge [sflag:s13], $0x8000  }
0x181: {  	[sflag:s13] =	ssyncset.done $0x0  }
0x182: {  	s0 =	rddreg [dreg:$0x13];
	[sflag:s13] =	ssyncadd.s32 $0xFFFF8000  }
0x183: {  	[hbm4b:s0+s2] =	stream.linear.scatter [tilespmem:s7], [sflag:$0x6], $0x8000, $0x38;
	[tilespmem:$0x19900] =	vst v63  }
0x184: {  	_ =	swait.ge [sflag:s10], $0x8000  }
0x185: {  	[sflag:s10] =	ssyncset.done $0x0  }
0x186: {  	[sflag:s10] =	ssyncadd.s32 $0xFFFF8000  }
0x187: {  	[tilespmem:s7], [sflag:$0x3] =	stream.indirect.gather [hbm4b:s3+s11], $0x80, s21, s11, $0xb8;
	[tilespmem:$0x19900] =	vst v63  }
0x188: {  	_ =	swait.ge [sflag:s6], $0x8000  }
0x189: {  	[sflag:s6] =	ssyncset.done $0x0  }
0x18a: {  	s0 =	rddreg [dreg:$0x14];
	[sflag:s6] =	ssyncadd.s32 $0xFFFF8000  }
0x18b: {  	[hbm4b:s0+s2] =	stream.linear.scatter [tilespmem:s5], [sflag:$0x4], $0x8000, $0x38;
	[tilespmem:$0x19900] =	vst v63  }
0x18c: {  	_ =	swait.ge [sflag:s4], $0x8000  }
0x18d: {  	[sflag:s4] =	ssyncset.done $0x0  }
0x18e: {  	[sflag:s4] =	ssyncadd.s32 $0xFFFF8000  }
0x18f: {  	[tilespmem:s5], [sflag:$0x1] =	stream.indirect.gather [hbm4b:s3+s11], $0x80, s20, s11, $0xb8;
	[tilespmem:$0x19900] =	vst v63  }
0x190: {  	_ =	swait.ge [sflag:s12], $0x8000  }
0x191: {  	[sflag:s12] =	ssyncset.done $0x0  }
0x192: {  	s0 =	rddreg [dreg:$0x15];
	[sflag:s12] =	ssyncadd.s32 $0xFFFF8000  }
0x193: {  	[hbm4b:s0+s2] =	stream.linear.scatter [tilespmem:s9], [sflag:$0x5], $0x8000, $0x38;
	[tilespmem:$0x19900] =	vst v63  }
0x194: {  	_ =	swait.ge [sflag:s8], $0x8000  }
0x195: {  	[sflag:s8] =	ssyncset.done $0x0  }
0x196: {  	[sflag:s8] =	ssyncadd.s32 $0xFFFF8000  }
0x197: {  	[tilespmem:s9], [sflag:$0x2] =	stream.indirect.gather [hbm4b:s3+s11], $0x80, s19, s11, $0xb8;
	[tilespmem:$0x19900] =	vst v63  }
0x198: {  	_ =	swait.ge [sflag:s13], $0x8000  }
0x199: {  	[sflag:s13] =	ssyncset.done $0x0  }
0x19a: {  	s0 =	rddreg [dreg:$0x16];
	[sflag:s13] =	ssyncadd.s32 $0xFFFF8000  }
0x19b: {  	[hbm4b:s0+s2] =	stream.linear.scatter [tilespmem:s7], [sflag:$0x6], $0x8000, $0x38;
	[tilespmem:$0x19900] =	vst v63  }
0x19c: {  	_ =	swait.ge [sflag:s10], $0x8000  }
0x19d: {  	[sflag:s10] =	ssyncset.done $0x0  }
0x19e: {  	[sflag:s10] =	ssyncadd.s32 $0xFFFF8000  }
0x19f: {  	[tilespmem:s7], [sflag:$0x3] =	stream.indirect.gather [hbm4b:s3+s11], $0x80, s18, s11, $0xb8;
	[tilespmem:$0x19900] =	vst v63  }
0x1a0: {  	_ =	swait.ge [sflag:s6], $0x8000  }
0x1a1: {  	[sflag:s6] =	ssyncset.done $0x0  }
0x1a2: {  	s0 =	rddreg [dreg:$0x17];
	[sflag:s6] =	ssyncadd.s32 $0xFFFF8000  }
0x1a3: {  	[hbm4b:s0+s2] =	stream.linear.scatter [tilespmem:s5], [sflag:$0x4], $0x8000, $0x38;
	[tilespmem:$0x19900] =	vst v63  }
0x1a4: {  	_ =	swait.ge [sflag:s4], $0x8000  }
0x1a5: {  	[sflag:s4] =	ssyncset.done $0x0  }
0x1a6: {  	[sflag:s4] =	ssyncadd.s32 $0xFFFF8000  }
0x1a7: {  	[tilespmem:s5], [sflag:$0x1] =	stream.indirect.gather [hbm4b:s3+s11], $0x80, s17, s11, $0xb8;
	[tilespmem:$0x19900] =	vst v63  }
0x1a8: {  	_ =	swait.ge [sflag:s12], $0x8000  }
0x1a9: {  	[sflag:s12] =	ssyncset.done $0x0  }
0x1aa: {  	s0 =	rddreg [dreg:$0x18];
	[sflag:s12] =	ssyncadd.s32 $0xFFFF8000  }
0x1ab: {  	[hbm4b:s0+s2] =	stream.linear.scatter [tilespmem:s9], [sflag:$0x5], $0x8000, $0x38;
	[tilespmem:$0x19900] =	vst v63  }
0x1ac: {  	_ =	swait.ge [sflag:s8], $0x8000  }
0x1ad: {  	[sflag:s8] =	ssyncset.done $0x0  }
0x1ae: {  	[sflag:s8] =	ssyncadd.s32 $0xFFFF8000  }
0x1af: {  	[tilespmem:s9], [sflag:$0x2] =	stream.indirect.gather [hbm4b:s3+s11], $0x80, s16, s11, $0xb8;
	[tilespmem:$0x19900] =	vst v63  }
0x1b0: {  	_ =	swait.ge [sflag:s13], $0x8000  }
0x1b1: {  	[sflag:s13] =	ssyncset.done $0x0  }
0x1b2: {  	s0 =	rddreg [dreg:$0x19];
	[sflag:s13] =	ssyncadd.s32 $0xFFFF8000  }
0x1b3: {  	[hbm4b:s0+s2] =	stream.linear.scatter [tilespmem:s7], [sflag:$0x6], $0x8000, $0x38;
	[tilespmem:$0x19900] =	vst v63  }
0x1b4: {  	_ =	swait.ge [sflag:s10], $0x8000  }
0x1b5: {  	[sflag:s10] =	ssyncset.done $0x0  }
0x1b6: {  	[sflag:s10] =	ssyncadd.s32 $0xFFFF8000  }
0x1b7: {  	[tilespmem:s7], [sflag:$0x3] =	stream.indirect.gather [hbm4b:s3+s11], $0x80, s15, s11, $0xb8;
	[tilespmem:$0x19900] =	vst v63  }
0x1b8: {  	_ =	swait.ge [sflag:s6], $0x8000  }
0x1b9: {  	[sflag:s6] =	ssyncset.done $0x0  }
0x1ba: {  	s0 =	rddreg [dreg:$0x1a];
	[sflag:s6] =	ssyncadd.s32 $0xFFFF8000  }
0x1bb: {  	[hbm4b:s0+s2] =	stream.linear.scatter [tilespmem:s5], [sflag:$0x4], $0x8000, $0x38;
	[tilespmem:$0x19900] =	vst v63  }
0x1bc: {  	_ =	swait.ge [sflag:s4], $0x8000  }
0x1bd: {  	[sflag:s4] =	ssyncset.done $0x0  }
0x1be: {  	[sflag:s4] =	ssyncadd.s32 $0xFFFF8000  }
0x1bf: {  	[tilespmem:s5], [sflag:$0x1] =	stream.indirect.gather [hbm4b:s3+s11], $0x80, s14, s11, $0xb8;
	[tilespmem:$0x19900] =	vst v63  }
0x1c0: {  	_ =	swait.ge [sflag:s12], $0x8000  }
0x1c1: {  	[sflag:s12] =	ssyncset.done $0x0  }
0x1c2: {  	s0 =	rddreg [dreg:$0x1b];
	[sflag:s12] =	ssyncadd.s32 $0xFFFF8000  }
0x1c3: {  	[hbm4b:s0+s2] =	stream.linear.scatter [tilespmem:s9], [sflag:$0x5], $0x8000, $0x38;
	[tilespmem:$0x19900] =	vst v63  }
0x1c4: {  	_ =	swait.ge [sflag:s13], $0x8000  }
0x1c5: {  	[sflag:s13] =	ssyncset.done $0x0  }
0x1c6: {  	s0 =	rddreg [dreg:$0x1c];
	[sflag:s13] =	ssyncadd.s32 $0xFFFF8000  }
0x1c7: {  	[hbm4b:s0+s2] =	stream.linear.scatter [tilespmem:s7], [sflag:$0x6], $0x8000, $0x38;
	[tilespmem:$0x19900] =	vst v63  }
0x1c8: {  	_ =	swait.ge [sflag:s6], $0x8000  }
0x1c9: {  	[sflag:s6] =	ssyncset.done $0x0  }
0x1ca: {  	s0 =	rddreg [dreg:$0x1d];
	[sflag:s6] =	ssyncadd.s32 $0xFFFF8000  }
0x1cb: {  	[hbm4b:s0+s2] =	stream.linear.scatter [tilespmem:s5], [sflag:$0x4], $0x8000, $0x38;
	[tilespmem:$0x19900] =	vst v63  }
0x1cc: {  	_ =	swait.ge [sflag:s8], $0x8000  }
0x1cd: {  	[sflag:s8] =	ssyncset.done $0x0  }
0x1ce: {  	p1 =	sne.s32 s1, $0x1;
	[sflag:s8] =	ssyncadd.s32 $0xFFFF8000  }
.Ltmp2:
0x1cf: {  	_ =	swait.ge [sflag:s10], $0x8000;
	(pc) =	sbr.rel @p1 .LBB2_2-.Ltmp2, $4  }
0x1d0: {  	[sflag:s10] =	ssyncset.done $0x0  }
0x1d1: {  	[sflag:s10] =	ssyncadd.s32 $0xFFFF8000  }
0x1d2: {  	_ =	swait.ge [sflag:s4], $0x8000  }
0x1d3: {  	s1 =	sadd.s32 $0xFFFFFFFF, s1;
	s0 =	rddreg [dreg:$0x4];
	[sflag:s4] =	ssyncset.done $0x0  }
.LBB2_3:
0x1d4: {  	[sflag:s4] =	ssyncadd.s32 @p0 $0xFFFF8000  }
0x1d5: {  	[tilespmem:s2], [sflag:$0x7] =	stream.linear.gather [hbm4b:s0+s2], $0x1900, $0x38;
	[tilespmem:$0x19900] =	vst v63  }
0x1d6: {  	_ =	swait.ge [sflag:s31], $0x1900  }
0x1d7: {  	[sflag:s31] =	ssyncset.done $0x0  }
0x1d8: {  	[sflag:s31] =	ssyncadd.s32 $0xFFFFE700  }
0x1d9: {  	[tilespmem:s5], [sflag:$0x1] =	stream.indirect.gather [hbm4b:s3+s11], $0x80, s2, s11, $0xb8;
	[tilespmem:$0x19900] =	vst v63  }
0x1da: {  	_ = 	snop  }
0x1db: {  	[tilespmem:s9], [sflag:$0x2] =	stream.indirect.gather [hbm4b:s3+s11], $0x80, s11, s11, $0xb8;
	[tilespmem:$0x19900] =	vst v63  }
0x1dc: {  	s31 =	rddreg [dreg:$0x1e]  }
0x1dd: {  	[tilespmem:s7], [sflag:$0x3] =	stream.indirect.gather [hbm4b:s3+s11], $0x80, s31, s11, $0xb8;
	[tilespmem:$0x19900] =	vst v63  }
0x1de: {  	_ =	swait.ge [sflag:s6], $0x8000  }
0x1df: {  	[sflag:s6] =	ssyncset.done $0x0  }
0x1e0: {  	s1 =	rddreg [dreg:$0x5];
	[sflag:s6] =	ssyncadd.s32 $0xFFFF8000  }
0x1e1: {  	[hbm4b:s1+s2] =	stream.linear.scatter [tilespmem:s5], [sflag:$0x4], $0x8000, $0x38;
	[tilespmem:$0x19900] =	vst v63  }
0x1e2: {  	_ =	swait.ge [sflag:s4], $0x8000  }
0x1e3: {  	[sflag:s4] =	ssyncset.done $0x0  }
0x1e4: {  	s31 =	rddreg [dreg:$0x1f];
	[sflag:s4] =	ssyncadd.s32 $0xFFFF8000  }
0x1e5: {  	[tilespmem:s5], [sflag:$0x1] =	stream.indirect.gather [hbm4b:s3+s11], $0x80, s31, s11, $0xb8;
	[tilespmem:$0x19900] =	vst v63  }
0x1e6: {  	_ =	swait.ge [sflag:s12], $0x8000  }
0x1e7: {  	[sflag:s12] =	ssyncset.done $0x0  }
0x1e8: {  	s1 =	rddreg [dreg:$0x6];
	[sflag:s12] =	ssyncadd.s32 $0xFFFF8000  }
0x1e9: {  	[hbm4b:s1+s2] =	stream.linear.scatter [tilespmem:s9], [sflag:$0x5], $0x8000, $0x38;
	[tilespmem:$0x19900] =	vst v63  }
0x1ea: {  	_ =	swait.ge [sflag:s8], $0x8000  }
0x1eb: {  	s31 =	sld [smem:$0x7F9]  }
0x1ec: {  	[sflag:s8] =	ssyncset.done $0x0  }
0x1ed: {  	[sflag:s8] =	ssyncadd.s32 $0xFFFF8000  }
0x1ee: {  	[tilespmem:s9], [sflag:$0x2] =	stream.indirect.gather [hbm4b:s3+s11], $0x80, s31, s11, $0xb8;
	[tilespmem:$0x19900] =	vst v63  }
0x1ef: {  	_ =	swait.ge [sflag:s13], $0x8000  }
0x1f0: {  	[sflag:s13] =	ssyncset.done $0x0  }
0x1f1: {  	s1 =	rddreg [dreg:$0x7];
	[sflag:s13] =	ssyncadd.s32 $0xFFFF8000  }
0x1f2: {  	[hbm4b:s1+s2] =	stream.linear.scatter [tilespmem:s7], [sflag:$0x6], $0x8000, $0x38;
	[tilespmem:$0x19900] =	vst v63  }
0x1f3: {  	_ =	swait.ge [sflag:s10], $0x8000  }
0x1f4: {  	s31 =	sld [smem:$0x7FA]  }
0x1f5: {  	[sflag:s10] =	ssyncset.done $0x0  }
0x1f6: {  	[sflag:s10] =	ssyncadd.s32 $0xFFFF8000  }
0x1f7: {  	[tilespmem:s7], [sflag:$0x3] =	stream.indirect.gather [hbm4b:s3+s11], $0x80, s31, s11, $0xb8;
	[tilespmem:$0x19900] =	vst v63  }
0x1f8: {  	_ =	swait.ge [sflag:s6], $0x8000  }
0x1f9: {  	[sflag:s6] =	ssyncset.done $0x0  }
0x1fa: {  	s1 =	rddreg [dreg:$0x8];
	[sflag:s6] =	ssyncadd.s32 $0xFFFF8000  }
0x1fb: {  	[hbm4b:s1+s2] =	stream.linear.scatter [tilespmem:s5], [sflag:$0x4], $0x8000, $0x38;
	[tilespmem:$0x19900] =	vst v63  }
0x1fc: {  	_ =	swait.ge [sflag:s4], $0x8000  }
0x1fd: {  	s31 =	sld [smem:$0x7FB]  }
0x1fe: {  	[sflag:s4] =	ssyncset.done $0x0  }
0x1ff: {  	[sflag:s4] =	ssyncadd.s32 $0xFFFF8000  }
0x200: {  	[tilespmem:s5], [sflag:$0x1] =	stream.indirect.gather [hbm4b:s3+s11], $0x80, s31, s11, $0xb8;
	[tilespmem:$0x19900] =	vst v63  }
0x201: {  	_ =	swait.ge [sflag:s12], $0x8000  }
0x202: {  	[sflag:s12] =	ssyncset.done $0x0  }
0x203: {  	s1 =	rddreg [dreg:$0x9];
	[sflag:s12] =	ssyncadd.s32 $0xFFFF8000  }
0x204: {  	[hbm4b:s1+s2] =	stream.linear.scatter [tilespmem:s9], [sflag:$0x5], $0x8000, $0x38;
	[tilespmem:$0x19900] =	vst v63  }
0x205: {  	_ =	swait.ge [sflag:s8], $0x8000  }
0x206: {  	s31 =	sld [smem:$0x7FC]  }
0x207: {  	[sflag:s8] =	ssyncset.done $0x0  }
0x208: {  	[sflag:s8] =	ssyncadd.s32 $0xFFFF8000  }
0x209: {  	[tilespmem:s9], [sflag:$0x2] =	stream.indirect.gather [hbm4b:s3+s11], $0x80, s31, s11, $0xb8;
	[tilespmem:$0x19900] =	vst v63  }
0x20a: {  	_ =	swait.ge [sflag:s13], $0x8000  }
0x20b: {  	[sflag:s13] =	ssyncset.done $0x0  }
0x20c: {  	s1 =	rddreg [dreg:$0xa];
	[sflag:s13] =	ssyncadd.s32 $0xFFFF8000  }
0x20d: {  	[hbm4b:s1+s2] =	stream.linear.scatter [tilespmem:s7], [sflag:$0x6], $0x8000, $0x38;
	[tilespmem:$0x19900] =	vst v63  }
0x20e: {  	_ =	swait.ge [sflag:s10], $0x8000  }
0x20f: {  	s31 =	sld [smem:$0x7FD]  }
0x210: {  	[sflag:s10] =	ssyncset.done $0x0  }
0x211: {  	[sflag:s10] =	ssyncadd.s32 $0xFFFF8000  }
0x212: {  	[tilespmem:s7], [sflag:$0x3] =	stream.indirect.gather [hbm4b:s3+s11], $0x80, s31, s11, $0xb8;
	[tilespmem:$0x19900] =	vst v63  }
0x213: {  	_ =	swait.ge [sflag:s6], $0x8000  }
0x214: {  	[sflag:s6] =	ssyncset.done $0x0  }
0x215: {  	s1 =	rddreg [dreg:$0xb];
	[sflag:s6] =	ssyncadd.s32 $0xFFFF8000  }
0x216: {  	[hbm4b:s1+s2] =	stream.linear.scatter [tilespmem:s5], [sflag:$0x4], $0x8000, $0x38;
	[tilespmem:$0x19900] =	vst v63  }
0x217: {  	_ =	swait.ge [sflag:s4], $0x8000  }
0x218: {  	[sflag:s4] =	ssyncset.done $0x0  }
0x219: {  	[sflag:s4] =	ssyncadd.s32 $0xFFFF8000  }
0x21a: {  	[tilespmem:s5], [sflag:$0x1] =	stream.indirect.gather [hbm4b:s3+s11], $0x80, s30, s11, $0xb8;
	[tilespmem:$0x19900] =	vst v63  }
0x21b: {  	_ =	swait.ge [sflag:s12], $0x8000  }
0x21c: {  	[sflag:s12] =	ssyncset.done $0x0  }
0x21d: {  	s30 =	rddreg [dreg:$0xc];
	[sflag:s12] =	ssyncadd.s32 $0xFFFF8000  }
0x21e: {  	[hbm4b:s30+s2] =	stream.linear.scatter [tilespmem:s9], [sflag:$0x5], $0x8000, $0x38;
	[tilespmem:$0x19900] =	vst v63  }
0x21f: {  	_ =	swait.ge [sflag:s8], $0x8000  }
0x220: {  	[sflag:s8] =	ssyncset.done $0x0  }
0x221: {  	[sflag:s8] =	ssyncadd.s32 $0xFFFF8000  }
0x222: {  	[tilespmem:s9], [sflag:$0x2] =	stream.indirect.gather [hbm4b:s3+s11], $0x80, s29, s11, $0xb8;
	[tilespmem:$0x19900] =	vst v63  }
0x223: {  	_ =	swait.ge [sflag:s13], $0x8000  }
0x224: {  	[sflag:s13] =	ssyncset.done $0x0  }
0x225: {  	s31 =	rddreg [dreg:$0xd];
	[sflag:s13] =	ssyncadd.s32 $0xFFFF8000  }
0x226: {  	[hbm4b:s31+s2] =	stream.linear.scatter [tilespmem:s7], [sflag:$0x6], $0x8000, $0x38;
	[tilespmem:$0x19900] =	vst v63  }
0x227: {  	_ =	swait.ge [sflag:s10], $0x8000  }
0x228: {  	[sflag:s10] =	ssyncset.done $0x0  }
0x229: {  	[sflag:s10] =	ssyncadd.s32 $0xFFFF8000  }
0x22a: {  	[tilespmem:s7], [sflag:$0x3] =	stream.indirect.gather [hbm4b:s3+s11], $0x80, s28, s11, $0xb8;
	[tilespmem:$0x19900] =	vst v63  }
0x22b: {  	_ =	swait.ge [sflag:s6], $0x8000  }
0x22c: {  	[sflag:s6] =	ssyncset.done $0x0  }
0x22d: {  	s1 =	rddreg [dreg:$0xe];
	[sflag:s6] =	ssyncadd.s32 $0xFFFF8000  }
0x22e: {  	[hbm4b:s1+s2] =	stream.linear.scatter [tilespmem:s5], [sflag:$0x4], $0x8000, $0x38;
	[tilespmem:$0x19900] =	vst v63  }
0x22f: {  	_ =	swait.ge [sflag:s4], $0x8000  }
0x230: {  	[sflag:s4] =	ssyncset.done $0x0  }
0x231: {  	[sflag:s4] =	ssyncadd.s32 $0xFFFF8000  }
0x232: {  	[tilespmem:s5], [sflag:$0x1] =	stream.indirect.gather [hbm4b:s3+s11], $0x80, s26, s11, $0xb8;
	[tilespmem:$0x19900] =	vst v63  }
0x233: {  	_ =	swait.ge [sflag:s12], $0x8000  }
0x234: {  	[sflag:s12] =	ssyncset.done $0x0  }
0x235: {  	s26 =	rddreg [dreg:$0xf];
	[sflag:s12] =	ssyncadd.s32 $0xFFFF8000  }
0x236: {  	[hbm4b:s26+s2] =	stream.linear.scatter [tilespmem:s9], [sflag:$0x5], $0x8000, $0x38;
	[tilespmem:$0x19900] =	vst v63  }
0x237: {  	_ =	swait.ge [sflag:s8], $0x8000  }
0x238: {  	[sflag:s8] =	ssyncset.done $0x0  }
0x239: {  	[sflag:s8] =	ssyncadd.s32 $0xFFFF8000  }
0x23a: {  	[tilespmem:s9], [sflag:$0x2] =	stream.indirect.gather [hbm4b:s3+s11], $0x80, s25, s11, $0xb8;
	[tilespmem:$0x19900] =	vst v63  }
0x23b: {  	_ =	swait.ge [sflag:s13], $0x8000  }
0x23c: {  	[sflag:s13] =	ssyncset.done $0x0  }
0x23d: {  	s28 =	rddreg [dreg:$0x10];
	[sflag:s13] =	ssyncadd.s32 $0xFFFF8000  }
0x23e: {  	[hbm4b:s28+s2] =	stream.linear.scatter [tilespmem:s7], [sflag:$0x6], $0x8000, $0x38;
	[tilespmem:$0x19900] =	vst v63  }
0x23f: {  	_ =	swait.ge [sflag:s10], $0x8000  }
0x240: {  	[sflag:s10] =	ssyncset.done $0x0  }
0x241: {  	[sflag:s10] =	ssyncadd.s32 $0xFFFF8000  }
0x242: {  	[tilespmem:s7], [sflag:$0x3] =	stream.indirect.gather [hbm4b:s3+s11], $0x80, s24, s11, $0xb8;
	[tilespmem:$0x19900] =	vst v63  }
0x243: {  	_ =	swait.ge [sflag:s6], $0x8000  }
0x244: {  	[sflag:s6] =	ssyncset.done $0x0  }
0x245: {  	s29 =	rddreg [dreg:$0x11];
	[sflag:s6] =	ssyncadd.s32 $0xFFFF8000  }
0x246: {  	[hbm4b:s29+s2] =	stream.linear.scatter [tilespmem:s5], [sflag:$0x4], $0x8000, $0x38;
	[tilespmem:$0x19900] =	vst v63  }
0x247: {  	_ =	swait.ge [sflag:s4], $0x8000  }
0x248: {  	[sflag:s4] =	ssyncset.done $0x0  }
0x249: {  	[sflag:s4] =	ssyncadd.s32 $0xFFFF8000  }
0x24a: {  	[tilespmem:s5], [sflag:$0x1] =	stream.indirect.gather [hbm4b:s3+s11], $0x80, s23, s11, $0xb8;
	[tilespmem:$0x19900] =	vst v63  }
0x24b: {  	_ =	swait.ge [sflag:s12], $0x8000  }
0x24c: {  	[sflag:s12] =	ssyncset.done $0x0  }
0x24d: {  	s30 =	rddreg [dreg:$0x12];
	[sflag:s12] =	ssyncadd.s32 $0xFFFF8000  }
0x24e: {  	[hbm4b:s30+s2] =	stream.linear.scatter [tilespmem:s9], [sflag:$0x5], $0x8000, $0x38;
	[tilespmem:$0x19900] =	vst v63  }
0x24f: {  	_ =	swait.ge [sflag:s8], $0x8000  }
0x250: {  	[sflag:s8] =	ssyncset.done $0x0  }
0x251: {  	[sflag:s8] =	ssyncadd.s32 $0xFFFF8000  }
0x252: {  	[tilespmem:s9], [sflag:$0x2] =	stream.indirect.gather [hbm4b:s3+s11], $0x80, s22, s11, $0xb8;
	[tilespmem:$0x19900] =	vst v63  }
0x253: {  	_ =	swait.ge [sflag:s13], $0x8000  }
0x254: {  	[sflag:s13] =	ssyncset.done $0x0  }
0x255: {  	s31 =	rddreg [dreg:$0x13];
	[sflag:s13] =	ssyncadd.s32 $0xFFFF8000  }
0x256: {  	[hbm4b:s31+s2] =	stream.linear.scatter [tilespmem:s7], [sflag:$0x6], $0x8000, $0x38;
	[tilespmem:$0x19900] =	vst v63  }
0x257: {  	_ =	swait.ge [sflag:s10], $0x8000  }
0x258: {  	[sflag:s10] =	ssyncset.done $0x0  }
0x259: {  	[sflag:s10] =	ssyncadd.s32 $0xFFFF8000  }
0x25a: {  	[tilespmem:s7], [sflag:$0x3] =	stream.indirect.gather [hbm4b:s3+s11], $0x80, s21, s11, $0xb8;
	[tilespmem:$0x19900] =	vst v63  }
0x25b: {  	_ =	swait.ge [sflag:s6], $0x8000  }
0x25c: {  	[sflag:s6] =	ssyncset.done $0x0  }
0x25d: {  	s1 =	rddreg [dreg:$0x14];
	[sflag:s6] =	ssyncadd.s32 $0xFFFF8000  }
0x25e: {  	[hbm4b:s1+s2] =	stream.linear.scatter [tilespmem:s5], [sflag:$0x4], $0x8000, $0x38;
	[tilespmem:$0x19900] =	vst v63  }
0x25f: {  	_ =	swait.ge [sflag:s4], $0x8000  }
0x260: {  	[sflag:s4] =	ssyncset.done $0x0  }
0x261: {  	[sflag:s4] =	ssyncadd.s32 $0xFFFF8000  }
0x262: {  	[tilespmem:s5], [sflag:$0x1] =	stream.indirect.gather [hbm4b:s3+s11], $0x80, s20, s11, $0xb8;
	[tilespmem:$0x19900] =	vst v63  }
0x263: {  	_ =	swait.ge [sflag:s12], $0x8000  }
0x264: {  	[sflag:s12] =	ssyncset.done $0x0  }
0x265: {  	s21 =	rddreg [dreg:$0x15];
	[sflag:s12] =	ssyncadd.s32 $0xFFFF8000  }
0x266: {  	[hbm4b:s21+s2] =	stream.linear.scatter [tilespmem:s9], [sflag:$0x5], $0x8000, $0x38;
	[tilespmem:$0x19900] =	vst v63  }
0x267: {  	_ =	swait.ge [sflag:s8], $0x8000  }
0x268: {  	[sflag:s8] =	ssyncset.done $0x0  }
0x269: {  	[sflag:s8] =	ssyncadd.s32 $0xFFFF8000  }
0x26a: {  	[tilespmem:s9], [sflag:$0x2] =	stream.indirect.gather [hbm4b:s3+s11], $0x80, s19, s11, $0xb8;
	[tilespmem:$0x19900] =	vst v63  }
0x26b: {  	_ =	swait.ge [sflag:s13], $0x8000  }
0x26c: {  	[sflag:s13] =	ssyncset.done $0x0  }
0x26d: {  	s22 =	rddreg [dreg:$0x16];
	[sflag:s13] =	ssyncadd.s32 $0xFFFF8000  }
0x26e: {  	[hbm4b:s22+s2] =	stream.linear.scatter [tilespmem:s7], [sflag:$0x6], $0x8000, $0x38;
	[tilespmem:$0x19900] =	vst v63  }
0x26f: {  	_ =	swait.ge [sflag:s10], $0x8000  }
0x270: {  	[sflag:s10] =	ssyncset.done $0x0  }
0x271: {  	[sflag:s10] =	ssyncadd.s32 $0xFFFF8000  }
0x272: {  	[tilespmem:s7], [sflag:$0x3] =	stream.indirect.gather [hbm4b:s3+s11], $0x80, s18, s11, $0xb8;
	[tilespmem:$0x19900] =	vst v63  }
0x273: {  	_ =	swait.ge [sflag:s6], $0x8000  }
0x274: {  	[sflag:s6] =	ssyncset.done $0x0  }
0x275: {  	s23 =	rddreg [dreg:$0x17];
	[sflag:s6] =	ssyncadd.s32 $0xFFFF8000  }
0x276: {  	[hbm4b:s23+s2] =	stream.linear.scatter [tilespmem:s5], [sflag:$0x4], $0x8000, $0x38;
	[tilespmem:$0x19900] =	vst v63  }
0x277: {  	_ =	swait.ge [sflag:s4], $0x8000  }
0x278: {  	[sflag:s4] =	ssyncset.done $0x0  }
0x279: {  	[sflag:s4] =	ssyncadd.s32 $0xFFFF8000  }
0x27a: {  	[tilespmem:s5], [sflag:$0x1] =	stream.indirect.gather [hbm4b:s3+s11], $0x80, s17, s11, $0xb8;
	[tilespmem:$0x19900] =	vst v63  }
0x27b: {  	_ =	swait.ge [sflag:s12], $0x8000  }
0x27c: {  	[sflag:s12] =	ssyncset.done $0x0  }
0x27d: {  	s24 =	rddreg [dreg:$0x18];
	[sflag:s12] =	ssyncadd.s32 $0xFFFF8000  }
0x27e: {  	[hbm4b:s24+s2] =	stream.linear.scatter [tilespmem:s9], [sflag:$0x5], $0x8000, $0x38;
	[tilespmem:$0x19900] =	vst v63  }
0x27f: {  	_ =	swait.ge [sflag:s8], $0x8000  }
0x280: {  	[sflag:s8] =	ssyncset.done $0x0  }
0x281: {  	[sflag:s8] =	ssyncadd.s32 $0xFFFF8000  }
0x282: {  	[tilespmem:s9], [sflag:$0x2] =	stream.indirect.gather [hbm4b:s3+s11], $0x80, s16, s11, $0xb8;
	[tilespmem:$0x19900] =	vst v63  }
0x283: {  	_ =	swait.ge [sflag:s13], $0x8000  }
0x284: {  	[sflag:s13] =	ssyncset.done $0x0  }
0x285: {  	s25 =	rddreg [dreg:$0x19];
	[sflag:s13] =	ssyncadd.s32 $0xFFFF8000  }
0x286: {  	[hbm4b:s25+s2] =	stream.linear.scatter [tilespmem:s7], [sflag:$0x6], $0x8000, $0x38;
	[tilespmem:$0x19900] =	vst v63  }
0x287: {  	_ =	swait.ge [sflag:s10], $0x8000  }
0x288: {  	[sflag:s10] =	ssyncset.done $0x0  }
0x289: {  	[sflag:s10] =	ssyncadd.s32 $0xFFFF8000  }
0x28a: {  	[tilespmem:s7], [sflag:$0x3] =	stream.indirect.gather [hbm4b:s3+s11], $0x80, s15, s11, $0xb8;
	[tilespmem:$0x19900] =	vst v63  }
0x28b: {  	_ =	swait.ge [sflag:s6], $0x8000  }
0x28c: {  	[sflag:s6] =	ssyncset.done $0x0  }
0x28d: {  	s26 =	rddreg [dreg:$0x1a];
	[sflag:s6] =	ssyncadd.s32 $0xFFFF8000  }
0x28e: {  	[hbm4b:s26+s2] =	stream.linear.scatter [tilespmem:s5], [sflag:$0x4], $0x8000, $0x38;
	[tilespmem:$0x19900] =	vst v63  }
0x28f: {  	_ =	swait.ge [sflag:s4], $0x8000  }
0x290: {  	[sflag:s4] =	ssyncset.done $0x0  }
0x291: {  	[sflag:s4] =	ssyncadd.s32 $0xFFFF8000  }
0x292: {  	[tilespmem:s5], [sflag:$0x1] =	stream.indirect.gather [hbm4b:s3+s11], $0x80, s14, s11, $0xb8;
	[tilespmem:$0x19900] =	vst v63  }
0x293: {  	_ =	swait.ge [sflag:s12], $0x8000  }
0x294: {  	[sflag:s12] =	ssyncset.done $0x0  }
0x295: {  	s28 =	rddreg [dreg:$0x1b];
	[sflag:s12] =	ssyncadd.s32 $0xFFFF8000  }
0x296: {  	[hbm4b:s28+s2] =	stream.linear.scatter [tilespmem:s9], [sflag:$0x5], $0x8000, $0x38;
	[tilespmem:$0x19900] =	vst v63  }
0x297: {  	_ =	swait.ge [sflag:s13], $0x8000  }
0x298: {  	[sflag:s13] =	ssyncset.done $0x0  }
0x299: {  	s29 =	rddreg [dreg:$0x1c];
	[sflag:s13] =	ssyncadd.s32 $0xFFFF8000  }
0x29a: {  	[hbm4b:s29+s2] =	stream.linear.scatter [tilespmem:s7], [sflag:$0x6], $0x8000, $0x38;
	[tilespmem:$0x19900] =	vst v63  }
0x29b: {  	_ =	swait.ge [sflag:s6], $0x8000  }
0x29c: {  	[sflag:s6] =	ssyncset.done $0x0  }
0x29d: {  	s30 =	rddreg [dreg:$0x1d];
	[sflag:s6] =	ssyncadd.s32 $0xFFFF8000  }
0x29e: {  	[hbm4b:s30+s2] =	stream.linear.scatter [tilespmem:s5], [sflag:$0x4], $0x8000, $0x38;
	[tilespmem:$0x19900] =	vst v63  }
0x29f: {  	_ =	swait.ge [sflag:s8], $0x8000  }
0x2a0: {  	[sflag:s8] =	ssyncset.done $0x0  }
0x2a1: {  	[sflag:s8] =	ssyncadd.s32 $0xFFFF8000  }
0x2a2: {  	_ =	swait.ge [sflag:s10], $0x8000  }
0x2a3: {  	[sflag:s10] =	ssyncset.done $0x0  }
0x2a4: {  	[sflag:s10] =	ssyncadd.s32 $0xFFFF8000  }
0x2a5: {  	_ =	swait.ge [sflag:s4], $0x8000  }
0x2a6: {  	[sflag:s4] =	ssyncset.done $0x0  }
0x2a7: {  	[sflag:s4] =	ssyncadd.s32 $0xFFFF8000  }
0x2a8: {  	_ =	sfence.sel $0x180000  }
0x2a9: {  	[bflag:$0x0] =	sbarrier.arrive $0xFFFF  }
0x2aa: {  	_ =	strace $0x90000047  }
0x2ab: {  	s31 =	stileid.u32;
	[bflag:$0x2] =	sbarrier.arrive $0xFFFF  }
0x2ac: {  	p0 =	sne.s32 s31, $0x0;
	s0 =	rddreg [dreg:$0x3]  }
0x2ad: {  	s0 =	sadd.s32 @!p0 $0x100000, s0  }
0x2ae: {  	[sflag:s0] =	ssyncadd.tile.s32 @!p0 $0x1;
	_ =	shalt  }
.Lfunc_end2:
_tile_overlayer_lowered:
.L_overlay_start_2:
0x2af: {  	(tag) =	ssettag $0x2  }
0x2b0: {  	s0 =	rddreg [dreg:$0x0];
	s2 =	stileid.u32  }
0x2b1: {  	s1 =	rddreg [dreg:$0x1];
	p0 =	sne.s32 s2, $0x0  }
0x2b2: {  	s3 =	rddreg [dreg:$0x2];
	[bflag:$0x3] =	sbarrier.arrive $0xFFFF;
	s2 =	simm.s32 @!p0 $0x1C07  }
0x2b3: {  	[timem:s3], [sflag:s2] =	dma.local @!p0 [hbm:s0], s1  }
0x2b4: {  	s0 =	simm.s32 @!p0 $0x7  }
0x2b5: {  	_ =	swait.ge @!p0 [sflag:s0], s1  }
0x2b6: {  	s1 =	ssub.s32 @!p0 $0x0, s1;
	[sflag:s0] =	ssyncset.done @!p0 $0x0  }
0x2b7: {  	[sflag:s0] =	ssyncadd.s32 @!p0 s1  }
0x2b8: {  	[bflag:$0x3] =	sbarrier.arrive $0xFFFF  }
0x2b9: {  	_ =	shalt  }

</sc_bundles>
